<compile_context>
chip_gen: v7x
topology: tpu7x:2x2x1
jax: 0.10.2.dev20260603
libtpu: 0.0.44.dev20260713+nightly
codegen_flags: <defaults>
</compile_context>

<pallas_src>
import functools

import jax
import jax.numpy as jnp
from jax import lax
from jax.experimental import pallas as pl
from jax.experimental.pallas import tpu as pltpu
from jax.experimental.pallas import tpu_sc as plsc

_GDN = lax.GatherDimensionNumbers(
    offset_dims=(), collapsed_slice_dims=(0,), start_index_map=(0,))


def _lane_shuffle(x, idx):
    return lax.gather(x, idx[:, None], dimension_numbers=_GDN,
                      slice_sizes=(1,),
                      mode=lax.GatherScatterMode.PROMISE_IN_BOUNDS)


N_NODES = 10000
N_EDGES = 320000
D = 128
L = 16
C = 80

_ORDER = (0, 8, 12, 4, 14, 6, 10, 2, 15, 7, 11, 3, 13, 5, 9, 1)


def _edge_dot(h, src, dst):
    info = plsc.get_sparse_core_info()
    nc, ns = info.num_cores, info.num_subcores
    nw = nc * ns
    ew = N_EDGES // nw
    n_chunks = ew // C

    @functools.partial(
        pl.kernel,
        out_type=jax.ShapeDtypeStruct((N_EDGES,), jnp.float32),
        mesh=plsc.VectorSubcoreMesh(core_axis_name="c", subcore_axis_name="s"),
        scratch_types=[
            pltpu.VMEM((ew,), jnp.int32),
            pltpu.VMEM((ew,), jnp.int32),
            pltpu.VMEM((2 * C, D), jnp.float32),
            pltpu.VMEM((2 * C, D), jnp.float32),
            pltpu.VMEM((ew,), jnp.float32),
            pltpu.SemaphoreType.DMA((2,)),
        ],
    )
    def k(h_ref, src_ref, dst_ref, out_ref,
          idx_s, idx_d, rows_s, rows_d, scores, sem):
        wid = lax.axis_index("s") * nc + lax.axis_index("c")
        ebase = pl.multiple_of(wid * ew, 8)
        pltpu.sync_copy(src_ref.at[pl.ds(ebase, ew)], idx_s)
        pltpu.sync_copy(dst_ref.at[pl.ds(ebase, ew)], idx_d)

        lane = lax.iota(jnp.int32, L)
        rotidx = {k: (lane + k) & (L - 1) for k in (8, 4, 2, 1)}
        mask = {k: (lane % (2 * k)) < k for k in (8, 4, 2, 1)}

        def merge(a, b, k):
            a2 = a + _lane_shuffle(a, rotidx[k])
            b2 = b + _lane_shuffle(b, rotidx[k])
            if k == L // 2:
                return jnp.where(mask[k], a2, b2)
            return jnp.where(mask[k], a2, _lane_shuffle(b2, rotidx[k]))

        def fire(ch, slot):
            eoff = pl.multiple_of(ch * C, 8)
            poff = pl.multiple_of(slot * C, 8)
            s = sem.at[slot]
            pltpu.async_copy(h_ref.at[idx_s.at[pl.ds(eoff, C)]],
                             rows_s.at[pl.ds(poff, C)], s)
            pltpu.async_copy(h_ref.at[idx_d.at[pl.ds(eoff, C)]],
                             rows_d.at[pl.ds(poff, C)], s)

        def drain(ch):
            poff = pl.multiple_of((ch & 1) * C, 8)
            s = sem.at[ch & 1]
            pltpu.make_async_copy(h_ref.at[idx_s.at[pl.ds(0, C)]],
                                  rows_s.at[pl.ds(poff, C)], s).wait()
            pltpu.make_async_copy(h_ref.at[idx_d.at[pl.ds(0, C)]],
                                  rows_d.at[pl.ds(poff, C)], s).wait()

        fire(0, 0)

        def body(ch, carry):
            fire(jnp.minimum(ch + 1, n_chunks - 1), (ch + 1) & 1)
            drain(ch)
            poff = (ch & 1) * C

            def group(eg, carry2):
                base_e = poff + eg * L
                vecs = []
                for s in range(L):
                    ei = base_e + _ORDER[s]
                    prods = [rows_s[ei, pl.ds(j * L, L)]
                             * rows_d[ei, pl.ds(j * L, L)]
                             for j in range(D // L)]
                    while len(prods) > 1:
                        prods = [prods[2 * i] + prods[2 * i + 1]
                                 for i in range(len(prods) // 2)]
                    vecs.append(prods[0])
                k = L // 2
                while len(vecs) > 1:
                    vecs = [merge(vecs[2 * i], vecs[2 * i + 1], k)
                            for i in range(len(vecs) // 2)]
                    k //= 2
                scores[pl.ds(ch * C + eg * L, L)] = vecs[0]
                return carry2

            lax.fori_loop(0, C // L, group, 0)
            return carry

        lax.fori_loop(0, n_chunks, body, 0)
        drain(n_chunks)
        pltpu.sync_copy(scores, out_ref.at[pl.ds(ebase, ew)])

    return k(h, src, dst)


def kernel(h, edge_index):
    ei = edge_index.astype(jnp.int32)
    scores = _edge_dot(h, ei[0], ei[1])
    return scores.reshape(N_EDGES, 1)

# --- scband reference (transcript-rebuilt; emitter-appended) ---
"""Pipeline reference for scband-hetero-dot-product-predictor-1331439862171 (READ-ONLY COPY).

The authoritative reference and input builder live on the scoring server;
editing this copy changes nothing except your own understanding.
"""

import jax, jax.numpy as jnp
import numpy as np


def setup_inputs(seed: int = 0) -> dict:
    key = jax.random.key(seed)
    k1, k2 = jax.random.split(key)
    n_nodes = 10000
    n_edges = 320000
    d_feat = 128
    h = jax.random.normal(k1, (n_nodes, d_feat), dtype=jnp.float32)
    edge_index = jax.random.randint(k2, (2, n_edges), 0, n_nodes, dtype=jnp.int64)
    return {"h": h, "edge_index": edge_index}


def reference(h, edge_index):
    # DGL u_dot_v('h','h','score'): per-edge dot product of src and dst node features.
    # Returns score of shape [E, 1] (DGL keeps a trailing singleton dim).
    src = edge_index[0]
    dst = edge_index[1]
    h_src = jnp.take(h, src, axis=0)
    h_dst = jnp.take(h, dst, axis=0)
    score = jnp.sum(h_src * h_dst, axis=-1, keepdims=True)
    return score

if __name__ == "__main__":
    import jax
    _d = setup_inputs()
    print(jax.jit(kernel)(*tuple(_d.values())))

</pallas_src>

<mosaic_0001>
#map = affine_map<(d0, d1) -> (0, 0)>
#map1 = affine_map<(d0, d1) -> (0)>
module attributes {stable_mosaic.version = 14 : i64} {
  func.func @k(%arg0: i32, %arg1: i32, %arg2: memref<10000x128xf32, #tpu.memory_space<hbm>>, %arg3: memref<320000xi32, #tpu.memory_space<hbm>>, %arg4: memref<320000xi32, #tpu.memory_space<hbm>>, %arg5: memref<320000xf32, #tpu.memory_space<hbm>>, %arg6: memref<10000xi32, #tpu.memory_space<vmem>>, %arg7: memref<10000xi32, #tpu.memory_space<vmem>>, %arg8: memref<160x128xf32, #tpu.memory_space<vmem>>, %arg9: memref<160x128xf32, #tpu.memory_space<vmem>>, %arg10: memref<10000xf32, #tpu.memory_space<vmem>>, %arg11: memref<2x!tpu.dma_semaphore, #tpu.memory_space<semaphore_mem>>) attributes {dimension_semantics = [#tpu.dimension_semantics<core_parallel>, #tpu.dimension_semantics<subcore_parallel>], iteration_bounds = array<i64: 2, 16>, scalar_prefetch = 0 : i64, scratch_operands = 6 : i64, tpu.core_type = #tpu.core_type<sc_vector_subcore>, window_params = [{transform_indices = #map}, {transform_indices = #map1}, {transform_indices = #map1}, {transform_indices = #map1}]} {
    %mul3A = arith.constant 2 : i32
    %mul3A_0 = arith.muli %arg1, %mul3A : i32
    %add3A = arith.addi %mul3A_0, %arg0 : i32
    %mul3A_1 = arith.constant 10000 : i32
    %mul3A_2 = arith.muli %add3A, %mul3A_1 : i32
    %multiple_of3A = tpu.assume_multiple %mul3A_2, 8 : i32
    "tpu.region"() ({
      %run_scoped3A = tpu.sem_alloc : memref<!tpu.dma_semaphore, #tpu.memory_space<semaphore_mem>>
      %dma_start3A_167 = tpu.memref_slice %arg3[%multiple_of3A] : memref<320000xi32, #tpu.memory_space<hbm>> -> memref<10000xi32, #tpu.memory_space<hbm>>
      %dma_start3A_168 = tpu.memref_slice %arg3[%multiple_of3A] : memref<320000xi32, #tpu.memory_space<hbm>> -> memref<10000xi32, #tpu.memory_space<hbm>>
      tpu.enqueue_dma source(%dma_start3A_168 : memref<10000xi32, #tpu.memory_space<hbm>>) target(%arg6 : memref<10000xi32, #tpu.memory_space<vmem>>) target_semaphore(%run_scoped3A : memref<!tpu.dma_semaphore, #tpu.memory_space<semaphore_mem>>)
      %dma_wait3A_169 = tpu.memref_slice %arg3[%multiple_of3A] : memref<320000xi32, #tpu.memory_space<hbm>> -> memref<10000xi32, #tpu.memory_space<hbm>>
      %dma_wait3A_170 = tpu.memref_slice %arg3[%multiple_of3A] : memref<320000xi32, #tpu.memory_space<hbm>> -> memref<10000xi32, #tpu.memory_space<hbm>>
      tpu.wait_dma2 semaphore(%run_scoped3A : memref<!tpu.dma_semaphore, #tpu.memory_space<semaphore_mem>>) src(%dma_wait3A_170 : memref<10000xi32, #tpu.memory_space<hbm>>) dst(%arg6 : memref<10000xi32, #tpu.memory_space<vmem>>)
      tpu.yield
    }) : () -> ()
    "tpu.region"() ({
      %run_scoped3A = tpu.sem_alloc : memref<!tpu.dma_semaphore, #tpu.memory_space<semaphore_mem>>
      %dma_start3A_167 = tpu.memref_slice %arg4[%multiple_of3A] : memref<320000xi32, #tpu.memory_space<hbm>> -> memref<10000xi32, #tpu.memory_space<hbm>>
      %dma_start3A_168 = tpu.memref_slice %arg4[%multiple_of3A] : memref<320000xi32, #tpu.memory_space<hbm>> -> memref<10000xi32, #tpu.memory_space<hbm>>
      tpu.enqueue_dma source(%dma_start3A_168 : memref<10000xi32, #tpu.memory_space<hbm>>) target(%arg7 : memref<10000xi32, #tpu.memory_space<vmem>>) target_semaphore(%run_scoped3A : memref<!tpu.dma_semaphore, #tpu.memory_space<semaphore_mem>>)
      %dma_wait3A_169 = tpu.memref_slice %arg4[%multiple_of3A] : memref<320000xi32, #tpu.memory_space<hbm>> -> memref<10000xi32, #tpu.memory_space<hbm>>
      %dma_wait3A_170 = tpu.memref_slice %arg4[%multiple_of3A] : memref<320000xi32, #tpu.memory_space<hbm>> -> memref<10000xi32, #tpu.memory_space<hbm>>
      tpu.wait_dma2 semaphore(%run_scoped3A : memref<!tpu.dma_semaphore, #tpu.memory_space<semaphore_mem>>) src(%dma_wait3A_170 : memref<10000xi32, #tpu.memory_space<hbm>>) dst(%arg7 : memref<10000xi32, #tpu.memory_space<vmem>>)
      tpu.yield
    }) : () -> ()
    %iota3A = tpu.iota {dimensions = array<i32: 0>} : vector<16xi32>
    %add3A_3 = arith.constant 8 : i32
    %add3A_4 = vector.broadcast %add3A_3 : i32 to vector<16xi32>
    %add3A_5 = arith.addi %iota3A, %add3A_4 : vector<16xi32>
    %and3A = arith.constant 15 : i32
    %and3A_6 = vector.broadcast %and3A : i32 to vector<16xi32>
    %and3A_7 = arith.andi %add3A_5, %and3A_6 : vector<16xi32>
    %add3A_8 = arith.constant 4 : i32
    %add3A_9 = vector.broadcast %add3A_8 : i32 to vector<16xi32>
    %add3A_10 = arith.addi %iota3A, %add3A_9 : vector<16xi32>
    %and3A_11 = arith.constant 15 : i32
    %and3A_12 = vector.broadcast %and3A_11 : i32 to vector<16xi32>
    %and3A_13 = arith.andi %add3A_10, %and3A_12 : vector<16xi32>
    %add3A_14 = arith.constant 2 : i32
    %add3A_15 = vector.broadcast %add3A_14 : i32 to vector<16xi32>
    %add3A_16 = arith.addi %iota3A, %add3A_15 : vector<16xi32>
    %and3A_17 = arith.constant 15 : i32
    %and3A_18 = vector.broadcast %and3A_17 : i32 to vector<16xi32>
    %and3A_19 = arith.andi %add3A_16, %and3A_18 : vector<16xi32>
    %add3A_20 = arith.constant 1 : i32
    %add3A_21 = vector.broadcast %add3A_20 : i32 to vector<16xi32>
    %add3A_22 = arith.addi %iota3A, %add3A_21 : vector<16xi32>
    %and3A_23 = arith.constant 15 : i32
    %and3A_24 = vector.broadcast %and3A_23 : i32 to vector<16xi32>
    %and3A_25 = arith.andi %add3A_22, %and3A_24 : vector<16xi32>
    %jit3A = arith.constant 16 : i32
    %eq3A = arith.constant 0 : i32
    %eq3A_26 = arith.cmpi eq, %jit3A, %eq3A : i32
    %jit3A_27 = arith.constant 1 : i32
    %select_n3A = arith.select %eq3A_26, %jit3A_27, %jit3A : i32
    %rem3A = vector.broadcast %select_n3A : i32 to vector<16xi32>
    %rem3A_28 = arith.remsi %iota3A, %rem3A : vector<16xi32>
    %ne3A = arith.constant 0 : i32
    %ne3A_29 = vector.broadcast %ne3A : i32 to vector<16xi32>
    %ne3A_30 = arith.cmpi ne, %rem3A_28, %ne3A_29 : vector<16xi32>
    %lt3A = arith.constant 0 : i32
    %lt3A_31 = vector.broadcast %lt3A : i32 to vector<16xi32>
    %lt3A_32 = arith.cmpi slt, %rem3A_28, %lt3A_31 : vector<16xi32>
    %lt3A_33 = arith.constant 0 : i32
    %lt3A_34 = arith.cmpi slt, %select_n3A, %lt3A_33 : i32
    %ne3A_35 = vector.broadcast %lt3A_34 : i1 to vector<16xi1>
    %ne3A_36 = vector.broadcast %ne3A_35 : vector<16xi1> to vector<16xi1>
    %ne3A_37 = arith.xori %lt3A_32, %ne3A_36 : vector<16xi1>
    %and3A_38 = arith.andi %ne3A_37, %ne3A_30 : vector<16xi1>
    %add3A_39 = vector.broadcast %select_n3A : i32 to vector<16xi32>
    %add3A_40 = arith.addi %rem3A_28, %add3A_39 : vector<16xi32>
    %select_n3A_41 = arith.select %and3A_38, %add3A_40, %rem3A_28 : vector<16xi1>, vector<16xi32>
    %lt3A_42 = arith.constant 8 : i32
    %lt3A_43 = vector.broadcast %lt3A_42 : i32 to vector<16xi32>
    %lt3A_44 = arith.cmpi slt, %select_n3A_41, %lt3A_43 : vector<16xi32>
    %jit3A_45 = arith.constant 8 : i32
    %eq3A_46 = arith.constant 0 : i32
    %eq3A_47 = arith.cmpi eq, %jit3A_45, %eq3A_46 : i32
    %jit3A_48 = arith.constant 1 : i32
    %select_n3A_49 = arith.select %eq3A_47, %jit3A_48, %jit3A_45 : i32
    %rem3A_50 = vector.broadcast %select_n3A_49 : i32 to vector<16xi32>
    %rem3A_51 = arith.remsi %iota3A, %rem3A_50 : vector<16xi32>
    %ne3A_52 = arith.constant 0 : i32
    %ne3A_53 = vector.broadcast %ne3A_52 : i32 to vector<16xi32>
    %ne3A_54 = arith.cmpi ne, %rem3A_51, %ne3A_53 : vector<16xi32>
    %lt3A_55 = arith.constant 0 : i32
    %lt3A_56 = vector.broadcast %lt3A_55 : i32 to vector<16xi32>
    %lt3A_57 = arith.cmpi slt, %rem3A_51, %lt3A_56 : vector<16xi32>
    %lt3A_58 = arith.constant 0 : i32
    %lt3A_59 = arith.cmpi slt, %select_n3A_49, %lt3A_58 : i32
    %ne3A_60 = vector.broadcast %lt3A_59 : i1 to vector<16xi1>
    %ne3A_61 = vector.broadcast %ne3A_60 : vector<16xi1> to vector<16xi1>
    %ne3A_62 = arith.xori %lt3A_57, %ne3A_61 : vector<16xi1>
    %and3A_63 = arith.andi %ne3A_62, %ne3A_54 : vector<16xi1>
    %add3A_64 = vector.broadcast %select_n3A_49 : i32 to vector<16xi32>
    %add3A_65 = arith.addi %rem3A_51, %add3A_64 : vector<16xi32>
    %select_n3A_66 = arith.select %and3A_63, %add3A_65, %rem3A_51 : vector<16xi1>, vector<16xi32>
    %lt3A_67 = arith.constant 4 : i32
    %lt3A_68 = vector.broadcast %lt3A_67 : i32 to vector<16xi32>
    %lt3A_69 = arith.cmpi slt, %select_n3A_66, %lt3A_68 : vector<16xi32>
    %jit3A_70 = arith.constant 4 : i32
    %eq3A_71 = arith.constant 0 : i32
    %eq3A_72 = arith.cmpi eq, %jit3A_70, %eq3A_71 : i32
    %jit3A_73 = arith.constant 1 : i32
    %select_n3A_74 = arith.select %eq3A_72, %jit3A_73, %jit3A_70 : i32
    %rem3A_75 = vector.broadcast %select_n3A_74 : i32 to vector<16xi32>
    %rem3A_76 = arith.remsi %iota3A, %rem3A_75 : vector<16xi32>
    %ne3A_77 = arith.constant 0 : i32
    %ne3A_78 = vector.broadcast %ne3A_77 : i32 to vector<16xi32>
    %ne3A_79 = arith.cmpi ne, %rem3A_76, %ne3A_78 : vector<16xi32>
    %lt3A_80 = arith.constant 0 : i32
    %lt3A_81 = vector.broadcast %lt3A_80 : i32 to vector<16xi32>
    %lt3A_82 = arith.cmpi slt, %rem3A_76, %lt3A_81 : vector<16xi32>
    %lt3A_83 = arith.constant 0 : i32
    %lt3A_84 = arith.cmpi slt, %select_n3A_74, %lt3A_83 : i32
    %ne3A_85 = vector.broadcast %lt3A_84 : i1 to vector<16xi1>
    %ne3A_86 = vector.broadcast %ne3A_85 : vector<16xi1> to vector<16xi1>
    %ne3A_87 = arith.xori %lt3A_82, %ne3A_86 : vector<16xi1>
    %and3A_88 = arith.andi %ne3A_87, %ne3A_79 : vector<16xi1>
    %add3A_89 = vector.broadcast %select_n3A_74 : i32 to vector<16xi32>
    %add3A_90 = arith.addi %rem3A_76, %add3A_89 : vector<16xi32>
    %select_n3A_91 = arith.select %and3A_88, %add3A_90, %rem3A_76 : vector<16xi1>, vector<16xi32>
    %lt3A_92 = arith.constant 2 : i32
    %lt3A_93 = vector.broadcast %lt3A_92 : i32 to vector<16xi32>
    %lt3A_94 = arith.cmpi slt, %select_n3A_91, %lt3A_93 : vector<16xi32>
    %jit3A_95 = arith.constant 2 : i32
    %eq3A_96 = arith.constant 0 : i32
    %eq3A_97 = arith.cmpi eq, %jit3A_95, %eq3A_96 : i32
    %jit3A_98 = arith.constant 1 : i32
    %select_n3A_99 = arith.select %eq3A_97, %jit3A_98, %jit3A_95 : i32
    %rem3A_100 = vector.broadcast %select_n3A_99 : i32 to vector<16xi32>
    %rem3A_101 = arith.remsi %iota3A, %rem3A_100 : vector<16xi32>
    %ne3A_102 = arith.constant 0 : i32
    %ne3A_103 = vector.broadcast %ne3A_102 : i32 to vector<16xi32>
    %ne3A_104 = arith.cmpi ne, %rem3A_101, %ne3A_103 : vector<16xi32>
    %lt3A_105 = arith.constant 0 : i32
    %lt3A_106 = vector.broadcast %lt3A_105 : i32 to vector<16xi32>
    %lt3A_107 = arith.cmpi slt, %rem3A_101, %lt3A_106 : vector<16xi32>
    %lt3A_108 = arith.constant 0 : i32
    %lt3A_109 = arith.cmpi slt, %select_n3A_99, %lt3A_108 : i32
    %ne3A_110 = vector.broadcast %lt3A_109 : i1 to vector<16xi1>
    %ne3A_111 = vector.broadcast %ne3A_110 : vector<16xi1> to vector<16xi1>
    %ne3A_112 = arith.xori %lt3A_107, %ne3A_111 : vector<16xi1>
    %and3A_113 = arith.andi %ne3A_112, %ne3A_104 : vector<16xi1>
    %add3A_114 = vector.broadcast %select_n3A_99 : i32 to vector<16xi32>
    %add3A_115 = arith.addi %rem3A_101, %add3A_114 : vector<16xi32>
    %select_n3A_116 = arith.select %and3A_113, %add3A_115, %rem3A_101 : vector<16xi1>, vector<16xi32>
    %lt3A_117 = arith.constant 1 : i32
    %lt3A_118 = vector.broadcast %lt3A_117 : i32 to vector<16xi32>
    %lt3A_119 = arith.cmpi slt, %select_n3A_116, %lt3A_118 : vector<16xi32>
    %multiple_of3A_120 = arith.constant 0 : i32
    %multiple_of3A_121 = tpu.assume_multiple %multiple_of3A_120, 8 : i32
    %multiple_of3A_122 = arith.constant 0 : i32
    %multiple_of3A_123 = tpu.assume_multiple %multiple_of3A_122, 8 : i32
    %dma_start3A = arith.constant 0 : i32
    %dma_start3A_124 = arith.constant 0 : i32
    %dma_start3A_125 = tpu.memref_slice %arg8[%multiple_of3A_123, %dma_start3A_124] : memref<160x128xf32, #tpu.memory_space<vmem>> -> memref<80x128xf32, #tpu.memory_space<vmem>>
    %dma_start3A_126 = tpu.memref_slice %arg6[%multiple_of3A_121] : memref<10000xi32, #tpu.memory_space<vmem>> -> memref<80xi32, #tpu.memory_space<vmem>>
    %dma_start3A_127 = arith.constant 0 : i32
    %dma_start3A_128 = arith.constant 0 : i32
    %dma_start3A_129 = tpu.memref_slice %arg2[%dma_start3A_127, %dma_start3A_128] : memref<10000x128xf32, #tpu.memory_space<hbm>> -> memref<10000x128xf32, #tpu.memory_space<hbm>>
    %dma_start3A_130 = tpu.memref_slice %arg11[%dma_start3A] : memref<2x!tpu.dma_semaphore, #tpu.memory_space<semaphore_mem>> -> memref<1x!tpu.dma_semaphore, #tpu.memory_space<semaphore_mem>>
    %dma_start3A_131 = tpu.memref_squeeze %dma_start3A_130 : memref<1x!tpu.dma_semaphore, #tpu.memory_space<semaphore_mem>> -> memref<!tpu.dma_semaphore, #tpu.memory_space<semaphore_mem>>
    tpu.enqueue_indirect_dma source(%dma_start3A_129 : memref<10000x128xf32, #tpu.memory_space<hbm>>) target(%dma_start3A_125 : memref<80x128xf32, #tpu.memory_space<vmem>>) offsets(%dma_start3A_126 : memref<80xi32, #tpu.memory_space<vmem>>) semaphore(%dma_start3A_131 : memref<!tpu.dma_semaphore, #tpu.memory_space<semaphore_mem>>)
    %dma_start3A_132 = arith.constant 0 : i32
    %dma_start3A_133 = arith.constant 0 : i32
    %dma_start3A_134 = tpu.memref_slice %arg9[%multiple_of3A_123, %dma_start3A_133] : memref<160x128xf32, #tpu.memory_space<vmem>> -> memref<80x128xf32, #tpu.memory_space<vmem>>
    %dma_start3A_135 = tpu.memref_slice %arg7[%multiple_of3A_121] : memref<10000xi32, #tpu.memory_space<vmem>> -> memref<80xi32, #tpu.memory_space<vmem>>
    %dma_start3A_136 = arith.constant 0 : i32
    %dma_start3A_137 = arith.constant 0 : i32
    %dma_start3A_138 = tpu.memref_slice %arg2[%dma_start3A_136, %dma_start3A_137] : memref<10000x128xf32, #tpu.memory_space<hbm>> -> memref<10000x128xf32, #tpu.memory_space<hbm>>
    %dma_start3A_139 = tpu.memref_slice %arg11[%dma_start3A_132] : memref<2x!tpu.dma_semaphore, #tpu.memory_space<semaphore_mem>> -> memref<1x!tpu.dma_semaphore, #tpu.memory_space<semaphore_mem>>
    %dma_start3A_140 = tpu.memref_squeeze %dma_start3A_139 : memref<1x!tpu.dma_semaphore, #tpu.memory_space<semaphore_mem>> -> memref<!tpu.dma_semaphore, #tpu.memory_space<semaphore_mem>>
    tpu.enqueue_indirect_dma source(%dma_start3A_138 : memref<10000x128xf32, #tpu.memory_space<hbm>>) target(%dma_start3A_134 : memref<80x128xf32, #tpu.memory_space<vmem>>) offsets(%dma_start3A_135 : memref<80xi32, #tpu.memory_space<vmem>>) semaphore(%dma_start3A_140 : memref<!tpu.dma_semaphore, #tpu.memory_space<semaphore_mem>>)
    %scan3A = arith.constant 0 : i32
    %scan3A_141 = arith.constant 0 : i32
    %scan3A_142 = arith.constant 125 : i32
    %scan3A_143 = arith.addi %scan3A_141, %scan3A_142 : i32
    %scan3A_144 = arith.constant 1 : i32
    scf.for %scan3A_167 = %scan3A_141 to %scan3A_143 step %scan3A_144  : i32 {
      %add3A_168 = arith.constant 1 : i32
      %add3A_169 = arith.addi %scan3A_167, %add3A_168 : i32
      %min3A = arith.constant 124 : i32
      %min3A_170 = arith.minsi %add3A_169, %min3A : i32
      %add3A_171 = arith.constant 1 : i32
      %add3A_172 = arith.addi %scan3A_167, %add3A_171 : i32
      %and3A_173 = arith.constant 1 : i32
      %and3A_174 = arith.andi %add3A_172, %and3A_173 : i32
      %mul3A_175 = arith.constant 80 : i32
      %mul3A_176 = arith.muli %min3A_170, %mul3A_175 : i32
      %multiple_of3A_177 = tpu.assume_multiple %mul3A_176, 8 : i32
      %mul3A_178 = arith.constant 80 : i32
      %mul3A_179 = arith.muli %and3A_174, %mul3A_178 : i32
      %multiple_of3A_180 = tpu.assume_multiple %mul3A_179, 8 : i32
      %dma_start3A_181 = arith.constant 0 : i32
      %dma_start3A_182 = tpu.memref_slice %arg8[%multiple_of3A_180, %dma_start3A_181] : memref<160x128xf32, #tpu.memory_space<vmem>> -> memref<80x128xf32, #tpu.memory_space<vmem>>
      %dma_start3A_183 = tpu.memref_slice %arg6[%multiple_of3A_177] : memref<10000xi32, #tpu.memory_space<vmem>> -> memref<80xi32, #tpu.memory_space<vmem>>
      %dma_start3A_184 = arith.constant 0 : i32
      %dma_start3A_185 = arith.constant 0 : i32
      %dma_start3A_186 = tpu.memref_slice %arg2[%dma_start3A_184, %dma_start3A_185] : memref<10000x128xf32, #tpu.memory_space<hbm>> -> memref<10000x128xf32, #tpu.memory_space<hbm>>
      %dma_start3A_187 = tpu.memref_slice %arg11[%and3A_174] : memref<2x!tpu.dma_semaphore, #tpu.memory_space<semaphore_mem>> -> memref<1x!tpu.dma_semaphore, #tpu.memory_space<semaphore_mem>>
      %dma_start3A_188 = tpu.memref_squeeze %dma_start3A_187 : memref<1x!tpu.dma_semaphore, #tpu.memory_space<semaphore_mem>> -> memref<!tpu.dma_semaphore, #tpu.memory_space<semaphore_mem>>
      tpu.enqueue_indirect_dma source(%dma_start3A_186 : memref<10000x128xf32, #tpu.memory_space<hbm>>) target(%dma_start3A_182 : memref<80x128xf32, #tpu.memory_space<vmem>>) offsets(%dma_start3A_183 : memref<80xi32, #tpu.memory_space<vmem>>) semaphore(%dma_start3A_188 : memref<!tpu.dma_semaphore, #tpu.memory_space<semaphore_mem>>)
      %dma_start3A_189 = arith.constant 0 : i32
      %dma_start3A_190 = tpu.memref_slice %arg9[%multiple_of3A_180, %dma_start3A_189] : memref<160x128xf32, #tpu.memory_space<vmem>> -> memref<80x128xf32, #tpu.memory_space<vmem>>
      %dma_start3A_191 = tpu.memref_slice %arg7[%multiple_of3A_177] : memref<10000xi32, #tpu.memory_space<vmem>> -> memref<80xi32, #tpu.memory_space<vmem>>
      %dma_start3A_192 = arith.constant 0 : i32
      %dma_start3A_193 = arith.constant 0 : i32
      %dma_start3A_194 = tpu.memref_slice %arg2[%dma_start3A_192, %dma_start3A_193] : memref<10000x128xf32, #tpu.memory_space<hbm>> -> memref<10000x128xf32, #tpu.memory_space<hbm>>
      %dma_start3A_195 = tpu.memref_slice %arg11[%and3A_174] : memref<2x!tpu.dma_semaphore, #tpu.memory_space<semaphore_mem>> -> memref<1x!tpu.dma_semaphore, #tpu.memory_space<semaphore_mem>>
      %dma_start3A_196 = tpu.memref_squeeze %dma_start3A_195 : memref<1x!tpu.dma_semaphore, #tpu.memory_space<semaphore_mem>> -> memref<!tpu.dma_semaphore, #tpu.memory_space<semaphore_mem>>
      tpu.enqueue_indirect_dma source(%dma_start3A_194 : memref<10000x128xf32, #tpu.memory_space<hbm>>) target(%dma_start3A_190 : memref<80x128xf32, #tpu.memory_space<vmem>>) offsets(%dma_start3A_191 : memref<80xi32, #tpu.memory_space<vmem>>) semaphore(%dma_start3A_196 : memref<!tpu.dma_semaphore, #tpu.memory_space<semaphore_mem>>)
      %and3A_197 = arith.constant 1 : i32
      %and3A_198 = arith.andi %scan3A_167, %and3A_197 : i32
      %mul3A_199 = arith.constant 80 : i32
      %mul3A_200 = arith.muli %and3A_198, %mul3A_199 : i32
      %multiple_of3A_201 = tpu.assume_multiple %mul3A_200, 8 : i32
      %and3A_202 = arith.constant 1 : i32
      %and3A_203 = arith.andi %scan3A_167, %and3A_202 : i32
      %dma_wait3A_204 = arith.constant 0 : i32
      %dma_wait3A_205 = tpu.memref_slice %arg8[%multiple_of3A_201, %dma_wait3A_204] : memref<160x128xf32, #tpu.memory_space<vmem>> -> memref<80x128xf32, #tpu.memory_space<vmem>>
      %dma_wait3A_206 = arith.constant 0 : i32
      %dma_wait3A_207 = tpu.memref_slice %arg6[%dma_wait3A_206] : memref<10000xi32, #tpu.memory_space<vmem>> -> memref<80xi32, #tpu.memory_space<vmem>>
      %dma_wait3A_208 = arith.constant 0 : i32
      %dma_wait3A_209 = arith.constant 0 : i32
      %dma_wait3A_210 = tpu.memref_slice %arg2[%dma_wait3A_208, %dma_wait3A_209] : memref<10000x128xf32, #tpu.memory_space<hbm>> -> memref<10000x128xf32, #tpu.memory_space<hbm>>
      %dma_wait3A_211 = tpu.memref_slice %arg11[%and3A_203] : memref<2x!tpu.dma_semaphore, #tpu.memory_space<semaphore_mem>> -> memref<1x!tpu.dma_semaphore, #tpu.memory_space<semaphore_mem>>
      %dma_wait3A_212 = tpu.memref_squeeze %dma_wait3A_211 : memref<1x!tpu.dma_semaphore, #tpu.memory_space<semaphore_mem>> -> memref<!tpu.dma_semaphore, #tpu.memory_space<semaphore_mem>>
      tpu.wait_indirect_dma semaphore(%dma_wait3A_212 : memref<!tpu.dma_semaphore, #tpu.memory_space<semaphore_mem>>) src(%dma_wait3A_210 : memref<10000x128xf32, #tpu.memory_space<hbm>>) dst(%dma_wait3A_205 : memref<80x128xf32, #tpu.memory_space<vmem>>)
      %dma_wait3A_213 = arith.constant 0 : i32
      %dma_wait3A_214 = tpu.memref_slice %arg9[%multiple_of3A_201, %dma_wait3A_213] : memref<160x128xf32, #tpu.memory_space<vmem>> -> memref<80x128xf32, #tpu.memory_space<vmem>>
      %dma_wait3A_215 = arith.constant 0 : i32
      %dma_wait3A_216 = tpu.memref_slice %arg7[%dma_wait3A_215] : memref<10000xi32, #tpu.memory_space<vmem>> -> memref<80xi32, #tpu.memory_space<vmem>>
      %dma_wait3A_217 = arith.constant 0 : i32
      %dma_wait3A_218 = arith.constant 0 : i32
      %dma_wait3A_219 = tpu.memref_slice %arg2[%dma_wait3A_217, %dma_wait3A_218] : memref<10000x128xf32, #tpu.memory_space<hbm>> -> memref<10000x128xf32, #tpu.memory_space<hbm>>
      %dma_wait3A_220 = tpu.memref_slice %arg11[%and3A_203] : memref<2x!tpu.dma_semaphore, #tpu.memory_space<semaphore_mem>> -> memref<1x!tpu.dma_semaphore, #tpu.memory_space<semaphore_mem>>
      %dma_wait3A_221 = tpu.memref_squeeze %dma_wait3A_220 : memref<1x!tpu.dma_semaphore, #tpu.memory_space<semaphore_mem>> -> memref<!tpu.dma_semaphore, #tpu.memory_space<semaphore_mem>>
      tpu.wait_indirect_dma semaphore(%dma_wait3A_221 : memref<!tpu.dma_semaphore, #tpu.memory_space<semaphore_mem>>) src(%dma_wait3A_219 : memref<10000x128xf32, #tpu.memory_space<hbm>>) dst(%dma_wait3A_214 : memref<80x128xf32, #tpu.memory_space<vmem>>)
      %and3A_222 = arith.constant 1 : i32
      %and3A_223 = arith.andi %scan3A_167, %and3A_222 : i32
      %mul3A_224 = arith.constant 80 : i32
      %mul3A_225 = arith.muli %and3A_223, %mul3A_224 : i32
      %scan3A_226 = arith.constant 0 : i32
      %scan3A_227 = arith.constant 0 : i32
      %scan3A_228 = arith.constant 5 : i32
      %scan3A_229 = arith.addi %scan3A_227, %scan3A_228 : i32
      %scan3A_230 = arith.constant 1 : i32
      scf.for %scan3A_232 = %scan3A_227 to %scan3A_229 step %scan3A_230  : i32 {
        %mul3A_233 = arith.constant 16 : i32
        %mul3A_234 = arith.muli %scan3A_232, %mul3A_233 : i32
        %add3A_235 = arith.addi %mul3A_225, %mul3A_234 : i32
        %add3A_236 = arith.constant 0 : i32
        %add3A_237 = arith.addi %add3A_235, %add3A_236 : i32
        %get3A = arith.index_cast %add3A_237 : i32 to index
        %get3A_238 = arith.constant 0 : index
        %get3A_239 = tpu.vector_load %arg8[%get3A, %get3A_238] {strides = array<i32>} : memref<160x128xf32, #tpu.memory_space<vmem>>, vector<1x16xf32>,
        %get3A_240 = vector.shape_cast %get3A_239 : vector<1x16xf32> to vector<16xf32>
        %get3A_241 = arith.index_cast %add3A_237 : i32 to index
        %get3A_242 = arith.constant 0 : index
        %get3A_243 = tpu.vector_load %arg9[%get3A_241, %get3A_242] {strides = array<i32>} : memref<160x128xf32, #tpu.memory_space<vmem>>, vector<1x16xf32>,
        %get3A_244 = vector.shape_cast %get3A_243 : vector<1x16xf32> to vector<16xf32>
        %mul3A_245 = arith.mulf %get3A_240, %get3A_244 : vector<16xf32>
        %get3A_246 = arith.index_cast %add3A_237 : i32 to index
        %get3A_247 = arith.constant 16 : index
        %get3A_248 = tpu.vector_load %arg8[%get3A_246, %get3A_247] {strides = array<i32>} : memref<160x128xf32, #tpu.memory_space<vmem>>, vector<1x16xf32>,
        %get3A_249 = vector.shape_cast %get3A_248 : vector<1x16xf32> to vector<16xf32>
        %get3A_250 = arith.index_cast %add3A_237 : i32 to index
        %get3A_251 = arith.constant 16 : index
        %get3A_252 = tpu.vector_load %arg9[%get3A_250, %get3A_251] {strides = array<i32>} : memref<160x128xf32, #tpu.memory_space<vmem>>, vector<1x16xf32>,
        %get3A_253 = vector.shape_cast %get3A_252 : vector<1x16xf32> to vector<16xf32>
        %mul3A_254 = arith.mulf %get3A_249, %get3A_253 : vector<16xf32>
        %get3A_255 = arith.index_cast %add3A_237 : i32 to index
        %get3A_256 = arith.constant 32 : index
        %get3A_257 = tpu.vector_load %arg8[%get3A_255, %get3A_256] {strides = array<i32>} : memref<160x128xf32, #tpu.memory_space<vmem>>, vector<1x16xf32>,
        %get3A_258 = vector.shape_cast %get3A_257 : vector<1x16xf32> to vector<16xf32>
        %get3A_259 = arith.index_cast %add3A_237 : i32 to index
        %get3A_260 = arith.constant 32 : index
        %get3A_261 = tpu.vector_load %arg9[%get3A_259, %get3A_260] {strides = array<i32>} : memref<160x128xf32, #tpu.memory_space<vmem>>, vector<1x16xf32>,
        %get3A_262 = vector.shape_cast %get3A_261 : vector<1x16xf32> to vector<16xf32>
        %mul3A_263 = arith.mulf %get3A_258, %get3A_262 : vector<16xf32>
        %get3A_264 = arith.index_cast %add3A_237 : i32 to index
        %get3A_265 = arith.constant 48 : index
        %get3A_266 = tpu.vector_load %arg8[%get3A_264, %get3A_265] {strides = array<i32>} : memref<160x128xf32, #tpu.memory_space<vmem>>, vector<1x16xf32>,
        %get3A_267 = vector.shape_cast %get3A_266 : vector<1x16xf32> to vector<16xf32>
        %get3A_268 = arith.index_cast %add3A_237 : i32 to index
        %get3A_269 = arith.constant 48 : index
        %get3A_270 = tpu.vector_load %arg9[%get3A_268, %get3A_269] {strides = array<i32>} : memref<160x128xf32, #tpu.memory_space<vmem>>, vector<1x16xf32>,
        %get3A_271 = vector.shape_cast %get3A_270 : vector<1x16xf32> to vector<16xf32>
        %mul3A_272 = arith.mulf %get3A_267, %get3A_271 : vector<16xf32>
        %get3A_273 = arith.index_cast %add3A_237 : i32 to index
        %get3A_274 = arith.constant 64 : index
        %get3A_275 = tpu.vector_load %arg8[%get3A_273, %get3A_274] {strides = array<i32>} : memref<160x128xf32, #tpu.memory_space<vmem>>, vector<1x16xf32>,
        %get3A_276 = vector.shape_cast %get3A_275 : vector<1x16xf32> to vector<16xf32>
        %get3A_277 = arith.index_cast %add3A_237 : i32 to index
        %get3A_278 = arith.constant 64 : index
        %get3A_279 = tpu.vector_load %arg9[%get3A_277, %get3A_278] {strides = array<i32>} : memref<160x128xf32, #tpu.memory_space<vmem>>, vector<1x16xf32>,
        %get3A_280 = vector.shape_cast %get3A_279 : vector<1x16xf32> to vector<16xf32>
        %mul3A_281 = arith.mulf %get3A_276, %get3A_280 : vector<16xf32>
        %get3A_282 = arith.index_cast %add3A_237 : i32 to index
        %get3A_283 = arith.constant 80 : index
        %get3A_284 = tpu.vector_load %arg8[%get3A_282, %get3A_283] {strides = array<i32>} : memref<160x128xf32, #tpu.memory_space<vmem>>, vector<1x16xf32>,
        %get3A_285 = vector.shape_cast %get3A_284 : vector<1x16xf32> to vector<16xf32>
        %get3A_286 = arith.index_cast %add3A_237 : i32 to index
        %get3A_287 = arith.constant 80 : index
        %get3A_288 = tpu.vector_load %arg9[%get3A_286, %get3A_287] {strides = array<i32>} : memref<160x128xf32, #tpu.memory_space<vmem>>, vector<1x16xf32>,
        %get3A_289 = vector.shape_cast %get3A_288 : vector<1x16xf32> to vector<16xf32>
        %mul3A_290 = arith.mulf %get3A_285, %get3A_289 : vector<16xf32>
        %get3A_291 = arith.index_cast %add3A_237 : i32 to index
        %get3A_292 = arith.constant 96 : index
        %get3A_293 = tpu.vector_load %arg8[%get3A_291, %get3A_292] {strides = array<i32>} : memref<160x128xf32, #tpu.memory_space<vmem>>, vector<1x16xf32>,
        %get3A_294 = vector.shape_cast %get3A_293 : vector<1x16xf32> to vector<16xf32>
        %get3A_295 = arith.index_cast %add3A_237 : i32 to index
        %get3A_296 = arith.constant 96 : index
        %get3A_297 = tpu.vector_load %arg9[%get3A_295, %get3A_296] {strides = array<i32>} : memref<160x128xf32, #tpu.memory_space<vmem>>, vector<1x16xf32>,
        %get3A_298 = vector.shape_cast %get3A_297 : vector<1x16xf32> to vector<16xf32>
        %mul3A_299 = arith.mulf %get3A_294, %get3A_298 : vector<16xf32>
        %get3A_300 = arith.index_cast %add3A_237 : i32 to index
        %get3A_301 = arith.constant 112 : index
        %get3A_302 = tpu.vector_load %arg8[%get3A_300, %get3A_301] {strides = array<i32>} : memref<160x128xf32, #tpu.memory_space<vmem>>, vector<1x16xf32>,
        %get3A_303 = vector.shape_cast %get3A_302 : vector<1x16xf32> to vector<16xf32>
        %get3A_304 = arith.index_cast %add3A_237 : i32 to index
        %get3A_305 = arith.constant 112 : index
        %get3A_306 = tpu.vector_load %arg9[%get3A_304, %get3A_305] {strides = array<i32>} : memref<160x128xf32, #tpu.memory_space<vmem>>, vector<1x16xf32>,
        %get3A_307 = vector.shape_cast %get3A_306 : vector<1x16xf32> to vector<16xf32>
        %mul3A_308 = arith.mulf %get3A_303, %get3A_307 : vector<16xf32>
        %add3A_309 = arith.addf %mul3A_245, %mul3A_254 : vector<16xf32>
        %add3A_310 = arith.addf %mul3A_263, %mul3A_272 : vector<16xf32>
        %add3A_311 = arith.addf %mul3A_281, %mul3A_290 : vector<16xf32>
        %add3A_312 = arith.addf %mul3A_299, %mul3A_308 : vector<16xf32>
        %add3A_313 = arith.addf %add3A_309, %add3A_310 : vector<16xf32>
        %add3A_314 = arith.addf %add3A_311, %add3A_312 : vector<16xf32>
        %add3A_315 = arith.addf %add3A_313, %add3A_314 : vector<16xf32>
        %add3A_316 = arith.constant 8 : i32
        %add3A_317 = arith.addi %add3A_235, %add3A_316 : i32
        %get3A_318 = arith.index_cast %add3A_317 : i32 to index
        %get3A_319 = arith.constant 0 : index
        %get3A_320 = tpu.vector_load %arg8[%get3A_318, %get3A_319] {strides = array<i32>} : memref<160x128xf32, #tpu.memory_space<vmem>>, vector<1x16xf32>,
        %get3A_321 = vector.shape_cast %get3A_320 : vector<1x16xf32> to vector<16xf32>
        %get3A_322 = arith.index_cast %add3A_317 : i32 to index
        %get3A_323 = arith.constant 0 : index
        %get3A_324 = tpu.vector_load %arg9[%get3A_322, %get3A_323] {strides = array<i32>} : memref<160x128xf32, #tpu.memory_space<vmem>>, vector<1x16xf32>,
        %get3A_325 = vector.shape_cast %get3A_324 : vector<1x16xf32> to vector<16xf32>
        %mul3A_326 = arith.mulf %get3A_321, %get3A_325 : vector<16xf32>
        %get3A_327 = arith.index_cast %add3A_317 : i32 to index
        %get3A_328 = arith.constant 16 : index
        %get3A_329 = tpu.vector_load %arg8[%get3A_327, %get3A_328] {strides = array<i32>} : memref<160x128xf32, #tpu.memory_space<vmem>>, vector<1x16xf32>,
        %get3A_330 = vector.shape_cast %get3A_329 : vector<1x16xf32> to vector<16xf32>
        %get3A_331 = arith.index_cast %add3A_317 : i32 to index
        %get3A_332 = arith.constant 16 : index
        %get3A_333 = tpu.vector_load %arg9[%get3A_331, %get3A_332] {strides = array<i32>} : memref<160x128xf32, #tpu.memory_space<vmem>>, vector<1x16xf32>,
        %get3A_334 = vector.shape_cast %get3A_333 : vector<1x16xf32> to vector<16xf32>
        %mul3A_335 = arith.mulf %get3A_330, %get3A_334 : vector<16xf32>
        %get3A_336 = arith.index_cast %add3A_317 : i32 to index
        %get3A_337 = arith.constant 32 : index
        %get3A_338 = tpu.vector_load %arg8[%get3A_336, %get3A_337] {strides = array<i32>} : memref<160x128xf32, #tpu.memory_space<vmem>>, vector<1x16xf32>,
        %get3A_339 = vector.shape_cast %get3A_338 : vector<1x16xf32> to vector<16xf32>
        %get3A_340 = arith.index_cast %add3A_317 : i32 to index
        %get3A_341 = arith.constant 32 : index
        %get3A_342 = tpu.vector_load %arg9[%get3A_340, %get3A_341] {strides = array<i32>} : memref<160x128xf32, #tpu.memory_space<vmem>>, vector<1x16xf32>,
        %get3A_343 = vector.shape_cast %get3A_342 : vector<1x16xf32> to vector<16xf32>
        %mul3A_344 = arith.mulf %get3A_339, %get3A_343 : vector<16xf32>
        %get3A_345 = arith.index_cast %add3A_317 : i32 to index
        %get3A_346 = arith.constant 48 : index
        %get3A_347 = tpu.vector_load %arg8[%get3A_345, %get3A_346] {strides = array<i32>} : memref<160x128xf32, #tpu.memory_space<vmem>>, vector<1x16xf32>,
        %get3A_348 = vector.shape_cast %get3A_347 : vector<1x16xf32> to vector<16xf32>
        %get3A_349 = arith.index_cast %add3A_317 : i32 to index
        %get3A_350 = arith.constant 48 : index
        %get3A_351 = tpu.vector_load %arg9[%get3A_349, %get3A_350] {strides = array<i32>} : memref<160x128xf32, #tpu.memory_space<vmem>>, vector<1x16xf32>,
        %get3A_352 = vector.shape_cast %get3A_351 : vector<1x16xf32> to vector<16xf32>
        %mul3A_353 = arith.mulf %get3A_348, %get3A_352 : vector<16xf32>
        %get3A_354 = arith.index_cast %add3A_317 : i32 to index
        %get3A_355 = arith.constant 64 : index
        %get3A_356 = tpu.vector_load %arg8[%get3A_354, %get3A_355] {strides = array<i32>} : memref<160x128xf32, #tpu.memory_space<vmem>>, vector<1x16xf32>,
        %get3A_357 = vector.shape_cast %get3A_356 : vector<1x16xf32> to vector<16xf32>
        %get3A_358 = arith.index_cast %add3A_317 : i32 to index
        %get3A_359 = arith.constant 64 : index
        %get3A_360 = tpu.vector_load %arg9[%get3A_358, %get3A_359] {strides = array<i32>} : memref<160x128xf32, #tpu.memory_space<vmem>>, vector<1x16xf32>,
        %get3A_361 = vector.shape_cast %get3A_360 : vector<1x16xf32> to vector<16xf32>
        %mul3A_362 = arith.mulf %get3A_357, %get3A_361 : vector<16xf32>
        %get3A_363 = arith.index_cast %add3A_317 : i32 to index
        %get3A_364 = arith.constant 80 : index
        %get3A_365 = tpu.vector_load %arg8[%get3A_363, %get3A_364] {strides = array<i32>} : memref<160x128xf32, #tpu.memory_space<vmem>>, vector<1x16xf32>,
        %get3A_366 = vector.shape_cast %get3A_365 : vector<1x16xf32> to vector<16xf32>
        %get3A_367 = arith.index_cast %add3A_317 : i32 to index
        %get3A_368 = arith.constant 80 : index
        %get3A_369 = tpu.vector_load %arg9[%get3A_367, %get3A_368] {strides = array<i32>} : memref<160x128xf32, #tpu.memory_space<vmem>>, vector<1x16xf32>,
        %get3A_370 = vector.shape_cast %get3A_369 : vector<1x16xf32> to vector<16xf32>
        %mul3A_371 = arith.mulf %get3A_366, %get3A_370 : vector<16xf32>
        %get3A_372 = arith.index_cast %add3A_317 : i32 to index
        %get3A_373 = arith.constant 96 : index
        %get3A_374 = tpu.vector_load %arg8[%get3A_372, %get3A_373] {strides = array<i32>} : memref<160x128xf32, #tpu.memory_space<vmem>>, vector<1x16xf32>,
        %get3A_375 = vector.shape_cast %get3A_374 : vector<1x16xf32> to vector<16xf32>
        %get3A_376 = arith.index_cast %add3A_317 : i32 to index
        %get3A_377 = arith.constant 96 : index
        %get3A_378 = tpu.vector_load %arg9[%get3A_376, %get3A_377] {strides = array<i32>} : memref<160x128xf32, #tpu.memory_space<vmem>>, vector<1x16xf32>,
        %get3A_379 = vector.shape_cast %get3A_378 : vector<1x16xf32> to vector<16xf32>
        %mul3A_380 = arith.mulf %get3A_375, %get3A_379 : vector<16xf32>
        %get3A_381 = arith.index_cast %add3A_317 : i32 to index
        %get3A_382 = arith.constant 112 : index
        %get3A_383 = tpu.vector_load %arg8[%get3A_381, %get3A_382] {strides = array<i32>} : memref<160x128xf32, #tpu.memory_space<vmem>>, vector<1x16xf32>,
        %get3A_384 = vector.shape_cast %get3A_383 : vector<1x16xf32> to vector<16xf32>
        %get3A_385 = arith.index_cast %add3A_317 : i32 to index
        %get3A_386 = arith.constant 112 : index
        %get3A_387 = tpu.vector_load %arg9[%get3A_385, %get3A_386] {strides = array<i32>} : memref<160x128xf32, #tpu.memory_space<vmem>>, vector<1x16xf32>,
        %get3A_388 = vector.shape_cast %get3A_387 : vector<1x16xf32> to vector<16xf32>
        %mul3A_389 = arith.mulf %get3A_384, %get3A_388 : vector<16xf32>
        %add3A_390 = arith.addf %mul3A_326, %mul3A_335 : vector<16xf32>
        %add3A_391 = arith.addf %mul3A_344, %mul3A_353 : vector<16xf32>
        %add3A_392 = arith.addf %mul3A_362, %mul3A_371 : vector<16xf32>
        %add3A_393 = arith.addf %mul3A_380, %mul3A_389 : vector<16xf32>
        %add3A_394 = arith.addf %add3A_390, %add3A_391 : vector<16xf32>
        %add3A_395 = arith.addf %add3A_392, %add3A_393 : vector<16xf32>
        %add3A_396 = arith.addf %add3A_394, %add3A_395 : vector<16xf32>
        %add3A_397 = arith.constant 12 : i32
        %add3A_398 = arith.addi %add3A_235, %add3A_397 : i32
        %get3A_399 = arith.index_cast %add3A_398 : i32 to index
        %get3A_400 = arith.constant 0 : index
        %get3A_401 = tpu.vector_load %arg8[%get3A_399, %get3A_400] {strides = array<i32>} : memref<160x128xf32, #tpu.memory_space<vmem>>, vector<1x16xf32>,
        %get3A_402 = vector.shape_cast %get3A_401 : vector<1x16xf32> to vector<16xf32>
        %get3A_403 = arith.index_cast %add3A_398 : i32 to index
        %get3A_404 = arith.constant 0 : index
        %get3A_405 = tpu.vector_load %arg9[%get3A_403, %get3A_404] {strides = array<i32>} : memref<160x128xf32, #tpu.memory_space<vmem>>, vector<1x16xf32>,
        %get3A_406 = vector.shape_cast %get3A_405 : vector<1x16xf32> to vector<16xf32>
        %mul3A_407 = arith.mulf %get3A_402, %get3A_406 : vector<16xf32>
        %get3A_408 = arith.index_cast %add3A_398 : i32 to index
        %get3A_409 = arith.constant 16 : index
        %get3A_410 = tpu.vector_load %arg8[%get3A_408, %get3A_409] {strides = array<i32>} : memref<160x128xf32, #tpu.memory_space<vmem>>, vector<1x16xf32>,
        %get3A_411 = vector.shape_cast %get3A_410 : vector<1x16xf32> to vector<16xf32>
        %get3A_412 = arith.index_cast %add3A_398 : i32 to index
        %get3A_413 = arith.constant 16 : index
        %get3A_414 = tpu.vector_load %arg9[%get3A_412, %get3A_413] {strides = array<i32>} : memref<160x128xf32, #tpu.memory_space<vmem>>, vector<1x16xf32>,
        %get3A_415 = vector.shape_cast %get3A_414 : vector<1x16xf32> to vector<16xf32>
        %mul3A_416 = arith.mulf %get3A_411, %get3A_415 : vector<16xf32>
        %get3A_417 = arith.index_cast %add3A_398 : i32 to index
        %get3A_418 = arith.constant 32 : index
        %get3A_419 = tpu.vector_load %arg8[%get3A_417, %get3A_418] {strides = array<i32>} : memref<160x128xf32, #tpu.memory_space<vmem>>, vector<1x16xf32>,
        %get3A_420 = vector.shape_cast %get3A_419 : vector<1x16xf32> to vector<16xf32>
        %get3A_421 = arith.index_cast %add3A_398 : i32 to index
        %get3A_422 = arith.constant 32 : index
        %get3A_423 = tpu.vector_load %arg9[%get3A_421, %get3A_422] {strides = array<i32>} : memref<160x128xf32, #tpu.memory_space<vmem>>, vector<1x16xf32>,
        %get3A_424 = vector.shape_cast %get3A_423 : vector<1x16xf32> to vector<16xf32>
        %mul3A_425 = arith.mulf %get3A_420, %get3A_424 : vector<16xf32>
        %get3A_426 = arith.index_cast %add3A_398 : i32 to index
        %get3A_427 = arith.constant 48 : index
        %get3A_428 = tpu.vector_load %arg8[%get3A_426, %get3A_427] {strides = array<i32>} : memref<160x128xf32, #tpu.memory_space<vmem>>, vector<1x16xf32>,
        %get3A_429 = vector.shape_cast %get3A_428 : vector<1x16xf32> to vector<16xf32>
        %get3A_430 = arith.index_cast %add3A_398 : i32 to index
        %get3A_431 = arith.constant 48 : index
        %get3A_432 = tpu.vector_load %arg9[%get3A_430, %get3A_431] {strides = array<i32>} : memref<160x128xf32, #tpu.memory_space<vmem>>, vector<1x16xf32>,
        %get3A_433 = vector.shape_cast %get3A_432 : vector<1x16xf32> to vector<16xf32>
        %mul3A_434 = arith.mulf %get3A_429, %get3A_433 : vector<16xf32>
        %get3A_435 = arith.index_cast %add3A_398 : i32 to index
        %get3A_436 = arith.constant 64 : index
        %get3A_437 = tpu.vector_load %arg8[%get3A_435, %get3A_436] {strides = array<i32>} : memref<160x128xf32, #tpu.memory_space<vmem>>, vector<1x16xf32>,
        %get3A_438 = vector.shape_cast %get3A_437 : vector<1x16xf32> to vector<16xf32>
        %get3A_439 = arith.index_cast %add3A_398 : i32 to index
        %get3A_440 = arith.constant 64 : index
        %get3A_441 = tpu.vector_load %arg9[%get3A_439, %get3A_440] {strides = array<i32>} : memref<160x128xf32, #tpu.memory_space<vmem>>, vector<1x16xf32>,
        %get3A_442 = vector.shape_cast %get3A_441 : vector<1x16xf32> to vector<16xf32>
        %mul3A_443 = arith.mulf %get3A_438, %get3A_442 : vector<16xf32>
        %get3A_444 = arith.index_cast %add3A_398 : i32 to index
        %get3A_445 = arith.constant 80 : index
        %get3A_446 = tpu.vector_load %arg8[%get3A_444, %get3A_445] {strides = array<i32>} : memref<160x128xf32, #tpu.memory_space<vmem>>, vector<1x16xf32>,
        %get3A_447 = vector.shape_cast %get3A_446 : vector<1x16xf32> to vector<16xf32>
        %get3A_448 = arith.index_cast %add3A_398 : i32 to index
        %get3A_449 = arith.constant 80 : index
        %get3A_450 = tpu.vector_load %arg9[%get3A_448, %get3A_449] {strides = array<i32>} : memref<160x128xf32, #tpu.memory_space<vmem>>, vector<1x16xf32>,
        %get3A_451 = vector.shape_cast %get3A_450 : vector<1x16xf32> to vector<16xf32>
        %mul3A_452 = arith.mulf %get3A_447, %get3A_451 : vector<16xf32>
        %get3A_453 = arith.index_cast %add3A_398 : i32 to index
        %get3A_454 = arith.constant 96 : index
        %get3A_455 = tpu.vector_load %arg8[%get3A_453, %get3A_454] {strides = array<i32>} : memref<160x128xf32, #tpu.memory_space<vmem>>, vector<1x16xf32>,
        %get3A_456 = vector.shape_cast %get3A_455 : vector<1x16xf32> to vector<16xf32>
        %get3A_457 = arith.index_cast %add3A_398 : i32 to index
        %get3A_458 = arith.constant 96 : index
        %get3A_459 = tpu.vector_load %arg9[%get3A_457, %get3A_458] {strides = array<i32>} : memref<160x128xf32, #tpu.memory_space<vmem>>, vector<1x16xf32>,
        %get3A_460 = vector.shape_cast %get3A_459 : vector<1x16xf32> to vector<16xf32>
        %mul3A_461 = arith.mulf %get3A_456, %get3A_460 : vector<16xf32>
        %get3A_462 = arith.index_cast %add3A_398 : i32 to index
        %get3A_463 = arith.constant 112 : index
        %get3A_464 = tpu.vector_load %arg8[%get3A_462, %get3A_463] {strides = array<i32>} : memref<160x128xf32, #tpu.memory_space<vmem>>, vector<1x16xf32>,
        %get3A_465 = vector.shape_cast %get3A_464 : vector<1x16xf32> to vector<16xf32>
        %get3A_466 = arith.index_cast %add3A_398 : i32 to index
        %get3A_467 = arith.constant 112 : index
        %get3A_468 = tpu.vector_load %arg9[%get3A_466, %get3A_467] {strides = array<i32>} : memref<160x128xf32, #tpu.memory_space<vmem>>, vector<1x16xf32>,
        %get3A_469 = vector.shape_cast %get3A_468 : vector<1x16xf32> to vector<16xf32>
        %mul3A_470 = arith.mulf %get3A_465, %get3A_469 : vector<16xf32>
        %add3A_471 = arith.addf %mul3A_407, %mul3A_416 : vector<16xf32>
        %add3A_472 = arith.addf %mul3A_425, %mul3A_434 : vector<16xf32>
        %add3A_473 = arith.addf %mul3A_443, %mul3A_452 : vector<16xf32>
        %add3A_474 = arith.addf %mul3A_461, %mul3A_470 : vector<16xf32>
        %add3A_475 = arith.addf %add3A_471, %add3A_472 : vector<16xf32>
        %add3A_476 = arith.addf %add3A_473, %add3A_474 : vector<16xf32>
        %add3A_477 = arith.addf %add3A_475, %add3A_476 : vector<16xf32>
        %add3A_478 = arith.constant 4 : i32
        %add3A_479 = arith.addi %add3A_235, %add3A_478 : i32
        %get3A_480 = arith.index_cast %add3A_479 : i32 to index
        %get3A_481 = arith.constant 0 : index
        %get3A_482 = tpu.vector_load %arg8[%get3A_480, %get3A_481] {strides = array<i32>} : memref<160x128xf32, #tpu.memory_space<vmem>>, vector<1x16xf32>,
        %get3A_483 = vector.shape_cast %get3A_482 : vector<1x16xf32> to vector<16xf32>
        %get3A_484 = arith.index_cast %add3A_479 : i32 to index
        %get3A_485 = arith.constant 0 : index
        %get3A_486 = tpu.vector_load %arg9[%get3A_484, %get3A_485] {strides = array<i32>} : memref<160x128xf32, #tpu.memory_space<vmem>>, vector<1x16xf32>,
        %get3A_487 = vector.shape_cast %get3A_486 : vector<1x16xf32> to vector<16xf32>
        %mul3A_488 = arith.mulf %get3A_483, %get3A_487 : vector<16xf32>
        %get3A_489 = arith.index_cast %add3A_479 : i32 to index
        %get3A_490 = arith.constant 16 : index
        %get3A_491 = tpu.vector_load %arg8[%get3A_489, %get3A_490] {strides = array<i32>} : memref<160x128xf32, #tpu.memory_space<vmem>>, vector<1x16xf32>,
        %get3A_492 = vector.shape_cast %get3A_491 : vector<1x16xf32> to vector<16xf32>
        %get3A_493 = arith.index_cast %add3A_479 : i32 to index
        %get3A_494 = arith.constant 16 : index
        %get3A_495 = tpu.vector_load %arg9[%get3A_493, %get3A_494] {strides = array<i32>} : memref<160x128xf32, #tpu.memory_space<vmem>>, vector<1x16xf32>,
        %get3A_496 = vector.shape_cast %get3A_495 : vector<1x16xf32> to vector<16xf32>
        %mul3A_497 = arith.mulf %get3A_492, %get3A_496 : vector<16xf32>
        %get3A_498 = arith.index_cast %add3A_479 : i32 to index
        %get3A_499 = arith.constant 32 : index
        %get3A_500 = tpu.vector_load %arg8[%get3A_498, %get3A_499] {strides = array<i32>} : memref<160x128xf32, #tpu.memory_space<vmem>>, vector<1x16xf32>,
        %get3A_501 = vector.shape_cast %get3A_500 : vector<1x16xf32> to vector<16xf32>
        %get3A_502 = arith.index_cast %add3A_479 : i32 to index
        %get3A_503 = arith.constant 32 : index
        %get3A_504 = tpu.vector_load %arg9[%get3A_502, %get3A_503] {strides = array<i32>} : memref<160x128xf32, #tpu.memory_space<vmem>>, vector<1x16xf32>,
        %get3A_505 = vector.shape_cast %get3A_504 : vector<1x16xf32> to vector<16xf32>
        %mul3A_506 = arith.mulf %get3A_501, %get3A_505 : vector<16xf32>
        %get3A_507 = arith.index_cast %add3A_479 : i32 to index
        %get3A_508 = arith.constant 48 : index
        %get3A_509 = tpu.vector_load %arg8[%get3A_507, %get3A_508] {strides = array<i32>} : memref<160x128xf32, #tpu.memory_space<vmem>>, vector<1x16xf32>,
        %get3A_510 = vector.shape_cast %get3A_509 : vector<1x16xf32> to vector<16xf32>
        %get3A_511 = arith.index_cast %add3A_479 : i32 to index
        %get3A_512 = arith.constant 48 : index
        %get3A_513 = tpu.vector_load %arg9[%get3A_511, %get3A_512] {strides = array<i32>} : memref<160x128xf32, #tpu.memory_space<vmem>>, vector<1x16xf32>,
        %get3A_514 = vector.shape_cast %get3A_513 : vector<1x16xf32> to vector<16xf32>
        %mul3A_515 = arith.mulf %get3A_510, %get3A_514 : vector<16xf32>
        %get3A_516 = arith.index_cast %add3A_479 : i32 to index
        %get3A_517 = arith.constant 64 : index
        %get3A_518 = tpu.vector_load %arg8[%get3A_516, %get3A_517] {strides = array<i32>} : memref<160x128xf32, #tpu.memory_space<vmem>>, vector<1x16xf32>,
        %get3A_519 = vector.shape_cast %get3A_518 : vector<1x16xf32> to vector<16xf32>
        %get3A_520 = arith.index_cast %add3A_479 : i32 to index
        %get3A_521 = arith.constant 64 : index
        %get3A_522 = tpu.vector_load %arg9[%get3A_520, %get3A_521] {strides = array<i32>} : memref<160x128xf32, #tpu.memory_space<vmem>>, vector<1x16xf32>,
        %get3A_523 = vector.shape_cast %get3A_522 : vector<1x16xf32> to vector<16xf32>
        %mul3A_524 = arith.mulf %get3A_519, %get3A_523 : vector<16xf32>
        %get3A_525 = arith.index_cast %add3A_479 : i32 to index
        %get3A_526 = arith.constant 80 : index
        %get3A_527 = tpu.vector_load %arg8[%get3A_525, %get3A_526] {strides = array<i32>} : memref<160x128xf32, #tpu.memory_space<vmem>>, vector<1x16xf32>,
        %get3A_528 = vector.shape_cast %get3A_527 : vector<1x16xf32> to vector<16xf32>
        %get3A_529 = arith.index_cast %add3A_479 : i32 to index
        %get3A_530 = arith.constant 80 : index
        %get3A_531 = tpu.vector_load %arg9[%get3A_529, %get3A_530] {strides = array<i32>} : memref<160x128xf32, #tpu.memory_space<vmem>>, vector<1x16xf32>,
        %get3A_532 = vector.shape_cast %get3A_531 : vector<1x16xf32> to vector<16xf32>
        %mul3A_533 = arith.mulf %get3A_528, %get3A_532 : vector<16xf32>
        %get3A_534 = arith.index_cast %add3A_479 : i32 to index
        %get3A_535 = arith.constant 96 : index
        %get3A_536 = tpu.vector_load %arg8[%get3A_534, %get3A_535] {strides = array<i32>} : memref<160x128xf32, #tpu.memory_space<vmem>>, vector<1x16xf32>,
        %get3A_537 = vector.shape_cast %get3A_536 : vector<1x16xf32> to vector<16xf32>
        %get3A_538 = arith.index_cast %add3A_479 : i32 to index
        %get3A_539 = arith.constant 96 : index
        %get3A_540 = tpu.vector_load %arg9[%get3A_538, %get3A_539] {strides = array<i32>} : memref<160x128xf32, #tpu.memory_space<vmem>>, vector<1x16xf32>,
        %get3A_541 = vector.shape_cast %get3A_540 : vector<1x16xf32> to vector<16xf32>
        %mul3A_542 = arith.mulf %get3A_537, %get3A_541 : vector<16xf32>
        %get3A_543 = arith.index_cast %add3A_479 : i32 to index
        %get3A_544 = arith.constant 112 : index
        %get3A_545 = tpu.vector_load %arg8[%get3A_543, %get3A_544] {strides = array<i32>} : memref<160x128xf32, #tpu.memory_space<vmem>>, vector<1x16xf32>,
        %get3A_546 = vector.shape_cast %get3A_545 : vector<1x16xf32> to vector<16xf32>
        %get3A_547 = arith.index_cast %add3A_479 : i32 to index
        %get3A_548 = arith.constant 112 : index
        %get3A_549 = tpu.vector_load %arg9[%get3A_547, %get3A_548] {strides = array<i32>} : memref<160x128xf32, #tpu.memory_space<vmem>>, vector<1x16xf32>,
        %get3A_550 = vector.shape_cast %get3A_549 : vector<1x16xf32> to vector<16xf32>
        %mul3A_551 = arith.mulf %get3A_546, %get3A_550 : vector<16xf32>
        %add3A_552 = arith.addf %mul3A_488, %mul3A_497 : vector<16xf32>
        %add3A_553 = arith.addf %mul3A_506, %mul3A_515 : vector<16xf32>
        %add3A_554 = arith.addf %mul3A_524, %mul3A_533 : vector<16xf32>
        %add3A_555 = arith.addf %mul3A_542, %mul3A_551 : vector<16xf32>
        %add3A_556 = arith.addf %add3A_552, %add3A_553 : vector<16xf32>
        %add3A_557 = arith.addf %add3A_554, %add3A_555 : vector<16xf32>
        %add3A_558 = arith.addf %add3A_556, %add3A_557 : vector<16xf32>
        %add3A_559 = arith.constant 14 : i32
        %add3A_560 = arith.addi %add3A_235, %add3A_559 : i32
        %get3A_561 = arith.index_cast %add3A_560 : i32 to index
        %get3A_562 = arith.constant 0 : index
        %get3A_563 = tpu.vector_load %arg8[%get3A_561, %get3A_562] {strides = array<i32>} : memref<160x128xf32, #tpu.memory_space<vmem>>, vector<1x16xf32>,
        %get3A_564 = vector.shape_cast %get3A_563 : vector<1x16xf32> to vector<16xf32>
        %get3A_565 = arith.index_cast %add3A_560 : i32 to index
        %get3A_566 = arith.constant 0 : index
        %get3A_567 = tpu.vector_load %arg9[%get3A_565, %get3A_566] {strides = array<i32>} : memref<160x128xf32, #tpu.memory_space<vmem>>, vector<1x16xf32>,
        %get3A_568 = vector.shape_cast %get3A_567 : vector<1x16xf32> to vector<16xf32>
        %mul3A_569 = arith.mulf %get3A_564, %get3A_568 : vector<16xf32>
        %get3A_570 = arith.index_cast %add3A_560 : i32 to index
        %get3A_571 = arith.constant 16 : index
        %get3A_572 = tpu.vector_load %arg8[%get3A_570, %get3A_571] {strides = array<i32>} : memref<160x128xf32, #tpu.memory_space<vmem>>, vector<1x16xf32>,
        %get3A_573 = vector.shape_cast %get3A_572 : vector<1x16xf32> to vector<16xf32>
        %get3A_574 = arith.index_cast %add3A_560 : i32 to index
        %get3A_575 = arith.constant 16 : index
        %get3A_576 = tpu.vector_load %arg9[%get3A_574, %get3A_575] {strides = array<i32>} : memref<160x128xf32, #tpu.memory_space<vmem>>, vector<1x16xf32>,
        %get3A_577 = vector.shape_cast %get3A_576 : vector<1x16xf32> to vector<16xf32>
        %mul3A_578 = arith.mulf %get3A_573, %get3A_577 : vector<16xf32>
        %get3A_579 = arith.index_cast %add3A_560 : i32 to index
        %get3A_580 = arith.constant 32 : index
        %get3A_581 = tpu.vector_load %arg8[%get3A_579, %get3A_580] {strides = array<i32>} : memref<160x128xf32, #tpu.memory_space<vmem>>, vector<1x16xf32>,
        %get3A_582 = vector.shape_cast %get3A_581 : vector<1x16xf32> to vector<16xf32>
        %get3A_583 = arith.index_cast %add3A_560 : i32 to index
        %get3A_584 = arith.constant 32 : index
        %get3A_585 = tpu.vector_load %arg9[%get3A_583, %get3A_584] {strides = array<i32>} : memref<160x128xf32, #tpu.memory_space<vmem>>, vector<1x16xf32>,
        %get3A_586 = vector.shape_cast %get3A_585 : vector<1x16xf32> to vector<16xf32>
        %mul3A_587 = arith.mulf %get3A_582, %get3A_586 : vector<16xf32>
        %get3A_588 = arith.index_cast %add3A_560 : i32 to index
        %get3A_589 = arith.constant 48 : index
        %get3A_590 = tpu.vector_load %arg8[%get3A_588, %get3A_589] {strides = array<i32>} : memref<160x128xf32, #tpu.memory_space<vmem>>, vector<1x16xf32>,
        %get3A_591 = vector.shape_cast %get3A_590 : vector<1x16xf32> to vector<16xf32>
        %get3A_592 = arith.index_cast %add3A_560 : i32 to index
        %get3A_593 = arith.constant 48 : index
        %get3A_594 = tpu.vector_load %arg9[%get3A_592, %get3A_593] {strides = array<i32>} : memref<160x128xf32, #tpu.memory_space<vmem>>, vector<1x16xf32>,
        %get3A_595 = vector.shape_cast %get3A_594 : vector<1x16xf32> to vector<16xf32>
        %mul3A_596 = arith.mulf %get3A_591, %get3A_595 : vector<16xf32>
        %get3A_597 = arith.index_cast %add3A_560 : i32 to index
        %get3A_598 = arith.constant 64 : index
        %get3A_599 = tpu.vector_load %arg8[%get3A_597, %get3A_598] {strides = array<i32>} : memref<160x128xf32, #tpu.memory_space<vmem>>, vector<1x16xf32>,
        %get3A_600 = vector.shape_cast %get3A_599 : vector<1x16xf32> to vector<16xf32>
        %get3A_601 = arith.index_cast %add3A_560 : i32 to index
        %get3A_602 = arith.constant 64 : index
        %get3A_603 = tpu.vector_load %arg9[%get3A_601, %get3A_602] {strides = array<i32>} : memref<160x128xf32, #tpu.memory_space<vmem>>, vector<1x16xf32>,
        %get3A_604 = vector.shape_cast %get3A_603 : vector<1x16xf32> to vector<16xf32>
        %mul3A_605 = arith.mulf %get3A_600, %get3A_604 : vector<16xf32>
        %get3A_606 = arith.index_cast %add3A_560 : i32 to index
        %get3A_607 = arith.constant 80 : index
        %get3A_608 = tpu.vector_load %arg8[%get3A_606, %get3A_607] {strides = array<i32>} : memref<160x128xf32, #tpu.memory_space<vmem>>, vector<1x16xf32>,
        %get3A_609 = vector.shape_cast %get3A_608 : vector<1x16xf32> to vector<16xf32>
        %get3A_610 = arith.index_cast %add3A_560 : i32 to index
        %get3A_611 = arith.constant 80 : index
        %get3A_612 = tpu.vector_load %arg9[%get3A_610, %get3A_611] {strides = array<i32>} : memref<160x128xf32, #tpu.memory_space<vmem>>, vector<1x16xf32>,
        %get3A_613 = vector.shape_cast %get3A_612 : vector<1x16xf32> to vector<16xf32>
        %mul3A_614 = arith.mulf %get3A_609, %get3A_613 : vector<16xf32>
        %get3A_615 = arith.index_cast %add3A_560 : i32 to index
        %get3A_616 = arith.constant 96 : index
        %get3A_617 = tpu.vector_load %arg8[%get3A_615, %get3A_616] {strides = array<i32>} : memref<160x128xf32, #tpu.memory_space<vmem>>, vector<1x16xf32>,
        %get3A_618 = vector.shape_cast %get3A_617 : vector<1x16xf32> to vector<16xf32>
        %get3A_619 = arith.index_cast %add3A_560 : i32 to index
        %get3A_620 = arith.constant 96 : index
        %get3A_621 = tpu.vector_load %arg9[%get3A_619, %get3A_620] {strides = array<i32>} : memref<160x128xf32, #tpu.memory_space<vmem>>, vector<1x16xf32>,
        %get3A_622 = vector.shape_cast %get3A_621 : vector<1x16xf32> to vector<16xf32>
        %mul3A_623 = arith.mulf %get3A_618, %get3A_622 : vector<16xf32>
        %get3A_624 = arith.index_cast %add3A_560 : i32 to index
        %get3A_625 = arith.constant 112 : index
        %get3A_626 = tpu.vector_load %arg8[%get3A_624, %get3A_625] {strides = array<i32>} : memref<160x128xf32, #tpu.memory_space<vmem>>, vector<1x16xf32>,
        %get3A_627 = vector.shape_cast %get3A_626 : vector<1x16xf32> to vector<16xf32>
        %get3A_628 = arith.index_cast %add3A_560 : i32 to index
        %get3A_629 = arith.constant 112 : index
        %get3A_630 = tpu.vector_load %arg9[%get3A_628, %get3A_629] {strides = array<i32>} : memref<160x128xf32, #tpu.memory_space<vmem>>, vector<1x16xf32>,
        %get3A_631 = vector.shape_cast %get3A_630 : vector<1x16xf32> to vector<16xf32>
        %mul3A_632 = arith.mulf %get3A_627, %get3A_631 : vector<16xf32>
        %add3A_633 = arith.addf %mul3A_569, %mul3A_578 : vector<16xf32>
        %add3A_634 = arith.addf %mul3A_587, %mul3A_596 : vector<16xf32>
        %add3A_635 = arith.addf %mul3A_605, %mul3A_614 : vector<16xf32>
        %add3A_636 = arith.addf %mul3A_623, %mul3A_632 : vector<16xf32>
        %add3A_637 = arith.addf %add3A_633, %add3A_634 : vector<16xf32>
        %add3A_638 = arith.addf %add3A_635, %add3A_636 : vector<16xf32>
        %add3A_639 = arith.addf %add3A_637, %add3A_638 : vector<16xf32>
        %add3A_640 = arith.constant 6 : i32
        %add3A_641 = arith.addi %add3A_235, %add3A_640 : i32
        %get3A_642 = arith.index_cast %add3A_641 : i32 to index
        %get3A_643 = arith.constant 0 : index
        %get3A_644 = tpu.vector_load %arg8[%get3A_642, %get3A_643] {strides = array<i32>} : memref<160x128xf32, #tpu.memory_space<vmem>>, vector<1x16xf32>,
        %get3A_645 = vector.shape_cast %get3A_644 : vector<1x16xf32> to vector<16xf32>
        %get3A_646 = arith.index_cast %add3A_641 : i32 to index
        %get3A_647 = arith.constant 0 : index
        %get3A_648 = tpu.vector_load %arg9[%get3A_646, %get3A_647] {strides = array<i32>} : memref<160x128xf32, #tpu.memory_space<vmem>>, vector<1x16xf32>,
        %get3A_649 = vector.shape_cast %get3A_648 : vector<1x16xf32> to vector<16xf32>
        %mul3A_650 = arith.mulf %get3A_645, %get3A_649 : vector<16xf32>
        %get3A_651 = arith.index_cast %add3A_641 : i32 to index
        %get3A_652 = arith.constant 16 : index
        %get3A_653 = tpu.vector_load %arg8[%get3A_651, %get3A_652] {strides = array<i32>} : memref<160x128xf32, #tpu.memory_space<vmem>>, vector<1x16xf32>,
        %get3A_654 = vector.shape_cast %get3A_653 : vector<1x16xf32> to vector<16xf32>
        %get3A_655 = arith.index_cast %add3A_641 : i32 to index
        %get3A_656 = arith.constant 16 : index
        %get3A_657 = tpu.vector_load %arg9[%get3A_655, %get3A_656] {strides = array<i32>} : memref<160x128xf32, #tpu.memory_space<vmem>>, vector<1x16xf32>,
        %get3A_658 = vector.shape_cast %get3A_657 : vector<1x16xf32> to vector<16xf32>
        %mul3A_659 = arith.mulf %get3A_654, %get3A_658 : vector<16xf32>
        %get3A_660 = arith.index_cast %add3A_641 : i32 to index
        %get3A_661 = arith.constant 32 : index
        %get3A_662 = tpu.vector_load %arg8[%get3A_660, %get3A_661] {strides = array<i32>} : memref<160x128xf32, #tpu.memory_space<vmem>>, vector<1x16xf32>,
        %get3A_663 = vector.shape_cast %get3A_662 : vector<1x16xf32> to vector<16xf32>
        %get3A_664 = arith.index_cast %add3A_641 : i32 to index
        %get3A_665 = arith.constant 32 : index
        %get3A_666 = tpu.vector_load %arg9[%get3A_664, %get3A_665] {strides = array<i32>} : memref<160x128xf32, #tpu.memory_space<vmem>>, vector<1x16xf32>,
        %get3A_667 = vector.shape_cast %get3A_666 : vector<1x16xf32> to vector<16xf32>
        %mul3A_668 = arith.mulf %get3A_663, %get3A_667 : vector<16xf32>
        %get3A_669 = arith.index_cast %add3A_641 : i32 to index
        %get3A_670 = arith.constant 48 : index
        %get3A_671 = tpu.vector_load %arg8[%get3A_669, %get3A_670] {strides = array<i32>} : memref<160x128xf32, #tpu.memory_space<vmem>>, vector<1x16xf32>,
        %get3A_672 = vector.shape_cast %get3A_671 : vector<1x16xf32> to vector<16xf32>
        %get3A_673 = arith.index_cast %add3A_641 : i32 to index
        %get3A_674 = arith.constant 48 : index
        %get3A_675 = tpu.vector_load %arg9[%get3A_673, %get3A_674] {strides = array<i32>} : memref<160x128xf32, #tpu.memory_space<vmem>>, vector<1x16xf32>,
        %get3A_676 = vector.shape_cast %get3A_675 : vector<1x16xf32> to vector<16xf32>
        %mul3A_677 = arith.mulf %get3A_672, %get3A_676 : vector<16xf32>
        %get3A_678 = arith.index_cast %add3A_641 : i32 to index
        %get3A_679 = arith.constant 64 : index
        %get3A_680 = tpu.vector_load %arg8[%get3A_678, %get3A_679] {strides = array<i32>} : memref<160x128xf32, #tpu.memory_space<vmem>>, vector<1x16xf32>,
        %get3A_681 = vector.shape_cast %get3A_680 : vector<1x16xf32> to vector<16xf32>
        %get3A_682 = arith.index_cast %add3A_641 : i32 to index
        %get3A_683 = arith.constant 64 : index
        %get3A_684 = tpu.vector_load %arg9[%get3A_682, %get3A_683] {strides = array<i32>} : memref<160x128xf32, #tpu.memory_space<vmem>>, vector<1x16xf32>,
        %get3A_685 = vector.shape_cast %get3A_684 : vector<1x16xf32> to vector<16xf32>
        %mul3A_686 = arith.mulf %get3A_681, %get3A_685 : vector<16xf32>
        %get3A_687 = arith.index_cast %add3A_641 : i32 to index
        %get3A_688 = arith.constant 80 : index
        %get3A_689 = tpu.vector_load %arg8[%get3A_687, %get3A_688] {strides = array<i32>} : memref<160x128xf32, #tpu.memory_space<vmem>>, vector<1x16xf32>,
        %get3A_690 = vector.shape_cast %get3A_689 : vector<1x16xf32> to vector<16xf32>
        %get3A_691 = arith.index_cast %add3A_641 : i32 to index
        %get3A_692 = arith.constant 80 : index
        %get3A_693 = tpu.vector_load %arg9[%get3A_691, %get3A_692] {strides = array<i32>} : memref<160x128xf32, #tpu.memory_space<vmem>>, vector<1x16xf32>,
        %get3A_694 = vector.shape_cast %get3A_693 : vector<1x16xf32> to vector<16xf32>
        %mul3A_695 = arith.mulf %get3A_690, %get3A_694 : vector<16xf32>
        %get3A_696 = arith.index_cast %add3A_641 : i32 to index
        %get3A_697 = arith.constant 96 : index
        %get3A_698 = tpu.vector_load %arg8[%get3A_696, %get3A_697] {strides = array<i32>} : memref<160x128xf32, #tpu.memory_space<vmem>>, vector<1x16xf32>,
        %get3A_699 = vector.shape_cast %get3A_698 : vector<1x16xf32> to vector<16xf32>
        %get3A_700 = arith.index_cast %add3A_641 : i32 to index
        %get3A_701 = arith.constant 96 : index
        %get3A_702 = tpu.vector_load %arg9[%get3A_700, %get3A_701] {strides = array<i32>} : memref<160x128xf32, #tpu.memory_space<vmem>>, vector<1x16xf32>,
        %get3A_703 = vector.shape_cast %get3A_702 : vector<1x16xf32> to vector<16xf32>
        %mul3A_704 = arith.mulf %get3A_699, %get3A_703 : vector<16xf32>
        %get3A_705 = arith.index_cast %add3A_641 : i32 to index
        %get3A_706 = arith.constant 112 : index
        %get3A_707 = tpu.vector_load %arg8[%get3A_705, %get3A_706] {strides = array<i32>} : memref<160x128xf32, #tpu.memory_space<vmem>>, vector<1x16xf32>,
        %get3A_708 = vector.shape_cast %get3A_707 : vector<1x16xf32> to vector<16xf32>
        %get3A_709 = arith.index_cast %add3A_641 : i32 to index
        %get3A_710 = arith.constant 112 : index
        %get3A_711 = tpu.vector_load %arg9[%get3A_709, %get3A_710] {strides = array<i32>} : memref<160x128xf32, #tpu.memory_space<vmem>>, vector<1x16xf32>,
        %get3A_712 = vector.shape_cast %get3A_711 : vector<1x16xf32> to vector<16xf32>
        %mul3A_713 = arith.mulf %get3A_708, %get3A_712 : vector<16xf32>
        %add3A_714 = arith.addf %mul3A_650, %mul3A_659 : vector<16xf32>
        %add3A_715 = arith.addf %mul3A_668, %mul3A_677 : vector<16xf32>
        %add3A_716 = arith.addf %mul3A_686, %mul3A_695 : vector<16xf32>
        %add3A_717 = arith.addf %mul3A_704, %mul3A_713 : vector<16xf32>
        %add3A_718 = arith.addf %add3A_714, %add3A_715 : vector<16xf32>
        %add3A_719 = arith.addf %add3A_716, %add3A_717 : vector<16xf32>
        %add3A_720 = arith.addf %add3A_718, %add3A_719 : vector<16xf32>
        %add3A_721 = arith.constant 10 : i32
        %add3A_722 = arith.addi %add3A_235, %add3A_721 : i32
        %get3A_723 = arith.index_cast %add3A_722 : i32 to index
        %get3A_724 = arith.constant 0 : index
        %get3A_725 = tpu.vector_load %arg8[%get3A_723, %get3A_724] {strides = array<i32>} : memref<160x128xf32, #tpu.memory_space<vmem>>, vector<1x16xf32>,
        %get3A_726 = vector.shape_cast %get3A_725 : vector<1x16xf32> to vector<16xf32>
        %get3A_727 = arith.index_cast %add3A_722 : i32 to index
        %get3A_728 = arith.constant 0 : index
        %get3A_729 = tpu.vector_load %arg9[%get3A_727, %get3A_728] {strides = array<i32>} : memref<160x128xf32, #tpu.memory_space<vmem>>, vector<1x16xf32>,
        %get3A_730 = vector.shape_cast %get3A_729 : vector<1x16xf32> to vector<16xf32>
        %mul3A_731 = arith.mulf %get3A_726, %get3A_730 : vector<16xf32>
        %get3A_732 = arith.index_cast %add3A_722 : i32 to index
        %get3A_733 = arith.constant 16 : index
        %get3A_734 = tpu.vector_load %arg8[%get3A_732, %get3A_733] {strides = array<i32>} : memref<160x128xf32, #tpu.memory_space<vmem>>, vector<1x16xf32>,
        %get3A_735 = vector.shape_cast %get3A_734 : vector<1x16xf32> to vector<16xf32>
        %get3A_736 = arith.index_cast %add3A_722 : i32 to index
        %get3A_737 = arith.constant 16 : index
        %get3A_738 = tpu.vector_load %arg9[%get3A_736, %get3A_737] {strides = array<i32>} : memref<160x128xf32, #tpu.memory_space<vmem>>, vector<1x16xf32>,
        %get3A_739 = vector.shape_cast %get3A_738 : vector<1x16xf32> to vector<16xf32>
        %mul3A_740 = arith.mulf %get3A_735, %get3A_739 : vector<16xf32>
        %get3A_741 = arith.index_cast %add3A_722 : i32 to index
        %get3A_742 = arith.constant 32 : index
        %get3A_743 = tpu.vector_load %arg8[%get3A_741, %get3A_742] {strides = array<i32>} : memref<160x128xf32, #tpu.memory_space<vmem>>, vector<1x16xf32>,
        %get3A_744 = vector.shape_cast %get3A_743 : vector<1x16xf32> to vector<16xf32>
        %get3A_745 = arith.index_cast %add3A_722 : i32 to index
        %get3A_746 = arith.constant 32 : index
        %get3A_747 = tpu.vector_load %arg9[%get3A_745, %get3A_746] {strides = array<i32>} : memref<160x128xf32, #tpu.memory_space<vmem>>, vector<1x16xf32>,
        %get3A_748 = vector.shape_cast %get3A_747 : vector<1x16xf32> to vector<16xf32>
        %mul3A_749 = arith.mulf %get3A_744, %get3A_748 : vector<16xf32>
        %get3A_750 = arith.index_cast %add3A_722 : i32 to index
        %get3A_751 = arith.constant 48 : index
        %get3A_752 = tpu.vector_load %arg8[%get3A_750, %get3A_751] {strides = array<i32>} : memref<160x128xf32, #tpu.memory_space<vmem>>, vector<1x16xf32>,
        %get3A_753 = vector.shape_cast %get3A_752 : vector<1x16xf32> to vector<16xf32>
        %get3A_754 = arith.index_cast %add3A_722 : i32 to index
        %get3A_755 = arith.constant 48 : index
        %get3A_756 = tpu.vector_load %arg9[%get3A_754, %get3A_755] {strides = array<i32>} : memref<160x128xf32, #tpu.memory_space<vmem>>, vector<1x16xf32>,
        %get3A_757 = vector.shape_cast %get3A_756 : vector<1x16xf32> to vector<16xf32>
        %mul3A_758 = arith.mulf %get3A_753, %get3A_757 : vector<16xf32>
        %get3A_759 = arith.index_cast %add3A_722 : i32 to index
        %get3A_760 = arith.constant 64 : index
        %get3A_761 = tpu.vector_load %arg8[%get3A_759, %get3A_760] {strides = array<i32>} : memref<160x128xf32, #tpu.memory_space<vmem>>, vector<1x16xf32>,
        %get3A_762 = vector.shape_cast %get3A_761 : vector<1x16xf32> to vector<16xf32>
        %get3A_763 = arith.index_cast %add3A_722 : i32 to index
        %get3A_764 = arith.constant 64 : index
        %get3A_765 = tpu.vector_load %arg9[%get3A_763, %get3A_764] {strides = array<i32>} : memref<160x128xf32, #tpu.memory_space<vmem>>, vector<1x16xf32>,
        %get3A_766 = vector.shape_cast %get3A_765 : vector<1x16xf32> to vector<16xf32>
        %mul3A_767 = arith.mulf %get3A_762, %get3A_766 : vector<16xf32>
        %get3A_768 = arith.index_cast %add3A_722 : i32 to index
        %get3A_769 = arith.constant 80 : index
        %get3A_770 = tpu.vector_load %arg8[%get3A_768, %get3A_769] {strides = array<i32>} : memref<160x128xf32, #tpu.memory_space<vmem>>, vector<1x16xf32>,
        %get3A_771 = vector.shape_cast %get3A_770 : vector<1x16xf32> to vector<16xf32>
        %get3A_772 = arith.index_cast %add3A_722 : i32 to index
        %get3A_773 = arith.constant 80 : index
        %get3A_774 = tpu.vector_load %arg9[%get3A_772, %get3A_773] {strides = array<i32>} : memref<160x128xf32, #tpu.memory_space<vmem>>, vector<1x16xf32>,
        %get3A_775 = vector.shape_cast %get3A_774 : vector<1x16xf32> to vector<16xf32>
        %mul3A_776 = arith.mulf %get3A_771, %get3A_775 : vector<16xf32>
        %get3A_777 = arith.index_cast %add3A_722 : i32 to index
        %get3A_778 = arith.constant 96 : index
        %get3A_779 = tpu.vector_load %arg8[%get3A_777, %get3A_778] {strides = array<i32>} : memref<160x128xf32, #tpu.memory_space<vmem>>, vector<1x16xf32>,
        %get3A_780 = vector.shape_cast %get3A_779 : vector<1x16xf32> to vector<16xf32>
        %get3A_781 = arith.index_cast %add3A_722 : i32 to index
        %get3A_782 = arith.constant 96 : index
        %get3A_783 = tpu.vector_load %arg9[%get3A_781, %get3A_782] {strides = array<i32>} : memref<160x128xf32, #tpu.memory_space<vmem>>, vector<1x16xf32>,
        %get3A_784 = vector.shape_cast %get3A_783 : vector<1x16xf32> to vector<16xf32>
        %mul3A_785 = arith.mulf %get3A_780, %get3A_784 : vector<16xf32>
        %get3A_786 = arith.index_cast %add3A_722 : i32 to index
        %get3A_787 = arith.constant 112 : index
        %get3A_788 = tpu.vector_load %arg8[%get3A_786, %get3A_787] {strides = array<i32>} : memref<160x128xf32, #tpu.memory_space<vmem>>, vector<1x16xf32>,
        %get3A_789 = vector.shape_cast %get3A_788 : vector<1x16xf32> to vector<16xf32>
        %get3A_790 = arith.index_cast %add3A_722 : i32 to index
        %get3A_791 = arith.constant 112 : index
        %get3A_792 = tpu.vector_load %arg9[%get3A_790, %get3A_791] {strides = array<i32>} : memref<160x128xf32, #tpu.memory_space<vmem>>, vector<1x16xf32>,
        %get3A_793 = vector.shape_cast %get3A_792 : vector<1x16xf32> to vector<16xf32>
        %mul3A_794 = arith.mulf %get3A_789, %get3A_793 : vector<16xf32>
        %add3A_795 = arith.addf %mul3A_731, %mul3A_740 : vector<16xf32>
        %add3A_796 = arith.addf %mul3A_749, %mul3A_758 : vector<16xf32>
        %add3A_797 = arith.addf %mul3A_767, %mul3A_776 : vector<16xf32>
        %add3A_798 = arith.addf %mul3A_785, %mul3A_794 : vector<16xf32>
        %add3A_799 = arith.addf %add3A_795, %add3A_796 : vector<16xf32>
        %add3A_800 = arith.addf %add3A_797, %add3A_798 : vector<16xf32>
        %add3A_801 = arith.addf %add3A_799, %add3A_800 : vector<16xf32>
        %add3A_802 = arith.constant 2 : i32
        %add3A_803 = arith.addi %add3A_235, %add3A_802 : i32
        %get3A_804 = arith.index_cast %add3A_803 : i32 to index
        %get3A_805 = arith.constant 0 : index
        %get3A_806 = tpu.vector_load %arg8[%get3A_804, %get3A_805] {strides = array<i32>} : memref<160x128xf32, #tpu.memory_space<vmem>>, vector<1x16xf32>,
        %get3A_807 = vector.shape_cast %get3A_806 : vector<1x16xf32> to vector<16xf32>
        %get3A_808 = arith.index_cast %add3A_803 : i32 to index
        %get3A_809 = arith.constant 0 : index
        %get3A_810 = tpu.vector_load %arg9[%get3A_808, %get3A_809] {strides = array<i32>} : memref<160x128xf32, #tpu.memory_space<vmem>>, vector<1x16xf32>,
        %get3A_811 = vector.shape_cast %get3A_810 : vector<1x16xf32> to vector<16xf32>
        %mul3A_812 = arith.mulf %get3A_807, %get3A_811 : vector<16xf32>
        %get3A_813 = arith.index_cast %add3A_803 : i32 to index
        %get3A_814 = arith.constant 16 : index
        %get3A_815 = tpu.vector_load %arg8[%get3A_813, %get3A_814] {strides = array<i32>} : memref<160x128xf32, #tpu.memory_space<vmem>>, vector<1x16xf32>,
        %get3A_816 = vector.shape_cast %get3A_815 : vector<1x16xf32> to vector<16xf32>
        %get3A_817 = arith.index_cast %add3A_803 : i32 to index
        %get3A_818 = arith.constant 16 : index
        %get3A_819 = tpu.vector_load %arg9[%get3A_817, %get3A_818] {strides = array<i32>} : memref<160x128xf32, #tpu.memory_space<vmem>>, vector<1x16xf32>,
        %get3A_820 = vector.shape_cast %get3A_819 : vector<1x16xf32> to vector<16xf32>
        %mul3A_821 = arith.mulf %get3A_816, %get3A_820 : vector<16xf32>
        %get3A_822 = arith.index_cast %add3A_803 : i32 to index
        %get3A_823 = arith.constant 32 : index
        %get3A_824 = tpu.vector_load %arg8[%get3A_822, %get3A_823] {strides = array<i32>} : memref<160x128xf32, #tpu.memory_space<vmem>>, vector<1x16xf32>,
        %get3A_825 = vector.shape_cast %get3A_824 : vector<1x16xf32> to vector<16xf32>
        %get3A_826 = arith.index_cast %add3A_803 : i32 to index
        %get3A_827 = arith.constant 32 : index
        %get3A_828 = tpu.vector_load %arg9[%get3A_826, %get3A_827] {strides = array<i32>} : memref<160x128xf32, #tpu.memory_space<vmem>>, vector<1x16xf32>,
        %get3A_829 = vector.shape_cast %get3A_828 : vector<1x16xf32> to vector<16xf32>
        %mul3A_830 = arith.mulf %get3A_825, %get3A_829 : vector<16xf32>
        %get3A_831 = arith.index_cast %add3A_803 : i32 to index
        %get3A_832 = arith.constant 48 : index
        %get3A_833 = tpu.vector_load %arg8[%get3A_831, %get3A_832] {strides = array<i32>} : memref<160x128xf32, #tpu.memory_space<vmem>>, vector<1x16xf32>,
        %get3A_834 = vector.shape_cast %get3A_833 : vector<1x16xf32> to vector<16xf32>
        %get3A_835 = arith.index_cast %add3A_803 : i32 to index
        %get3A_836 = arith.constant 48 : index
        %get3A_837 = tpu.vector_load %arg9[%get3A_835, %get3A_836] {strides = array<i32>} : memref<160x128xf32, #tpu.memory_space<vmem>>, vector<1x16xf32>,
        %get3A_838 = vector.shape_cast %get3A_837 : vector<1x16xf32> to vector<16xf32>
        %mul3A_839 = arith.mulf %get3A_834, %get3A_838 : vector<16xf32>
        %get3A_840 = arith.index_cast %add3A_803 : i32 to index
        %get3A_841 = arith.constant 64 : index
        %get3A_842 = tpu.vector_load %arg8[%get3A_840, %get3A_841] {strides = array<i32>} : memref<160x128xf32, #tpu.memory_space<vmem>>, vector<1x16xf32>,
        %get3A_843 = vector.shape_cast %get3A_842 : vector<1x16xf32> to vector<16xf32>
        %get3A_844 = arith.index_cast %add3A_803 : i32 to index
        %get3A_845 = arith.constant 64 : index
        %get3A_846 = tpu.vector_load %arg9[%get3A_844, %get3A_845] {strides = array<i32>} : memref<160x128xf32, #tpu.memory_space<vmem>>, vector<1x16xf32>,
        %get3A_847 = vector.shape_cast %get3A_846 : vector<1x16xf32> to vector<16xf32>
        %mul3A_848 = arith.mulf %get3A_843, %get3A_847 : vector<16xf32>
        %get3A_849 = arith.index_cast %add3A_803 : i32 to index
        %get3A_850 = arith.constant 80 : index
        %get3A_851 = tpu.vector_load %arg8[%get3A_849, %get3A_850] {strides = array<i32>} : memref<160x128xf32, #tpu.memory_space<vmem>>, vector<1x16xf32>,
        %get3A_852 = vector.shape_cast %get3A_851 : vector<1x16xf32> to vector<16xf32>
        %get3A_853 = arith.index_cast %add3A_803 : i32 to index
        %get3A_854 = arith.constant 80 : index
        %get3A_855 = tpu.vector_load %arg9[%get3A_853, %get3A_854] {strides = array<i32>} : memref<160x128xf32, #tpu.memory_space<vmem>>, vector<1x16xf32>,
        %get3A_856 = vector.shape_cast %get3A_855 : vector<1x16xf32> to vector<16xf32>
        %mul3A_857 = arith.mulf %get3A_852, %get3A_856 : vector<16xf32>
        %get3A_858 = arith.index_cast %add3A_803 : i32 to index
        %get3A_859 = arith.constant 96 : index
        %get3A_860 = tpu.vector_load %arg8[%get3A_858, %get3A_859] {strides = array<i32>} : memref<160x128xf32, #tpu.memory_space<vmem>>, vector<1x16xf32>,
        %get3A_861 = vector.shape_cast %get3A_860 : vector<1x16xf32> to vector<16xf32>
        %get3A_862 = arith.index_cast %add3A_803 : i32 to index
        %get3A_863 = arith.constant 96 : index
        %get3A_864 = tpu.vector_load %arg9[%get3A_862, %get3A_863] {strides = array<i32>} : memref<160x128xf32, #tpu.memory_space<vmem>>, vector<1x16xf32>,
        %get3A_865 = vector.shape_cast %get3A_864 : vector<1x16xf32> to vector<16xf32>
        %mul3A_866 = arith.mulf %get3A_861, %get3A_865 : vector<16xf32>
        %get3A_867 = arith.index_cast %add3A_803 : i32 to index
        %get3A_868 = arith.constant 112 : index
        %get3A_869 = tpu.vector_load %arg8[%get3A_867, %get3A_868] {strides = array<i32>} : memref<160x128xf32, #tpu.memory_space<vmem>>, vector<1x16xf32>,
        %get3A_870 = vector.shape_cast %get3A_869 : vector<1x16xf32> to vector<16xf32>
        %get3A_871 = arith.index_cast %add3A_803 : i32 to index
        %get3A_872 = arith.constant 112 : index
        %get3A_873 = tpu.vector_load %arg9[%get3A_871, %get3A_872] {strides = array<i32>} : memref<160x128xf32, #tpu.memory_space<vmem>>, vector<1x16xf32>,
        %get3A_874 = vector.shape_cast %get3A_873 : vector<1x16xf32> to vector<16xf32>
        %mul3A_875 = arith.mulf %get3A_870, %get3A_874 : vector<16xf32>
        %add3A_876 = arith.addf %mul3A_812, %mul3A_821 : vector<16xf32>
        %add3A_877 = arith.addf %mul3A_830, %mul3A_839 : vector<16xf32>
        %add3A_878 = arith.addf %mul3A_848, %mul3A_857 : vector<16xf32>
        %add3A_879 = arith.addf %mul3A_866, %mul3A_875 : vector<16xf32>
        %add3A_880 = arith.addf %add3A_876, %add3A_877 : vector<16xf32>
        %add3A_881 = arith.addf %add3A_878, %add3A_879 : vector<16xf32>
        %add3A_882 = arith.addf %add3A_880, %add3A_881 : vector<16xf32>
        %add3A_883 = arith.constant 15 : i32
        %add3A_884 = arith.addi %add3A_235, %add3A_883 : i32
        %get3A_885 = arith.index_cast %add3A_884 : i32 to index
        %get3A_886 = arith.constant 0 : index
        %get3A_887 = tpu.vector_load %arg8[%get3A_885, %get3A_886] {strides = array<i32>} : memref<160x128xf32, #tpu.memory_space<vmem>>, vector<1x16xf32>,
        %get3A_888 = vector.shape_cast %get3A_887 : vector<1x16xf32> to vector<16xf32>
        %get3A_889 = arith.index_cast %add3A_884 : i32 to index
        %get3A_890 = arith.constant 0 : index
        %get3A_891 = tpu.vector_load %arg9[%get3A_889, %get3A_890] {strides = array<i32>} : memref<160x128xf32, #tpu.memory_space<vmem>>, vector<1x16xf32>,
        %get3A_892 = vector.shape_cast %get3A_891 : vector<1x16xf32> to vector<16xf32>
        %mul3A_893 = arith.mulf %get3A_888, %get3A_892 : vector<16xf32>
        %get3A_894 = arith.index_cast %add3A_884 : i32 to index
        %get3A_895 = arith.constant 16 : index
        %get3A_896 = tpu.vector_load %arg8[%get3A_894, %get3A_895] {strides = array<i32>} : memref<160x128xf32, #tpu.memory_space<vmem>>, vector<1x16xf32>,
        %get3A_897 = vector.shape_cast %get3A_896 : vector<1x16xf32> to vector<16xf32>
        %get3A_898 = arith.index_cast %add3A_884 : i32 to index
        %get3A_899 = arith.constant 16 : index
        %get3A_900 = tpu.vector_load %arg9[%get3A_898, %get3A_899] {strides = array<i32>} : memref<160x128xf32, #tpu.memory_space<vmem>>, vector<1x16xf32>,
        %get3A_901 = vector.shape_cast %get3A_900 : vector<1x16xf32> to vector<16xf32>
        %mul3A_902 = arith.mulf %get3A_897, %get3A_901 : vector<16xf32>
        %get3A_903 = arith.index_cast %add3A_884 : i32 to index
        %get3A_904 = arith.constant 32 : index
        %get3A_905 = tpu.vector_load %arg8[%get3A_903, %get3A_904] {strides = array<i32>} : memref<160x128xf32, #tpu.memory_space<vmem>>, vector<1x16xf32>,
        %get3A_906 = vector.shape_cast %get3A_905 : vector<1x16xf32> to vector<16xf32>
        %get3A_907 = arith.index_cast %add3A_884 : i32 to index
        %get3A_908 = arith.constant 32 : index
        %get3A_909 = tpu.vector_load %arg9[%get3A_907, %get3A_908] {strides = array<i32>} : memref<160x128xf32, #tpu.memory_space<vmem>>, vector<1x16xf32>,
        %get3A_910 = vector.shape_cast %get3A_909 : vector<1x16xf32> to vector<16xf32>
        %mul3A_911 = arith.mulf %get3A_906, %get3A_910 : vector<16xf32>
        %get3A_912 = arith.index_cast %add3A_884 : i32 to index
        %get3A_913 = arith.constant 48 : index
        %get3A_914 = tpu.vector_load %arg8[%get3A_912, %get3A_913] {strides = array<i32>} : memref<160x128xf32, #tpu.memory_space<vmem>>, vector<1x16xf32>,
        %get3A_915 = vector.shape_cast %get3A_914 : vector<1x16xf32> to vector<16xf32>
        %get3A_916 = arith.index_cast %add3A_884 : i32 to index
        %get3A_917 = arith.constant 48 : index
        %get3A_918 = tpu.vector_load %arg9[%get3A_916, %get3A_917] {strides = array<i32>} : memref<160x128xf32, #tpu.memory_space<vmem>>, vector<1x16xf32>,
        %get3A_919 = vector.shape_cast %get3A_918 : vector<1x16xf32> to vector<16xf32>
        %mul3A_920 = arith.mulf %get3A_915, %get3A_919 : vector<16xf32>
        %get3A_921 = arith.index_cast %add3A_884 : i32 to index
        %get3A_922 = arith.constant 64 : index
        %get3A_923 = tpu.vector_load %arg8[%get3A_921, %get3A_922] {strides = array<i32>} : memref<160x128xf32, #tpu.memory_space<vmem>>, vector<1x16xf32>,
        %get3A_924 = vector.shape_cast %get3A_923 : vector<1x16xf32> to vector<16xf32>
        %get3A_925 = arith.index_cast %add3A_884 : i32 to index
        %get3A_926 = arith.constant 64 : index
        %get3A_927 = tpu.vector_load %arg9[%get3A_925, %get3A_926] {strides = array<i32>} : memref<160x128xf32, #tpu.memory_space<vmem>>, vector<1x16xf32>,
        %get3A_928 = vector.shape_cast %get3A_927 : vector<1x16xf32> to vector<16xf32>
        %mul3A_929 = arith.mulf %get3A_924, %get3A_928 : vector<16xf32>
        %get3A_930 = arith.index_cast %add3A_884 : i32 to index
        %get3A_931 = arith.constant 80 : index
        %get3A_932 = tpu.vector_load %arg8[%get3A_930, %get3A_931] {strides = array<i32>} : memref<160x128xf32, #tpu.memory_space<vmem>>, vector<1x16xf32>,
        %get3A_933 = vector.shape_cast %get3A_932 : vector<1x16xf32> to vector<16xf32>
        %get3A_934 = arith.index_cast %add3A_884 : i32 to index
        %get3A_935 = arith.constant 80 : index
        %get3A_936 = tpu.vector_load %arg9[%get3A_934, %get3A_935] {strides = array<i32>} : memref<160x128xf32, #tpu.memory_space<vmem>>, vector<1x16xf32>,
        %get3A_937 = vector.shape_cast %get3A_936 : vector<1x16xf32> to vector<16xf32>
        %mul3A_938 = arith.mulf %get3A_933, %get3A_937 : vector<16xf32>
        %get3A_939 = arith.index_cast %add3A_884 : i32 to index
        %get3A_940 = arith.constant 96 : index
        %get3A_941 = tpu.vector_load %arg8[%get3A_939, %get3A_940] {strides = array<i32>} : memref<160x128xf32, #tpu.memory_space<vmem>>, vector<1x16xf32>,
        %get3A_942 = vector.shape_cast %get3A_941 : vector<1x16xf32> to vector<16xf32>
        %get3A_943 = arith.index_cast %add3A_884 : i32 to index
        %get3A_944 = arith.constant 96 : index
        %get3A_945 = tpu.vector_load %arg9[%get3A_943, %get3A_944] {strides = array<i32>} : memref<160x128xf32, #tpu.memory_space<vmem>>, vector<1x16xf32>,
        %get3A_946 = vector.shape_cast %get3A_945 : vector<1x16xf32> to vector<16xf32>
        %mul3A_947 = arith.mulf %get3A_942, %get3A_946 : vector<16xf32>
        %get3A_948 = arith.index_cast %add3A_884 : i32 to index
        %get3A_949 = arith.constant 112 : index
        %get3A_950 = tpu.vector_load %arg8[%get3A_948, %get3A_949] {strides = array<i32>} : memref<160x128xf32, #tpu.memory_space<vmem>>, vector<1x16xf32>,
        %get3A_951 = vector.shape_cast %get3A_950 : vector<1x16xf32> to vector<16xf32>
        %get3A_952 = arith.index_cast %add3A_884 : i32 to index
        %get3A_953 = arith.constant 112 : index
        %get3A_954 = tpu.vector_load %arg9[%get3A_952, %get3A_953] {strides = array<i32>} : memref<160x128xf32, #tpu.memory_space<vmem>>, vector<1x16xf32>,
        %get3A_955 = vector.shape_cast %get3A_954 : vector<1x16xf32> to vector<16xf32>
        %mul3A_956 = arith.mulf %get3A_951, %get3A_955 : vector<16xf32>
        %add3A_957 = arith.addf %mul3A_893, %mul3A_902 : vector<16xf32>
        %add3A_958 = arith.addf %mul3A_911, %mul3A_920 : vector<16xf32>
        %add3A_959 = arith.addf %mul3A_929, %mul3A_938 : vector<16xf32>
        %add3A_960 = arith.addf %mul3A_947, %mul3A_956 : vector<16xf32>
        %add3A_961 = arith.addf %add3A_957, %add3A_958 : vector<16xf32>
        %add3A_962 = arith.addf %add3A_959, %add3A_960 : vector<16xf32>
        %add3A_963 = arith.addf %add3A_961, %add3A_962 : vector<16xf32>
        %add3A_964 = arith.constant 7 : i32
        %add3A_965 = arith.addi %add3A_235, %add3A_964 : i32
        %get3A_966 = arith.index_cast %add3A_965 : i32 to index
        %get3A_967 = arith.constant 0 : index
        %get3A_968 = tpu.vector_load %arg8[%get3A_966, %get3A_967] {strides = array<i32>} : memref<160x128xf32, #tpu.memory_space<vmem>>, vector<1x16xf32>,
        %get3A_969 = vector.shape_cast %get3A_968 : vector<1x16xf32> to vector<16xf32>
        %get3A_970 = arith.index_cast %add3A_965 : i32 to index
        %get3A_971 = arith.constant 0 : index
        %get3A_972 = tpu.vector_load %arg9[%get3A_970, %get3A_971] {strides = array<i32>} : memref<160x128xf32, #tpu.memory_space<vmem>>, vector<1x16xf32>,
        %get3A_973 = vector.shape_cast %get3A_972 : vector<1x16xf32> to vector<16xf32>
        %mul3A_974 = arith.mulf %get3A_969, %get3A_973 : vector<16xf32>
        %get3A_975 = arith.index_cast %add3A_965 : i32 to index
        %get3A_976 = arith.constant 16 : index
        %get3A_977 = tpu.vector_load %arg8[%get3A_975, %get3A_976] {strides = array<i32>} : memref<160x128xf32, #tpu.memory_space<vmem>>, vector<1x16xf32>,
        %get3A_978 = vector.shape_cast %get3A_977 : vector<1x16xf32> to vector<16xf32>
        %get3A_979 = arith.index_cast %add3A_965 : i32 to index
        %get3A_980 = arith.constant 16 : index
        %get3A_981 = tpu.vector_load %arg9[%get3A_979, %get3A_980] {strides = array<i32>} : memref<160x128xf32, #tpu.memory_space<vmem>>, vector<1x16xf32>,
        %get3A_982 = vector.shape_cast %get3A_981 : vector<1x16xf32> to vector<16xf32>
        %mul3A_983 = arith.mulf %get3A_978, %get3A_982 : vector<16xf32>
        %get3A_984 = arith.index_cast %add3A_965 : i32 to index
        %get3A_985 = arith.constant 32 : index
        %get3A_986 = tpu.vector_load %arg8[%get3A_984, %get3A_985] {strides = array<i32>} : memref<160x128xf32, #tpu.memory_space<vmem>>, vector<1x16xf32>,
        %get3A_987 = vector.shape_cast %get3A_986 : vector<1x16xf32> to vector<16xf32>
        %get3A_988 = arith.index_cast %add3A_965 : i32 to index
        %get3A_989 = arith.constant 32 : index
        %get3A_990 = tpu.vector_load %arg9[%get3A_988, %get3A_989] {strides = array<i32>} : memref<160x128xf32, #tpu.memory_space<vmem>>, vector<1x16xf32>,
        %get3A_991 = vector.shape_cast %get3A_990 : vector<1x16xf32> to vector<16xf32>
        %mul3A_992 = arith.mulf %get3A_987, %get3A_991 : vector<16xf32>
        %get3A_993 = arith.index_cast %add3A_965 : i32 to index
        %get3A_994 = arith.constant 48 : index
        %get3A_995 = tpu.vector_load %arg8[%get3A_993, %get3A_994] {strides = array<i32>} : memref<160x128xf32, #tpu.memory_space<vmem>>, vector<1x16xf32>,
        %get3A_996 = vector.shape_cast %get3A_995 : vector<1x16xf32> to vector<16xf32>
        %get3A_997 = arith.index_cast %add3A_965 : i32 to index
        %get3A_998 = arith.constant 48 : index
        %get3A_999 = tpu.vector_load %arg9[%get3A_997, %get3A_998] {strides = array<i32>} : memref<160x128xf32, #tpu.memory_space<vmem>>, vector<1x16xf32>,
        %get3A_1000 = vector.shape_cast %get3A_999 : vector<1x16xf32> to vector<16xf32>
        %mul3A_1001 = arith.mulf %get3A_996, %get3A_1000 : vector<16xf32>
        %get3A_1002 = arith.index_cast %add3A_965 : i32 to index
        %get3A_1003 = arith.constant 64 : index
        %get3A_1004 = tpu.vector_load %arg8[%get3A_1002, %get3A_1003] {strides = array<i32>} : memref<160x128xf32, #tpu.memory_space<vmem>>, vector<1x16xf32>,
        %get3A_1005 = vector.shape_cast %get3A_1004 : vector<1x16xf32> to vector<16xf32>
        %get3A_1006 = arith.index_cast %add3A_965 : i32 to index
        %get3A_1007 = arith.constant 64 : index
        %get3A_1008 = tpu.vector_load %arg9[%get3A_1006, %get3A_1007] {strides = array<i32>} : memref<160x128xf32, #tpu.memory_space<vmem>>, vector<1x16xf32>,
        %get3A_1009 = vector.shape_cast %get3A_1008 : vector<1x16xf32> to vector<16xf32>
        %mul3A_1010 = arith.mulf %get3A_1005, %get3A_1009 : vector<16xf32>
        %get3A_1011 = arith.index_cast %add3A_965 : i32 to index
        %get3A_1012 = arith.constant 80 : index
        %get3A_1013 = tpu.vector_load %arg8[%get3A_1011, %get3A_1012] {strides = array<i32>} : memref<160x128xf32, #tpu.memory_space<vmem>>, vector<1x16xf32>,
        %get3A_1014 = vector.shape_cast %get3A_1013 : vector<1x16xf32> to vector<16xf32>
        %get3A_1015 = arith.index_cast %add3A_965 : i32 to index
        %get3A_1016 = arith.constant 80 : index
        %get3A_1017 = tpu.vector_load %arg9[%get3A_1015, %get3A_1016] {strides = array<i32>} : memref<160x128xf32, #tpu.memory_space<vmem>>, vector<1x16xf32>,
        %get3A_1018 = vector.shape_cast %get3A_1017 : vector<1x16xf32> to vector<16xf32>
        %mul3A_1019 = arith.mulf %get3A_1014, %get3A_1018 : vector<16xf32>
        %get3A_1020 = arith.index_cast %add3A_965 : i32 to index
        %get3A_1021 = arith.constant 96 : index
        %get3A_1022 = tpu.vector_load %arg8[%get3A_1020, %get3A_1021] {strides = array<i32>} : memref<160x128xf32, #tpu.memory_space<vmem>>, vector<1x16xf32>,
        %get3A_1023 = vector.shape_cast %get3A_1022 : vector<1x16xf32> to vector<16xf32>
        %get3A_1024 = arith.index_cast %add3A_965 : i32 to index
        %get3A_1025 = arith.constant 96 : index
        %get3A_1026 = tpu.vector_load %arg9[%get3A_1024, %get3A_1025] {strides = array<i32>} : memref<160x128xf32, #tpu.memory_space<vmem>>, vector<1x16xf32>,
        %get3A_1027 = vector.shape_cast %get3A_1026 : vector<1x16xf32> to vector<16xf32>
        %mul3A_1028 = arith.mulf %get3A_1023, %get3A_1027 : vector<16xf32>
        %get3A_1029 = arith.index_cast %add3A_965 : i32 to index
        %get3A_1030 = arith.constant 112 : index
        %get3A_1031 = tpu.vector_load %arg8[%get3A_1029, %get3A_1030] {strides = array<i32>} : memref<160x128xf32, #tpu.memory_space<vmem>>, vector<1x16xf32>,
        %get3A_1032 = vector.shape_cast %get3A_1031 : vector<1x16xf32> to vector<16xf32>
        %get3A_1033 = arith.index_cast %add3A_965 : i32 to index
        %get3A_1034 = arith.constant 112 : index
        %get3A_1035 = tpu.vector_load %arg9[%get3A_1033, %get3A_1034] {strides = array<i32>} : memref<160x128xf32, #tpu.memory_space<vmem>>, vector<1x16xf32>,
        %get3A_1036 = vector.shape_cast %get3A_1035 : vector<1x16xf32> to vector<16xf32>
        %mul3A_1037 = arith.mulf %get3A_1032, %get3A_1036 : vector<16xf32>
        %add3A_1038 = arith.addf %mul3A_974, %mul3A_983 : vector<16xf32>
        %add3A_1039 = arith.addf %mul3A_992, %mul3A_1001 : vector<16xf32>
        %add3A_1040 = arith.addf %mul3A_1010, %mul3A_1019 : vector<16xf32>
        %add3A_1041 = arith.addf %mul3A_1028, %mul3A_1037 : vector<16xf32>
        %add3A_1042 = arith.addf %add3A_1038, %add3A_1039 : vector<16xf32>
        %add3A_1043 = arith.addf %add3A_1040, %add3A_1041 : vector<16xf32>
        %add3A_1044 = arith.addf %add3A_1042, %add3A_1043 : vector<16xf32>
        %add3A_1045 = arith.constant 11 : i32
        %add3A_1046 = arith.addi %add3A_235, %add3A_1045 : i32
        %get3A_1047 = arith.index_cast %add3A_1046 : i32 to index
        %get3A_1048 = arith.constant 0 : index
        %get3A_1049 = tpu.vector_load %arg8[%get3A_1047, %get3A_1048] {strides = array<i32>} : memref<160x128xf32, #tpu.memory_space<vmem>>, vector<1x16xf32>,
        %get3A_1050 = vector.shape_cast %get3A_1049 : vector<1x16xf32> to vector<16xf32>
        %get3A_1051 = arith.index_cast %add3A_1046 : i32 to index
        %get3A_1052 = arith.constant 0 : index
        %get3A_1053 = tpu.vector_load %arg9[%get3A_1051, %get3A_1052] {strides = array<i32>} : memref<160x128xf32, #tpu.memory_space<vmem>>, vector<1x16xf32>,
        %get3A_1054 = vector.shape_cast %get3A_1053 : vector<1x16xf32> to vector<16xf32>
        %mul3A_1055 = arith.mulf %get3A_1050, %get3A_1054 : vector<16xf32>
        %get3A_1056 = arith.index_cast %add3A_1046 : i32 to index
        %get3A_1057 = arith.constant 16 : index
        %get3A_1058 = tpu.vector_load %arg8[%get3A_1056, %get3A_1057] {strides = array<i32>} : memref<160x128xf32, #tpu.memory_space<vmem>>, vector<1x16xf32>,
        %get3A_1059 = vector.shape_cast %get3A_1058 : vector<1x16xf32> to vector<16xf32>
        %get3A_1060 = arith.index_cast %add3A_1046 : i32 to index
        %get3A_1061 = arith.constant 16 : index
        %get3A_1062 = tpu.vector_load %arg9[%get3A_1060, %get3A_1061] {strides = array<i32>} : memref<160x128xf32, #tpu.memory_space<vmem>>, vector<1x16xf32>,
        %get3A_1063 = vector.shape_cast %get3A_1062 : vector<1x16xf32> to vector<16xf32>
        %mul3A_1064 = arith.mulf %get3A_1059, %get3A_1063 : vector<16xf32>
        %get3A_1065 = arith.index_cast %add3A_1046 : i32 to index
        %get3A_1066 = arith.constant 32 : index
        %get3A_1067 = tpu.vector_load %arg8[%get3A_1065, %get3A_1066] {strides = array<i32>} : memref<160x128xf32, #tpu.memory_space<vmem>>, vector<1x16xf32>,
        %get3A_1068 = vector.shape_cast %get3A_1067 : vector<1x16xf32> to vector<16xf32>
        %get3A_1069 = arith.index_cast %add3A_1046 : i32 to index
        %get3A_1070 = arith.constant 32 : index
        %get3A_1071 = tpu.vector_load %arg9[%get3A_1069, %get3A_1070] {strides = array<i32>} : memref<160x128xf32, #tpu.memory_space<vmem>>, vector<1x16xf32>,
        %get3A_1072 = vector.shape_cast %get3A_1071 : vector<1x16xf32> to vector<16xf32>
        %mul3A_1073 = arith.mulf %get3A_1068, %get3A_1072 : vector<16xf32>
        %get3A_1074 = arith.index_cast %add3A_1046 : i32 to index
        %get3A_1075 = arith.constant 48 : index
        %get3A_1076 = tpu.vector_load %arg8[%get3A_1074, %get3A_1075] {strides = array<i32>} : memref<160x128xf32, #tpu.memory_space<vmem>>, vector<1x16xf32>,
        %get3A_1077 = vector.shape_cast %get3A_1076 : vector<1x16xf32> to vector<16xf32>
        %get3A_1078 = arith.index_cast %add3A_1046 : i32 to index
        %get3A_1079 = arith.constant 48 : index
        %get3A_1080 = tpu.vector_load %arg9[%get3A_1078, %get3A_1079] {strides = array<i32>} : memref<160x128xf32, #tpu.memory_space<vmem>>, vector<1x16xf32>,
        %get3A_1081 = vector.shape_cast %get3A_1080 : vector<1x16xf32> to vector<16xf32>
        %mul3A_1082 = arith.mulf %get3A_1077, %get3A_1081 : vector<16xf32>
        %get3A_1083 = arith.index_cast %add3A_1046 : i32 to index
        %get3A_1084 = arith.constant 64 : index
        %get3A_1085 = tpu.vector_load %arg8[%get3A_1083, %get3A_1084] {strides = array<i32>} : memref<160x128xf32, #tpu.memory_space<vmem>>, vector<1x16xf32>,
        %get3A_1086 = vector.shape_cast %get3A_1085 : vector<1x16xf32> to vector<16xf32>
        %get3A_1087 = arith.index_cast %add3A_1046 : i32 to index
        %get3A_1088 = arith.constant 64 : index
        %get3A_1089 = tpu.vector_load %arg9[%get3A_1087, %get3A_1088] {strides = array<i32>} : memref<160x128xf32, #tpu.memory_space<vmem>>, vector<1x16xf32>,
        %get3A_1090 = vector.shape_cast %get3A_1089 : vector<1x16xf32> to vector<16xf32>
        %mul3A_1091 = arith.mulf %get3A_1086, %get3A_1090 : vector<16xf32>
        %get3A_1092 = arith.index_cast %add3A_1046 : i32 to index
        %get3A_1093 = arith.constant 80 : index
        %get3A_1094 = tpu.vector_load %arg8[%get3A_1092, %get3A_1093] {strides = array<i32>} : memref<160x128xf32, #tpu.memory_space<vmem>>, vector<1x16xf32>,
        %get3A_1095 = vector.shape_cast %get3A_1094 : vector<1x16xf32> to vector<16xf32>
        %get3A_1096 = arith.index_cast %add3A_1046 : i32 to index
        %get3A_1097 = arith.constant 80 : index
        %get3A_1098 = tpu.vector_load %arg9[%get3A_1096, %get3A_1097] {strides = array<i32>} : memref<160x128xf32, #tpu.memory_space<vmem>>, vector<1x16xf32>,
        %get3A_1099 = vector.shape_cast %get3A_1098 : vector<1x16xf32> to vector<16xf32>
        %mul3A_1100 = arith.mulf %get3A_1095, %get3A_1099 : vector<16xf32>
        %get3A_1101 = arith.index_cast %add3A_1046 : i32 to index
        %get3A_1102 = arith.constant 96 : index
        %get3A_1103 = tpu.vector_load %arg8[%get3A_1101, %get3A_1102] {strides = array<i32>} : memref<160x128xf32, #tpu.memory_space<vmem>>, vector<1x16xf32>,
        %get3A_1104 = vector.shape_cast %get3A_1103 : vector<1x16xf32> to vector<16xf32>
        %get3A_1105 = arith.index_cast %add3A_1046 : i32 to index
        %get3A_1106 = arith.constant 96 : index
        %get3A_1107 = tpu.vector_load %arg9[%get3A_1105, %get3A_1106] {strides = array<i32>} : memref<160x128xf32, #tpu.memory_space<vmem>>, vector<1x16xf32>,
        %get3A_1108 = vector.shape_cast %get3A_1107 : vector<1x16xf32> to vector<16xf32>
        %mul3A_1109 = arith.mulf %get3A_1104, %get3A_1108 : vector<16xf32>
        %get3A_1110 = arith.index_cast %add3A_1046 : i32 to index
        %get3A_1111 = arith.constant 112 : index
        %get3A_1112 = tpu.vector_load %arg8[%get3A_1110, %get3A_1111] {strides = array<i32>} : memref<160x128xf32, #tpu.memory_space<vmem>>, vector<1x16xf32>,
        %get3A_1113 = vector.shape_cast %get3A_1112 : vector<1x16xf32> to vector<16xf32>
        %get3A_1114 = arith.index_cast %add3A_1046 : i32 to index
        %get3A_1115 = arith.constant 112 : index
        %get3A_1116 = tpu.vector_load %arg9[%get3A_1114, %get3A_1115] {strides = array<i32>} : memref<160x128xf32, #tpu.memory_space<vmem>>, vector<1x16xf32>,
        %get3A_1117 = vector.shape_cast %get3A_1116 : vector<1x16xf32> to vector<16xf32>
        %mul3A_1118 = arith.mulf %get3A_1113, %get3A_1117 : vector<16xf32>
        %add3A_1119 = arith.addf %mul3A_1055, %mul3A_1064 : vector<16xf32>
        %add3A_1120 = arith.addf %mul3A_1073, %mul3A_1082 : vector<16xf32>
        %add3A_1121 = arith.addf %mul3A_1091, %mul3A_1100 : vector<16xf32>
        %add3A_1122 = arith.addf %mul3A_1109, %mul3A_1118 : vector<16xf32>
        %add3A_1123 = arith.addf %add3A_1119, %add3A_1120 : vector<16xf32>
        %add3A_1124 = arith.addf %add3A_1121, %add3A_1122 : vector<16xf32>
        %add3A_1125 = arith.addf %add3A_1123, %add3A_1124 : vector<16xf32>
        %add3A_1126 = arith.constant 3 : i32
        %add3A_1127 = arith.addi %add3A_235, %add3A_1126 : i32
        %get3A_1128 = arith.index_cast %add3A_1127 : i32 to index
        %get3A_1129 = arith.constant 0 : index
        %get3A_1130 = tpu.vector_load %arg8[%get3A_1128, %get3A_1129] {strides = array<i32>} : memref<160x128xf32, #tpu.memory_space<vmem>>, vector<1x16xf32>,
        %get3A_1131 = vector.shape_cast %get3A_1130 : vector<1x16xf32> to vector<16xf32>
        %get3A_1132 = arith.index_cast %add3A_1127 : i32 to index
        %get3A_1133 = arith.constant 0 : index
        %get3A_1134 = tpu.vector_load %arg9[%get3A_1132, %get3A_1133] {strides = array<i32>} : memref<160x128xf32, #tpu.memory_space<vmem>>, vector<1x16xf32>,
        %get3A_1135 = vector.shape_cast %get3A_1134 : vector<1x16xf32> to vector<16xf32>
        %mul3A_1136 = arith.mulf %get3A_1131, %get3A_1135 : vector<16xf32>
        %get3A_1137 = arith.index_cast %add3A_1127 : i32 to index
        %get3A_1138 = arith.constant 16 : index
        %get3A_1139 = tpu.vector_load %arg8[%get3A_1137, %get3A_1138] {strides = array<i32>} : memref<160x128xf32, #tpu.memory_space<vmem>>, vector<1x16xf32>,
        %get3A_1140 = vector.shape_cast %get3A_1139 : vector<1x16xf32> to vector<16xf32>
        %get3A_1141 = arith.index_cast %add3A_1127 : i32 to index
        %get3A_1142 = arith.constant 16 : index
        %get3A_1143 = tpu.vector_load %arg9[%get3A_1141, %get3A_1142] {strides = array<i32>} : memref<160x128xf32, #tpu.memory_space<vmem>>, vector<1x16xf32>,
        %get3A_1144 = vector.shape_cast %get3A_1143 : vector<1x16xf32> to vector<16xf32>
        %mul3A_1145 = arith.mulf %get3A_1140, %get3A_1144 : vector<16xf32>
        %get3A_1146 = arith.index_cast %add3A_1127 : i32 to index
        %get3A_1147 = arith.constant 32 : index
        %get3A_1148 = tpu.vector_load %arg8[%get3A_1146, %get3A_1147] {strides = array<i32>} : memref<160x128xf32, #tpu.memory_space<vmem>>, vector<1x16xf32>,
        %get3A_1149 = vector.shape_cast %get3A_1148 : vector<1x16xf32> to vector<16xf32>
        %get3A_1150 = arith.index_cast %add3A_1127 : i32 to index
        %get3A_1151 = arith.constant 32 : index
        %get3A_1152 = tpu.vector_load %arg9[%get3A_1150, %get3A_1151] {strides = array<i32>} : memref<160x128xf32, #tpu.memory_space<vmem>>, vector<1x16xf32>,
        %get3A_1153 = vector.shape_cast %get3A_1152 : vector<1x16xf32> to vector<16xf32>
        %mul3A_1154 = arith.mulf %get3A_1149, %get3A_1153 : vector<16xf32>
        %get3A_1155 = arith.index_cast %add3A_1127 : i32 to index
        %get3A_1156 = arith.constant 48 : index
        %get3A_1157 = tpu.vector_load %arg8[%get3A_1155, %get3A_1156] {strides = array<i32>} : memref<160x128xf32, #tpu.memory_space<vmem>>, vector<1x16xf32>,
        %get3A_1158 = vector.shape_cast %get3A_1157 : vector<1x16xf32> to vector<16xf32>
        %get3A_1159 = arith.index_cast %add3A_1127 : i32 to index
        %get3A_1160 = arith.constant 48 : index
        %get3A_1161 = tpu.vector_load %arg9[%get3A_1159, %get3A_1160] {strides = array<i32>} : memref<160x128xf32, #tpu.memory_space<vmem>>, vector<1x16xf32>,
        %get3A_1162 = vector.shape_cast %get3A_1161 : vector<1x16xf32> to vector<16xf32>
        %mul3A_1163 = arith.mulf %get3A_1158, %get3A_1162 : vector<16xf32>
        %get3A_1164 = arith.index_cast %add3A_1127 : i32 to index
        %get3A_1165 = arith.constant 64 : index
        %get3A_1166 = tpu.vector_load %arg8[%get3A_1164, %get3A_1165] {strides = array<i32>} : memref<160x128xf32, #tpu.memory_space<vmem>>, vector<1x16xf32>,
        %get3A_1167 = vector.shape_cast %get3A_1166 : vector<1x16xf32> to vector<16xf32>
        %get3A_1168 = arith.index_cast %add3A_1127 : i32 to index
        %get3A_1169 = arith.constant 64 : index
        %get3A_1170 = tpu.vector_load %arg9[%get3A_1168, %get3A_1169] {strides = array<i32>} : memref<160x128xf32, #tpu.memory_space<vmem>>, vector<1x16xf32>,
        %get3A_1171 = vector.shape_cast %get3A_1170 : vector<1x16xf32> to vector<16xf32>
        %mul3A_1172 = arith.mulf %get3A_1167, %get3A_1171 : vector<16xf32>
        %get3A_1173 = arith.index_cast %add3A_1127 : i32 to index
        %get3A_1174 = arith.constant 80 : index
        %get3A_1175 = tpu.vector_load %arg8[%get3A_1173, %get3A_1174] {strides = array<i32>} : memref<160x128xf32, #tpu.memory_space<vmem>>, vector<1x16xf32>,
        %get3A_1176 = vector.shape_cast %get3A_1175 : vector<1x16xf32> to vector<16xf32>
        %get3A_1177 = arith.index_cast %add3A_1127 : i32 to index
        %get3A_1178 = arith.constant 80 : index
        %get3A_1179 = tpu.vector_load %arg9[%get3A_1177, %get3A_1178] {strides = array<i32>} : memref<160x128xf32, #tpu.memory_space<vmem>>, vector<1x16xf32>,
        %get3A_1180 = vector.shape_cast %get3A_1179 : vector<1x16xf32> to vector<16xf32>
        %mul3A_1181 = arith.mulf %get3A_1176, %get3A_1180 : vector<16xf32>
        %get3A_1182 = arith.index_cast %add3A_1127 : i32 to index
        %get3A_1183 = arith.constant 96 : index
        %get3A_1184 = tpu.vector_load %arg8[%get3A_1182, %get3A_1183] {strides = array<i32>} : memref<160x128xf32, #tpu.memory_space<vmem>>, vector<1x16xf32>,
        %get3A_1185 = vector.shape_cast %get3A_1184 : vector<1x16xf32> to vector<16xf32>
        %get3A_1186 = arith.index_cast %add3A_1127 : i32 to index
        %get3A_1187 = arith.constant 96 : index
        %get3A_1188 = tpu.vector_load %arg9[%get3A_1186, %get3A_1187] {strides = array<i32>} : memref<160x128xf32, #tpu.memory_space<vmem>>, vector<1x16xf32>,
        %get3A_1189 = vector.shape_cast %get3A_1188 : vector<1x16xf32> to vector<16xf32>
        %mul3A_1190 = arith.mulf %get3A_1185, %get3A_1189 : vector<16xf32>
        %get3A_1191 = arith.index_cast %add3A_1127 : i32 to index
        %get3A_1192 = arith.constant 112 : index
        %get3A_1193 = tpu.vector_load %arg8[%get3A_1191, %get3A_1192] {strides = array<i32>} : memref<160x128xf32, #tpu.memory_space<vmem>>, vector<1x16xf32>,
        %get3A_1194 = vector.shape_cast %get3A_1193 : vector<1x16xf32> to vector<16xf32>
        %get3A_1195 = arith.index_cast %add3A_1127 : i32 to index
        %get3A_1196 = arith.constant 112 : index
        %get3A_1197 = tpu.vector_load %arg9[%get3A_1195, %get3A_1196] {strides = array<i32>} : memref<160x128xf32, #tpu.memory_space<vmem>>, vector<1x16xf32>,
        %get3A_1198 = vector.shape_cast %get3A_1197 : vector<1x16xf32> to vector<16xf32>
        %mul3A_1199 = arith.mulf %get3A_1194, %get3A_1198 : vector<16xf32>
        %add3A_1200 = arith.addf %mul3A_1136, %mul3A_1145 : vector<16xf32>
        %add3A_1201 = arith.addf %mul3A_1154, %mul3A_1163 : vector<16xf32>
        %add3A_1202 = arith.addf %mul3A_1172, %mul3A_1181 : vector<16xf32>
        %add3A_1203 = arith.addf %mul3A_1190, %mul3A_1199 : vector<16xf32>
        %add3A_1204 = arith.addf %add3A_1200, %add3A_1201 : vector<16xf32>
        %add3A_1205 = arith.addf %add3A_1202, %add3A_1203 : vector<16xf32>
        %add3A_1206 = arith.addf %add3A_1204, %add3A_1205 : vector<16xf32>
        %add3A_1207 = arith.constant 13 : i32
        %add3A_1208 = arith.addi %add3A_235, %add3A_1207 : i32
        %get3A_1209 = arith.index_cast %add3A_1208 : i32 to index
        %get3A_1210 = arith.constant 0 : index
        %get3A_1211 = tpu.vector_load %arg8[%get3A_1209, %get3A_1210] {strides = array<i32>} : memref<160x128xf32, #tpu.memory_space<vmem>>, vector<1x16xf32>,
        %get3A_1212 = vector.shape_cast %get3A_1211 : vector<1x16xf32> to vector<16xf32>
        %get3A_1213 = arith.index_cast %add3A_1208 : i32 to index
        %get3A_1214 = arith.constant 0 : index
        %get3A_1215 = tpu.vector_load %arg9[%get3A_1213, %get3A_1214] {strides = array<i32>} : memref<160x128xf32, #tpu.memory_space<vmem>>, vector<1x16xf32>,
        %get3A_1216 = vector.shape_cast %get3A_1215 : vector<1x16xf32> to vector<16xf32>
        %mul3A_1217 = arith.mulf %get3A_1212, %get3A_1216 : vector<16xf32>
        %get3A_1218 = arith.index_cast %add3A_1208 : i32 to index
        %get3A_1219 = arith.constant 16 : index
        %get3A_1220 = tpu.vector_load %arg8[%get3A_1218, %get3A_1219] {strides = array<i32>} : memref<160x128xf32, #tpu.memory_space<vmem>>, vector<1x16xf32>,
        %get3A_1221 = vector.shape_cast %get3A_1220 : vector<1x16xf32> to vector<16xf32>
        %get3A_1222 = arith.index_cast %add3A_1208 : i32 to index
        %get3A_1223 = arith.constant 16 : index
        %get3A_1224 = tpu.vector_load %arg9[%get3A_1222, %get3A_1223] {strides = array<i32>} : memref<160x128xf32, #tpu.memory_space<vmem>>, vector<1x16xf32>,
        %get3A_1225 = vector.shape_cast %get3A_1224 : vector<1x16xf32> to vector<16xf32>
        %mul3A_1226 = arith.mulf %get3A_1221, %get3A_1225 : vector<16xf32>
        %get3A_1227 = arith.index_cast %add3A_1208 : i32 to index
        %get3A_1228 = arith.constant 32 : index
        %get3A_1229 = tpu.vector_load %arg8[%get3A_1227, %get3A_1228] {strides = array<i32>} : memref<160x128xf32, #tpu.memory_space<vmem>>, vector<1x16xf32>,
        %get3A_1230 = vector.shape_cast %get3A_1229 : vector<1x16xf32> to vector<16xf32>
        %get3A_1231 = arith.index_cast %add3A_1208 : i32 to index
        %get3A_1232 = arith.constant 32 : index
        %get3A_1233 = tpu.vector_load %arg9[%get3A_1231, %get3A_1232] {strides = array<i32>} : memref<160x128xf32, #tpu.memory_space<vmem>>, vector<1x16xf32>,
        %get3A_1234 = vector.shape_cast %get3A_1233 : vector<1x16xf32> to vector<16xf32>
        %mul3A_1235 = arith.mulf %get3A_1230, %get3A_1234 : vector<16xf32>
        %get3A_1236 = arith.index_cast %add3A_1208 : i32 to index
        %get3A_1237 = arith.constant 48 : index
        %get3A_1238 = tpu.vector_load %arg8[%get3A_1236, %get3A_1237] {strides = array<i32>} : memref<160x128xf32, #tpu.memory_space<vmem>>, vector<1x16xf32>,
        %get3A_1239 = vector.shape_cast %get3A_1238 : vector<1x16xf32> to vector<16xf32>
        %get3A_1240 = arith.index_cast %add3A_1208 : i32 to index
        %get3A_1241 = arith.constant 48 : index
        %get3A_1242 = tpu.vector_load %arg9[%get3A_1240, %get3A_1241] {strides = array<i32>} : memref<160x128xf32, #tpu.memory_space<vmem>>, vector<1x16xf32>,
        %get3A_1243 = vector.shape_cast %get3A_1242 : vector<1x16xf32> to vector<16xf32>
        %mul3A_1244 = arith.mulf %get3A_1239, %get3A_1243 : vector<16xf32>
        %get3A_1245 = arith.index_cast %add3A_1208 : i32 to index
        %get3A_1246 = arith.constant 64 : index
        %get3A_1247 = tpu.vector_load %arg8[%get3A_1245, %get3A_1246] {strides = array<i32>} : memref<160x128xf32, #tpu.memory_space<vmem>>, vector<1x16xf32>,
        %get3A_1248 = vector.shape_cast %get3A_1247 : vector<1x16xf32> to vector<16xf32>
        %get3A_1249 = arith.index_cast %add3A_1208 : i32 to index
        %get3A_1250 = arith.constant 64 : index
        %get3A_1251 = tpu.vector_load %arg9[%get3A_1249, %get3A_1250] {strides = array<i32>} : memref<160x128xf32, #tpu.memory_space<vmem>>, vector<1x16xf32>,
        %get3A_1252 = vector.shape_cast %get3A_1251 : vector<1x16xf32> to vector<16xf32>
        %mul3A_1253 = arith.mulf %get3A_1248, %get3A_1252 : vector<16xf32>
        %get3A_1254 = arith.index_cast %add3A_1208 : i32 to index
        %get3A_1255 = arith.constant 80 : index
        %get3A_1256 = tpu.vector_load %arg8[%get3A_1254, %get3A_1255] {strides = array<i32>} : memref<160x128xf32, #tpu.memory_space<vmem>>, vector<1x16xf32>,
        %get3A_1257 = vector.shape_cast %get3A_1256 : vector<1x16xf32> to vector<16xf32>
        %get3A_1258 = arith.index_cast %add3A_1208 : i32 to index
        %get3A_1259 = arith.constant 80 : index
        %get3A_1260 = tpu.vector_load %arg9[%get3A_1258, %get3A_1259] {strides = array<i32>} : memref<160x128xf32, #tpu.memory_space<vmem>>, vector<1x16xf32>,
        %get3A_1261 = vector.shape_cast %get3A_1260 : vector<1x16xf32> to vector<16xf32>
        %mul3A_1262 = arith.mulf %get3A_1257, %get3A_1261 : vector<16xf32>
        %get3A_1263 = arith.index_cast %add3A_1208 : i32 to index
        %get3A_1264 = arith.constant 96 : index
        %get3A_1265 = tpu.vector_load %arg8[%get3A_1263, %get3A_1264] {strides = array<i32>} : memref<160x128xf32, #tpu.memory_space<vmem>>, vector<1x16xf32>,
        %get3A_1266 = vector.shape_cast %get3A_1265 : vector<1x16xf32> to vector<16xf32>
        %get3A_1267 = arith.index_cast %add3A_1208 : i32 to index
        %get3A_1268 = arith.constant 96 : index
        %get3A_1269 = tpu.vector_load %arg9[%get3A_1267, %get3A_1268] {strides = array<i32>} : memref<160x128xf32, #tpu.memory_space<vmem>>, vector<1x16xf32>,
        %get3A_1270 = vector.shape_cast %get3A_1269 : vector<1x16xf32> to vector<16xf32>
        %mul3A_1271 = arith.mulf %get3A_1266, %get3A_1270 : vector<16xf32>
        %get3A_1272 = arith.index_cast %add3A_1208 : i32 to index
        %get3A_1273 = arith.constant 112 : index
        %get3A_1274 = tpu.vector_load %arg8[%get3A_1272, %get3A_1273] {strides = array<i32>} : memref<160x128xf32, #tpu.memory_space<vmem>>, vector<1x16xf32>,
        %get3A_1275 = vector.shape_cast %get3A_1274 : vector<1x16xf32> to vector<16xf32>
        %get3A_1276 = arith.index_cast %add3A_1208 : i32 to index
        %get3A_1277 = arith.constant 112 : index
        %get3A_1278 = tpu.vector_load %arg9[%get3A_1276, %get3A_1277] {strides = array<i32>} : memref<160x128xf32, #tpu.memory_space<vmem>>, vector<1x16xf32>,
        %get3A_1279 = vector.shape_cast %get3A_1278 : vector<1x16xf32> to vector<16xf32>
        %mul3A_1280 = arith.mulf %get3A_1275, %get3A_1279 : vector<16xf32>
        %add3A_1281 = arith.addf %mul3A_1217, %mul3A_1226 : vector<16xf32>
        %add3A_1282 = arith.addf %mul3A_1235, %mul3A_1244 : vector<16xf32>
        %add3A_1283 = arith.addf %mul3A_1253, %mul3A_1262 : vector<16xf32>
        %add3A_1284 = arith.addf %mul3A_1271, %mul3A_1280 : vector<16xf32>
        %add3A_1285 = arith.addf %add3A_1281, %add3A_1282 : vector<16xf32>
        %add3A_1286 = arith.addf %add3A_1283, %add3A_1284 : vector<16xf32>
        %add3A_1287 = arith.addf %add3A_1285, %add3A_1286 : vector<16xf32>
        %add3A_1288 = arith.constant 5 : i32
        %add3A_1289 = arith.addi %add3A_235, %add3A_1288 : i32
        %get3A_1290 = arith.index_cast %add3A_1289 : i32 to index
        %get3A_1291 = arith.constant 0 : index
        %get3A_1292 = tpu.vector_load %arg8[%get3A_1290, %get3A_1291] {strides = array<i32>} : memref<160x128xf32, #tpu.memory_space<vmem>>, vector<1x16xf32>,
        %get3A_1293 = vector.shape_cast %get3A_1292 : vector<1x16xf32> to vector<16xf32>
        %get3A_1294 = arith.index_cast %add3A_1289 : i32 to index
        %get3A_1295 = arith.constant 0 : index
        %get3A_1296 = tpu.vector_load %arg9[%get3A_1294, %get3A_1295] {strides = array<i32>} : memref<160x128xf32, #tpu.memory_space<vmem>>, vector<1x16xf32>,
        %get3A_1297 = vector.shape_cast %get3A_1296 : vector<1x16xf32> to vector<16xf32>
        %mul3A_1298 = arith.mulf %get3A_1293, %get3A_1297 : vector<16xf32>
        %get3A_1299 = arith.index_cast %add3A_1289 : i32 to index
        %get3A_1300 = arith.constant 16 : index
        %get3A_1301 = tpu.vector_load %arg8[%get3A_1299, %get3A_1300] {strides = array<i32>} : memref<160x128xf32, #tpu.memory_space<vmem>>, vector<1x16xf32>,
        %get3A_1302 = vector.shape_cast %get3A_1301 : vector<1x16xf32> to vector<16xf32>
        %get3A_1303 = arith.index_cast %add3A_1289 : i32 to index
        %get3A_1304 = arith.constant 16 : index
        %get3A_1305 = tpu.vector_load %arg9[%get3A_1303, %get3A_1304] {strides = array<i32>} : memref<160x128xf32, #tpu.memory_space<vmem>>, vector<1x16xf32>,
        %get3A_1306 = vector.shape_cast %get3A_1305 : vector<1x16xf32> to vector<16xf32>
        %mul3A_1307 = arith.mulf %get3A_1302, %get3A_1306 : vector<16xf32>
        %get3A_1308 = arith.index_cast %add3A_1289 : i32 to index
        %get3A_1309 = arith.constant 32 : index
        %get3A_1310 = tpu.vector_load %arg8[%get3A_1308, %get3A_1309] {strides = array<i32>} : memref<160x128xf32, #tpu.memory_space<vmem>>, vector<1x16xf32>,
        %get3A_1311 = vector.shape_cast %get3A_1310 : vector<1x16xf32> to vector<16xf32>
        %get3A_1312 = arith.index_cast %add3A_1289 : i32 to index
        %get3A_1313 = arith.constant 32 : index
        %get3A_1314 = tpu.vector_load %arg9[%get3A_1312, %get3A_1313] {strides = array<i32>} : memref<160x128xf32, #tpu.memory_space<vmem>>, vector<1x16xf32>,
        %get3A_1315 = vector.shape_cast %get3A_1314 : vector<1x16xf32> to vector<16xf32>
        %mul3A_1316 = arith.mulf %get3A_1311, %get3A_1315 : vector<16xf32>
        %get3A_1317 = arith.index_cast %add3A_1289 : i32 to index
        %get3A_1318 = arith.constant 48 : index
        %get3A_1319 = tpu.vector_load %arg8[%get3A_1317, %get3A_1318] {strides = array<i32>} : memref<160x128xf32, #tpu.memory_space<vmem>>, vector<1x16xf32>,
        %get3A_1320 = vector.shape_cast %get3A_1319 : vector<1x16xf32> to vector<16xf32>
        %get3A_1321 = arith.index_cast %add3A_1289 : i32 to index
        %get3A_1322 = arith.constant 48 : index
        %get3A_1323 = tpu.vector_load %arg9[%get3A_1321, %get3A_1322] {strides = array<i32>} : memref<160x128xf32, #tpu.memory_space<vmem>>, vector<1x16xf32>,
        %get3A_1324 = vector.shape_cast %get3A_1323 : vector<1x16xf32> to vector<16xf32>
        %mul3A_1325 = arith.mulf %get3A_1320, %get3A_1324 : vector<16xf32>
        %get3A_1326 = arith.index_cast %add3A_1289 : i32 to index
        %get3A_1327 = arith.constant 64 : index
        %get3A_1328 = tpu.vector_load %arg8[%get3A_1326, %get3A_1327] {strides = array<i32>} : memref<160x128xf32, #tpu.memory_space<vmem>>, vector<1x16xf32>,
        %get3A_1329 = vector.shape_cast %get3A_1328 : vector<1x16xf32> to vector<16xf32>
        %get3A_1330 = arith.index_cast %add3A_1289 : i32 to index
        %get3A_1331 = arith.constant 64 : index
        %get3A_1332 = tpu.vector_load %arg9[%get3A_1330, %get3A_1331] {strides = array<i32>} : memref<160x128xf32, #tpu.memory_space<vmem>>, vector<1x16xf32>,
        %get3A_1333 = vector.shape_cast %get3A_1332 : vector<1x16xf32> to vector<16xf32>
        %mul3A_1334 = arith.mulf %get3A_1329, %get3A_1333 : vector<16xf32>
        %get3A_1335 = arith.index_cast %add3A_1289 : i32 to index
        %get3A_1336 = arith.constant 80 : index
        %get3A_1337 = tpu.vector_load %arg8[%get3A_1335, %get3A_1336] {strides = array<i32>} : memref<160x128xf32, #tpu.memory_space<vmem>>, vector<1x16xf32>,
        %get3A_1338 = vector.shape_cast %get3A_1337 : vector<1x16xf32> to vector<16xf32>
        %get3A_1339 = arith.index_cast %add3A_1289 : i32 to index
        %get3A_1340 = arith.constant 80 : index
        %get3A_1341 = tpu.vector_load %arg9[%get3A_1339, %get3A_1340] {strides = array<i32>} : memref<160x128xf32, #tpu.memory_space<vmem>>, vector<1x16xf32>,
        %get3A_1342 = vector.shape_cast %get3A_1341 : vector<1x16xf32> to vector<16xf32>
        %mul3A_1343 = arith.mulf %get3A_1338, %get3A_1342 : vector<16xf32>
        %get3A_1344 = arith.index_cast %add3A_1289 : i32 to index
        %get3A_1345 = arith.constant 96 : index
        %get3A_1346 = tpu.vector_load %arg8[%get3A_1344, %get3A_1345] {strides = array<i32>} : memref<160x128xf32, #tpu.memory_space<vmem>>, vector<1x16xf32>,
        %get3A_1347 = vector.shape_cast %get3A_1346 : vector<1x16xf32> to vector<16xf32>
        %get3A_1348 = arith.index_cast %add3A_1289 : i32 to index
        %get3A_1349 = arith.constant 96 : index
        %get3A_1350 = tpu.vector_load %arg9[%get3A_1348, %get3A_1349] {strides = array<i32>} : memref<160x128xf32, #tpu.memory_space<vmem>>, vector<1x16xf32>,
        %get3A_1351 = vector.shape_cast %get3A_1350 : vector<1x16xf32> to vector<16xf32>
        %mul3A_1352 = arith.mulf %get3A_1347, %get3A_1351 : vector<16xf32>
        %get3A_1353 = arith.index_cast %add3A_1289 : i32 to index
        %get3A_1354 = arith.constant 112 : index
        %get3A_1355 = tpu.vector_load %arg8[%get3A_1353, %get3A_1354] {strides = array<i32>} : memref<160x128xf32, #tpu.memory_space<vmem>>, vector<1x16xf32>,
        %get3A_1356 = vector.shape_cast %get3A_1355 : vector<1x16xf32> to vector<16xf32>
        %get3A_1357 = arith.index_cast %add3A_1289 : i32 to index
        %get3A_1358 = arith.constant 112 : index
        %get3A_1359 = tpu.vector_load %arg9[%get3A_1357, %get3A_1358] {strides = array<i32>} : memref<160x128xf32, #tpu.memory_space<vmem>>, vector<1x16xf32>,
        %get3A_1360 = vector.shape_cast %get3A_1359 : vector<1x16xf32> to vector<16xf32>
        %mul3A_1361 = arith.mulf %get3A_1356, %get3A_1360 : vector<16xf32>
        %add3A_1362 = arith.addf %mul3A_1298, %mul3A_1307 : vector<16xf32>
        %add3A_1363 = arith.addf %mul3A_1316, %mul3A_1325 : vector<16xf32>
        %add3A_1364 = arith.addf %mul3A_1334, %mul3A_1343 : vector<16xf32>
        %add3A_1365 = arith.addf %mul3A_1352, %mul3A_1361 : vector<16xf32>
        %add3A_1366 = arith.addf %add3A_1362, %add3A_1363 : vector<16xf32>
        %add3A_1367 = arith.addf %add3A_1364, %add3A_1365 : vector<16xf32>
        %add3A_1368 = arith.addf %add3A_1366, %add3A_1367 : vector<16xf32>
        %add3A_1369 = arith.constant 9 : i32
        %add3A_1370 = arith.addi %add3A_235, %add3A_1369 : i32
        %get3A_1371 = arith.index_cast %add3A_1370 : i32 to index
        %get3A_1372 = arith.constant 0 : index
        %get3A_1373 = tpu.vector_load %arg8[%get3A_1371, %get3A_1372] {strides = array<i32>} : memref<160x128xf32, #tpu.memory_space<vmem>>, vector<1x16xf32>,
        %get3A_1374 = vector.shape_cast %get3A_1373 : vector<1x16xf32> to vector<16xf32>
        %get3A_1375 = arith.index_cast %add3A_1370 : i32 to index
        %get3A_1376 = arith.constant 0 : index
        %get3A_1377 = tpu.vector_load %arg9[%get3A_1375, %get3A_1376] {strides = array<i32>} : memref<160x128xf32, #tpu.memory_space<vmem>>, vector<1x16xf32>,
        %get3A_1378 = vector.shape_cast %get3A_1377 : vector<1x16xf32> to vector<16xf32>
        %mul3A_1379 = arith.mulf %get3A_1374, %get3A_1378 : vector<16xf32>
        %get3A_1380 = arith.index_cast %add3A_1370 : i32 to index
        %get3A_1381 = arith.constant 16 : index
        %get3A_1382 = tpu.vector_load %arg8[%get3A_1380, %get3A_1381] {strides = array<i32>} : memref<160x128xf32, #tpu.memory_space<vmem>>, vector<1x16xf32>,
        %get3A_1383 = vector.shape_cast %get3A_1382 : vector<1x16xf32> to vector<16xf32>
        %get3A_1384 = arith.index_cast %add3A_1370 : i32 to index
        %get3A_1385 = arith.constant 16 : index
        %get3A_1386 = tpu.vector_load %arg9[%get3A_1384, %get3A_1385] {strides = array<i32>} : memref<160x128xf32, #tpu.memory_space<vmem>>, vector<1x16xf32>,
        %get3A_1387 = vector.shape_cast %get3A_1386 : vector<1x16xf32> to vector<16xf32>
        %mul3A_1388 = arith.mulf %get3A_1383, %get3A_1387 : vector<16xf32>
        %get3A_1389 = arith.index_cast %add3A_1370 : i32 to index
        %get3A_1390 = arith.constant 32 : index
        %get3A_1391 = tpu.vector_load %arg8[%get3A_1389, %get3A_1390] {strides = array<i32>} : memref<160x128xf32, #tpu.memory_space<vmem>>, vector<1x16xf32>,
        %get3A_1392 = vector.shape_cast %get3A_1391 : vector<1x16xf32> to vector<16xf32>
        %get3A_1393 = arith.index_cast %add3A_1370 : i32 to index
        %get3A_1394 = arith.constant 32 : index
        %get3A_1395 = tpu.vector_load %arg9[%get3A_1393, %get3A_1394] {strides = array<i32>} : memref<160x128xf32, #tpu.memory_space<vmem>>, vector<1x16xf32>,
        %get3A_1396 = vector.shape_cast %get3A_1395 : vector<1x16xf32> to vector<16xf32>
        %mul3A_1397 = arith.mulf %get3A_1392, %get3A_1396 : vector<16xf32>
        %get3A_1398 = arith.index_cast %add3A_1370 : i32 to index
        %get3A_1399 = arith.constant 48 : index
        %get3A_1400 = tpu.vector_load %arg8[%get3A_1398, %get3A_1399] {strides = array<i32>} : memref<160x128xf32, #tpu.memory_space<vmem>>, vector<1x16xf32>,
        %get3A_1401 = vector.shape_cast %get3A_1400 : vector<1x16xf32> to vector<16xf32>
        %get3A_1402 = arith.index_cast %add3A_1370 : i32 to index
        %get3A_1403 = arith.constant 48 : index
        %get3A_1404 = tpu.vector_load %arg9[%get3A_1402, %get3A_1403] {strides = array<i32>} : memref<160x128xf32, #tpu.memory_space<vmem>>, vector<1x16xf32>,
        %get3A_1405 = vector.shape_cast %get3A_1404 : vector<1x16xf32> to vector<16xf32>
        %mul3A_1406 = arith.mulf %get3A_1401, %get3A_1405 : vector<16xf32>
        %get3A_1407 = arith.index_cast %add3A_1370 : i32 to index
        %get3A_1408 = arith.constant 64 : index
        %get3A_1409 = tpu.vector_load %arg8[%get3A_1407, %get3A_1408] {strides = array<i32>} : memref<160x128xf32, #tpu.memory_space<vmem>>, vector<1x16xf32>,
        %get3A_1410 = vector.shape_cast %get3A_1409 : vector<1x16xf32> to vector<16xf32>
        %get3A_1411 = arith.index_cast %add3A_1370 : i32 to index
        %get3A_1412 = arith.constant 64 : index
        %get3A_1413 = tpu.vector_load %arg9[%get3A_1411, %get3A_1412] {strides = array<i32>} : memref<160x128xf32, #tpu.memory_space<vmem>>, vector<1x16xf32>,
        %get3A_1414 = vector.shape_cast %get3A_1413 : vector<1x16xf32> to vector<16xf32>
        %mul3A_1415 = arith.mulf %get3A_1410, %get3A_1414 : vector<16xf32>
        %get3A_1416 = arith.index_cast %add3A_1370 : i32 to index
        %get3A_1417 = arith.constant 80 : index
        %get3A_1418 = tpu.vector_load %arg8[%get3A_1416, %get3A_1417] {strides = array<i32>} : memref<160x128xf32, #tpu.memory_space<vmem>>, vector<1x16xf32>,
        %get3A_1419 = vector.shape_cast %get3A_1418 : vector<1x16xf32> to vector<16xf32>
        %get3A_1420 = arith.index_cast %add3A_1370 : i32 to index
        %get3A_1421 = arith.constant 80 : index
        %get3A_1422 = tpu.vector_load %arg9[%get3A_1420, %get3A_1421] {strides = array<i32>} : memref<160x128xf32, #tpu.memory_space<vmem>>, vector<1x16xf32>,
        %get3A_1423 = vector.shape_cast %get3A_1422 : vector<1x16xf32> to vector<16xf32>
        %mul3A_1424 = arith.mulf %get3A_1419, %get3A_1423 : vector<16xf32>
        %get3A_1425 = arith.index_cast %add3A_1370 : i32 to index
        %get3A_1426 = arith.constant 96 : index
        %get3A_1427 = tpu.vector_load %arg8[%get3A_1425, %get3A_1426] {strides = array<i32>} : memref<160x128xf32, #tpu.memory_space<vmem>>, vector<1x16xf32>,
        %get3A_1428 = vector.shape_cast %get3A_1427 : vector<1x16xf32> to vector<16xf32>
        %get3A_1429 = arith.index_cast %add3A_1370 : i32 to index
        %get3A_1430 = arith.constant 96 : index
        %get3A_1431 = tpu.vector_load %arg9[%get3A_1429, %get3A_1430] {strides = array<i32>} : memref<160x128xf32, #tpu.memory_space<vmem>>, vector<1x16xf32>,
        %get3A_1432 = vector.shape_cast %get3A_1431 : vector<1x16xf32> to vector<16xf32>
        %mul3A_1433 = arith.mulf %get3A_1428, %get3A_1432 : vector<16xf32>
        %get3A_1434 = arith.index_cast %add3A_1370 : i32 to index
        %get3A_1435 = arith.constant 112 : index
        %get3A_1436 = tpu.vector_load %arg8[%get3A_1434, %get3A_1435] {strides = array<i32>} : memref<160x128xf32, #tpu.memory_space<vmem>>, vector<1x16xf32>,
        %get3A_1437 = vector.shape_cast %get3A_1436 : vector<1x16xf32> to vector<16xf32>
        %get3A_1438 = arith.index_cast %add3A_1370 : i32 to index
        %get3A_1439 = arith.constant 112 : index
        %get3A_1440 = tpu.vector_load %arg9[%get3A_1438, %get3A_1439] {strides = array<i32>} : memref<160x128xf32, #tpu.memory_space<vmem>>, vector<1x16xf32>,
        %get3A_1441 = vector.shape_cast %get3A_1440 : vector<1x16xf32> to vector<16xf32>
        %mul3A_1442 = arith.mulf %get3A_1437, %get3A_1441 : vector<16xf32>
        %add3A_1443 = arith.addf %mul3A_1379, %mul3A_1388 : vector<16xf32>
        %add3A_1444 = arith.addf %mul3A_1397, %mul3A_1406 : vector<16xf32>
        %add3A_1445 = arith.addf %mul3A_1415, %mul3A_1424 : vector<16xf32>
        %add3A_1446 = arith.addf %mul3A_1433, %mul3A_1442 : vector<16xf32>
        %add3A_1447 = arith.addf %add3A_1443, %add3A_1444 : vector<16xf32>
        %add3A_1448 = arith.addf %add3A_1445, %add3A_1446 : vector<16xf32>
        %add3A_1449 = arith.addf %add3A_1447, %add3A_1448 : vector<16xf32>
        %add3A_1450 = arith.constant 1 : i32
        %add3A_1451 = arith.addi %add3A_235, %add3A_1450 : i32
        %get3A_1452 = arith.index_cast %add3A_1451 : i32 to index
        %get3A_1453 = arith.constant 0 : index
        %get3A_1454 = tpu.vector_load %arg8[%get3A_1452, %get3A_1453] {strides = array<i32>} : memref<160x128xf32, #tpu.memory_space<vmem>>, vector<1x16xf32>,
        %get3A_1455 = vector.shape_cast %get3A_1454 : vector<1x16xf32> to vector<16xf32>
        %get3A_1456 = arith.index_cast %add3A_1451 : i32 to index
        %get3A_1457 = arith.constant 0 : index
        %get3A_1458 = tpu.vector_load %arg9[%get3A_1456, %get3A_1457] {strides = array<i32>} : memref<160x128xf32, #tpu.memory_space<vmem>>, vector<1x16xf32>,
        %get3A_1459 = vector.shape_cast %get3A_1458 : vector<1x16xf32> to vector<16xf32>
        %mul3A_1460 = arith.mulf %get3A_1455, %get3A_1459 : vector<16xf32>
        %get3A_1461 = arith.index_cast %add3A_1451 : i32 to index
        %get3A_1462 = arith.constant 16 : index
        %get3A_1463 = tpu.vector_load %arg8[%get3A_1461, %get3A_1462] {strides = array<i32>} : memref<160x128xf32, #tpu.memory_space<vmem>>, vector<1x16xf32>,
        %get3A_1464 = vector.shape_cast %get3A_1463 : vector<1x16xf32> to vector<16xf32>
        %get3A_1465 = arith.index_cast %add3A_1451 : i32 to index
        %get3A_1466 = arith.constant 16 : index
        %get3A_1467 = tpu.vector_load %arg9[%get3A_1465, %get3A_1466] {strides = array<i32>} : memref<160x128xf32, #tpu.memory_space<vmem>>, vector<1x16xf32>,
        %get3A_1468 = vector.shape_cast %get3A_1467 : vector<1x16xf32> to vector<16xf32>
        %mul3A_1469 = arith.mulf %get3A_1464, %get3A_1468 : vector<16xf32>
        %get3A_1470 = arith.index_cast %add3A_1451 : i32 to index
        %get3A_1471 = arith.constant 32 : index
        %get3A_1472 = tpu.vector_load %arg8[%get3A_1470, %get3A_1471] {strides = array<i32>} : memref<160x128xf32, #tpu.memory_space<vmem>>, vector<1x16xf32>,
        %get3A_1473 = vector.shape_cast %get3A_1472 : vector<1x16xf32> to vector<16xf32>
        %get3A_1474 = arith.index_cast %add3A_1451 : i32 to index
        %get3A_1475 = arith.constant 32 : index
        %get3A_1476 = tpu.vector_load %arg9[%get3A_1474, %get3A_1475] {strides = array<i32>} : memref<160x128xf32, #tpu.memory_space<vmem>>, vector<1x16xf32>,
        %get3A_1477 = vector.shape_cast %get3A_1476 : vector<1x16xf32> to vector<16xf32>
        %mul3A_1478 = arith.mulf %get3A_1473, %get3A_1477 : vector<16xf32>
        %get3A_1479 = arith.index_cast %add3A_1451 : i32 to index
        %get3A_1480 = arith.constant 48 : index
        %get3A_1481 = tpu.vector_load %arg8[%get3A_1479, %get3A_1480] {strides = array<i32>} : memref<160x128xf32, #tpu.memory_space<vmem>>, vector<1x16xf32>,
        %get3A_1482 = vector.shape_cast %get3A_1481 : vector<1x16xf32> to vector<16xf32>
        %get3A_1483 = arith.index_cast %add3A_1451 : i32 to index
        %get3A_1484 = arith.constant 48 : index
        %get3A_1485 = tpu.vector_load %arg9[%get3A_1483, %get3A_1484] {strides = array<i32>} : memref<160x128xf32, #tpu.memory_space<vmem>>, vector<1x16xf32>,
        %get3A_1486 = vector.shape_cast %get3A_1485 : vector<1x16xf32> to vector<16xf32>
        %mul3A_1487 = arith.mulf %get3A_1482, %get3A_1486 : vector<16xf32>
        %get3A_1488 = arith.index_cast %add3A_1451 : i32 to index
        %get3A_1489 = arith.constant 64 : index
        %get3A_1490 = tpu.vector_load %arg8[%get3A_1488, %get3A_1489] {strides = array<i32>} : memref<160x128xf32, #tpu.memory_space<vmem>>, vector<1x16xf32>,
        %get3A_1491 = vector.shape_cast %get3A_1490 : vector<1x16xf32> to vector<16xf32>
        %get3A_1492 = arith.index_cast %add3A_1451 : i32 to index
        %get3A_1493 = arith.constant 64 : index
        %get3A_1494 = tpu.vector_load %arg9[%get3A_1492, %get3A_1493] {strides = array<i32>} : memref<160x128xf32, #tpu.memory_space<vmem>>, vector<1x16xf32>,
        %get3A_1495 = vector.shape_cast %get3A_1494 : vector<1x16xf32> to vector<16xf32>
        %mul3A_1496 = arith.mulf %get3A_1491, %get3A_1495 : vector<16xf32>
        %get3A_1497 = arith.index_cast %add3A_1451 : i32 to index
        %get3A_1498 = arith.constant 80 : index
        %get3A_1499 = tpu.vector_load %arg8[%get3A_1497, %get3A_1498] {strides = array<i32>} : memref<160x128xf32, #tpu.memory_space<vmem>>, vector<1x16xf32>,
        %get3A_1500 = vector.shape_cast %get3A_1499 : vector<1x16xf32> to vector<16xf32>
        %get3A_1501 = arith.index_cast %add3A_1451 : i32 to index
        %get3A_1502 = arith.constant 80 : index
        %get3A_1503 = tpu.vector_load %arg9[%get3A_1501, %get3A_1502] {strides = array<i32>} : memref<160x128xf32, #tpu.memory_space<vmem>>, vector<1x16xf32>,
        %get3A_1504 = vector.shape_cast %get3A_1503 : vector<1x16xf32> to vector<16xf32>
        %mul3A_1505 = arith.mulf %get3A_1500, %get3A_1504 : vector<16xf32>
        %get3A_1506 = arith.index_cast %add3A_1451 : i32 to index
        %get3A_1507 = arith.constant 96 : index
        %get3A_1508 = tpu.vector_load %arg8[%get3A_1506, %get3A_1507] {strides = array<i32>} : memref<160x128xf32, #tpu.memory_space<vmem>>, vector<1x16xf32>,
        %get3A_1509 = vector.shape_cast %get3A_1508 : vector<1x16xf32> to vector<16xf32>
        %get3A_1510 = arith.index_cast %add3A_1451 : i32 to index
        %get3A_1511 = arith.constant 96 : index
        %get3A_1512 = tpu.vector_load %arg9[%get3A_1510, %get3A_1511] {strides = array<i32>} : memref<160x128xf32, #tpu.memory_space<vmem>>, vector<1x16xf32>,
        %get3A_1513 = vector.shape_cast %get3A_1512 : vector<1x16xf32> to vector<16xf32>
        %mul3A_1514 = arith.mulf %get3A_1509, %get3A_1513 : vector<16xf32>
        %get3A_1515 = arith.index_cast %add3A_1451 : i32 to index
        %get3A_1516 = arith.constant 112 : index
        %get3A_1517 = tpu.vector_load %arg8[%get3A_1515, %get3A_1516] {strides = array<i32>} : memref<160x128xf32, #tpu.memory_space<vmem>>, vector<1x16xf32>,
        %get3A_1518 = vector.shape_cast %get3A_1517 : vector<1x16xf32> to vector<16xf32>
        %get3A_1519 = arith.index_cast %add3A_1451 : i32 to index
        %get3A_1520 = arith.constant 112 : index
        %get3A_1521 = tpu.vector_load %arg9[%get3A_1519, %get3A_1520] {strides = array<i32>} : memref<160x128xf32, #tpu.memory_space<vmem>>, vector<1x16xf32>,
        %get3A_1522 = vector.shape_cast %get3A_1521 : vector<1x16xf32> to vector<16xf32>
        %mul3A_1523 = arith.mulf %get3A_1518, %get3A_1522 : vector<16xf32>
        %add3A_1524 = arith.addf %mul3A_1460, %mul3A_1469 : vector<16xf32>
        %add3A_1525 = arith.addf %mul3A_1478, %mul3A_1487 : vector<16xf32>
        %add3A_1526 = arith.addf %mul3A_1496, %mul3A_1505 : vector<16xf32>
        %add3A_1527 = arith.addf %mul3A_1514, %mul3A_1523 : vector<16xf32>
        %add3A_1528 = arith.addf %add3A_1524, %add3A_1525 : vector<16xf32>
        %add3A_1529 = arith.addf %add3A_1526, %add3A_1527 : vector<16xf32>
        %add3A_1530 = arith.addf %add3A_1528, %add3A_1529 : vector<16xf32>
        %broadcast_in_dim3A = vector.shape_cast %and3A_7 : vector<16xi32> to vector<16x1xi32>
        %gather3A = vector.shape_cast %broadcast_in_dim3A : vector<16x1xi32> to vector<16xi32>
        %gather3A_1531 = tpu.dynamic_gather %add3A_315[%gather3A] in [0] : vector<16xf32>, vector<16xi32> -> vector<16xf32>
        %add3A_1532 = arith.addf %add3A_315, %gather3A_1531 : vector<16xf32>
        %broadcast_in_dim3A_1533 = vector.shape_cast %and3A_7 : vector<16xi32> to vector<16x1xi32>
        %gather3A_1534 = vector.shape_cast %broadcast_in_dim3A_1533 : vector<16x1xi32> to vector<16xi32>
        %gather3A_1535 = tpu.dynamic_gather %add3A_396[%gather3A_1534] in [0] : vector<16xf32>, vector<16xi32> -> vector<16xf32>
        %add3A_1536 = arith.addf %add3A_396, %gather3A_1535 : vector<16xf32>
        %select_n3A_1537 = arith.select %lt3A_44, %add3A_1532, %add3A_1536 : vector<16xi1>, vector<16xf32>
        %broadcast_in_dim3A_1538 = vector.shape_cast %and3A_7 : vector<16xi32> to vector<16x1xi32>
        %gather3A_1539 = vector.shape_cast %broadcast_in_dim3A_1538 : vector<16x1xi32> to vector<16xi32>
        %gather3A_1540 = tpu.dynamic_gather %add3A_477[%gather3A_1539] in [0] : vector<16xf32>, vector<16xi32> -> vector<16xf32>
        %add3A_1541 = arith.addf %add3A_477, %gather3A_1540 : vector<16xf32>
        %broadcast_in_dim3A_1542 = vector.shape_cast %and3A_7 : vector<16xi32> to vector<16x1xi32>
        %gather3A_1543 = vector.shape_cast %broadcast_in_dim3A_1542 : vector<16x1xi32> to vector<16xi32>
        %gather3A_1544 = tpu.dynamic_gather %add3A_558[%gather3A_1543] in [0] : vector<16xf32>, vector<16xi32> -> vector<16xf32>
        %add3A_1545 = arith.addf %add3A_558, %gather3A_1544 : vector<16xf32>
        %select_n3A_1546 = arith.select %lt3A_44, %add3A_1541, %add3A_1545 : vector<16xi1>, vector<16xf32>
        %broadcast_in_dim3A_1547 = vector.shape_cast %and3A_7 : vector<16xi32> to vector<16x1xi32>
        %gather3A_1548 = vector.shape_cast %broadcast_in_dim3A_1547 : vector<16x1xi32> to vector<16xi32>
        %gather3A_1549 = tpu.dynamic_gather %add3A_639[%gather3A_1548] in [0] : vector<16xf32>, vector<16xi32> -> vector<16xf32>
        %add3A_1550 = arith.addf %add3A_639, %gather3A_1549 : vector<16xf32>
        %broadcast_in_dim3A_1551 = vector.shape_cast %and3A_7 : vector<16xi32> to vector<16x1xi32>
        %gather3A_1552 = vector.shape_cast %broadcast_in_dim3A_1551 : vector<16x1xi32> to vector<16xi32>
        %gather3A_1553 = tpu.dynamic_gather %add3A_720[%gather3A_1552] in [0] : vector<16xf32>, vector<16xi32> -> vector<16xf32>
        %add3A_1554 = arith.addf %add3A_720, %gather3A_1553 : vector<16xf32>
        %select_n3A_1555 = arith.select %lt3A_44, %add3A_1550, %add3A_1554 : vector<16xi1>, vector<16xf32>
        %broadcast_in_dim3A_1556 = vector.shape_cast %and3A_7 : vector<16xi32> to vector<16x1xi32>
        %gather3A_1557 = vector.shape_cast %broadcast_in_dim3A_1556 : vector<16x1xi32> to vector<16xi32>
        %gather3A_1558 = tpu.dynamic_gather %add3A_801[%gather3A_1557] in [0] : vector<16xf32>, vector<16xi32> -> vector<16xf32>
        %add3A_1559 = arith.addf %add3A_801, %gather3A_1558 : vector<16xf32>
        %broadcast_in_dim3A_1560 = vector.shape_cast %and3A_7 : vector<16xi32> to vector<16x1xi32>
        %gather3A_1561 = vector.shape_cast %broadcast_in_dim3A_1560 : vector<16x1xi32> to vector<16xi32>
        %gather3A_1562 = tpu.dynamic_gather %add3A_882[%gather3A_1561] in [0] : vector<16xf32>, vector<16xi32> -> vector<16xf32>
        %add3A_1563 = arith.addf %add3A_882, %gather3A_1562 : vector<16xf32>
        %select_n3A_1564 = arith.select %lt3A_44, %add3A_1559, %add3A_1563 : vector<16xi1>, vector<16xf32>
        %broadcast_in_dim3A_1565 = vector.shape_cast %and3A_7 : vector<16xi32> to vector<16x1xi32>
        %gather3A_1566 = vector.shape_cast %broadcast_in_dim3A_1565 : vector<16x1xi32> to vector<16xi32>
        %gather3A_1567 = tpu.dynamic_gather %add3A_963[%gather3A_1566] in [0] : vector<16xf32>, vector<16xi32> -> vector<16xf32>
        %add3A_1568 = arith.addf %add3A_963, %gather3A_1567 : vector<16xf32>
        %broadcast_in_dim3A_1569 = vector.shape_cast %and3A_7 : vector<16xi32> to vector<16x1xi32>
        %gather3A_1570 = vector.shape_cast %broadcast_in_dim3A_1569 : vector<16x1xi32> to vector<16xi32>
        %gather3A_1571 = tpu.dynamic_gather %add3A_1044[%gather3A_1570] in [0] : vector<16xf32>, vector<16xi32> -> vector<16xf32>
        %add3A_1572 = arith.addf %add3A_1044, %gather3A_1571 : vector<16xf32>
        %select_n3A_1573 = arith.select %lt3A_44, %add3A_1568, %add3A_1572 : vector<16xi1>, vector<16xf32>
        %broadcast_in_dim3A_1574 = vector.shape_cast %and3A_7 : vector<16xi32> to vector<16x1xi32>
        %gather3A_1575 = vector.shape_cast %broadcast_in_dim3A_1574 : vector<16x1xi32> to vector<16xi32>
        %gather3A_1576 = tpu.dynamic_gather %add3A_1125[%gather3A_1575] in [0] : vector<16xf32>, vector<16xi32> -> vector<16xf32>
        %add3A_1577 = arith.addf %add3A_1125, %gather3A_1576 : vector<16xf32>
        %broadcast_in_dim3A_1578 = vector.shape_cast %and3A_7 : vector<16xi32> to vector<16x1xi32>
        %gather3A_1579 = vector.shape_cast %broadcast_in_dim3A_1578 : vector<16x1xi32> to vector<16xi32>
        %gather3A_1580 = tpu.dynamic_gather %add3A_1206[%gather3A_1579] in [0] : vector<16xf32>, vector<16xi32> -> vector<16xf32>
        %add3A_1581 = arith.addf %add3A_1206, %gather3A_1580 : vector<16xf32>
        %select_n3A_1582 = arith.select %lt3A_44, %add3A_1577, %add3A_1581 : vector<16xi1>, vector<16xf32>
        %broadcast_in_dim3A_1583 = vector.shape_cast %and3A_7 : vector<16xi32> to vector<16x1xi32>
        %gather3A_1584 = vector.shape_cast %broadcast_in_dim3A_1583 : vector<16x1xi32> to vector<16xi32>
        %gather3A_1585 = tpu.dynamic_gather %add3A_1287[%gather3A_1584] in [0] : vector<16xf32>, vector<16xi32> -> vector<16xf32>
        %add3A_1586 = arith.addf %add3A_1287, %gather3A_1585 : vector<16xf32>
        %broadcast_in_dim3A_1587 = vector.shape_cast %and3A_7 : vector<16xi32> to vector<16x1xi32>
        %gather3A_1588 = vector.shape_cast %broadcast_in_dim3A_1587 : vector<16x1xi32> to vector<16xi32>
        %gather3A_1589 = tpu.dynamic_gather %add3A_1368[%gather3A_1588] in [0] : vector<16xf32>, vector<16xi32> -> vector<16xf32>
        %add3A_1590 = arith.addf %add3A_1368, %gather3A_1589 : vector<16xf32>
        %select_n3A_1591 = arith.select %lt3A_44, %add3A_1586, %add3A_1590 : vector<16xi1>, vector<16xf32>
        %broadcast_in_dim3A_1592 = vector.shape_cast %and3A_7 : vector<16xi32> to vector<16x1xi32>
        %gather3A_1593 = vector.shape_cast %broadcast_in_dim3A_1592 : vector<16x1xi32> to vector<16xi32>
        %gather3A_1594 = tpu.dynamic_gather %add3A_1449[%gather3A_1593] in [0] : vector<16xf32>, vector<16xi32> -> vector<16xf32>
        %add3A_1595 = arith.addf %add3A_1449, %gather3A_1594 : vector<16xf32>
        %broadcast_in_dim3A_1596 = vector.shape_cast %and3A_7 : vector<16xi32> to vector<16x1xi32>
        %gather3A_1597 = vector.shape_cast %broadcast_in_dim3A_1596 : vector<16x1xi32> to vector<16xi32>
        %gather3A_1598 = tpu.dynamic_gather %add3A_1530[%gather3A_1597] in [0] : vector<16xf32>, vector<16xi32> -> vector<16xf32>
        %add3A_1599 = arith.addf %add3A_1530, %gather3A_1598 : vector<16xf32>
        %select_n3A_1600 = arith.select %lt3A_44, %add3A_1595, %add3A_1599 : vector<16xi1>, vector<16xf32>
        %broadcast_in_dim3A_1601 = vector.shape_cast %and3A_13 : vector<16xi32> to vector<16x1xi32>
        %gather3A_1602 = vector.shape_cast %broadcast_in_dim3A_1601 : vector<16x1xi32> to vector<16xi32>
        %gather3A_1603 = tpu.dynamic_gather %select_n3A_1537[%gather3A_1602] in [0] : vector<16xf32>, vector<16xi32> -> vector<16xf32>
        %add3A_1604 = arith.addf %select_n3A_1537, %gather3A_1603 : vector<16xf32>
        %broadcast_in_dim3A_1605 = vector.shape_cast %and3A_13 : vector<16xi32> to vector<16x1xi32>
        %gather3A_1606 = vector.shape_cast %broadcast_in_dim3A_1605 : vector<16x1xi32> to vector<16xi32>
        %gather3A_1607 = tpu.dynamic_gather %select_n3A_1546[%gather3A_1606] in [0] : vector<16xf32>, vector<16xi32> -> vector<16xf32>
        %add3A_1608 = arith.addf %select_n3A_1546, %gather3A_1607 : vector<16xf32>
        %broadcast_in_dim3A_1609 = vector.shape_cast %and3A_13 : vector<16xi32> to vector<16x1xi32>
        %gather3A_1610 = vector.shape_cast %broadcast_in_dim3A_1609 : vector<16x1xi32> to vector<16xi32>
        %gather3A_1611 = tpu.dynamic_gather %add3A_1608[%gather3A_1610] in [0] : vector<16xf32>, vector<16xi32> -> vector<16xf32>
        %select_n3A_1612 = arith.select %lt3A_69, %add3A_1604, %gather3A_1611 : vector<16xi1>, vector<16xf32>
        %broadcast_in_dim3A_1613 = vector.shape_cast %and3A_13 : vector<16xi32> to vector<16x1xi32>
        %gather3A_1614 = vector.shape_cast %broadcast_in_dim3A_1613 : vector<16x1xi32> to vector<16xi32>
        %gather3A_1615 = tpu.dynamic_gather %select_n3A_1555[%gather3A_1614] in [0] : vector<16xf32>, vector<16xi32> -> vector<16xf32>
        %add3A_1616 = arith.addf %select_n3A_1555, %gather3A_1615 : vector<16xf32>
        %broadcast_in_dim3A_1617 = vector.shape_cast %and3A_13 : vector<16xi32> to vector<16x1xi32>
        %gather3A_1618 = vector.shape_cast %broadcast_in_dim3A_1617 : vector<16x1xi32> to vector<16xi32>
        %gather3A_1619 = tpu.dynamic_gather %select_n3A_1564[%gather3A_1618] in [0] : vector<16xf32>, vector<16xi32> -> vector<16xf32>
        %add3A_1620 = arith.addf %select_n3A_1564, %gather3A_1619 : vector<16xf32>
        %broadcast_in_dim3A_1621 = vector.shape_cast %and3A_13 : vector<16xi32> to vector<16x1xi32>
        %gather3A_1622 = vector.shape_cast %broadcast_in_dim3A_1621 : vector<16x1xi32> to vector<16xi32>
        %gather3A_1623 = tpu.dynamic_gather %add3A_1620[%gather3A_1622] in [0] : vector<16xf32>, vector<16xi32> -> vector<16xf32>
        %select_n3A_1624 = arith.select %lt3A_69, %add3A_1616, %gather3A_1623 : vector<16xi1>, vector<16xf32>
        %broadcast_in_dim3A_1625 = vector.shape_cast %and3A_13 : vector<16xi32> to vector<16x1xi32>
        %gather3A_1626 = vector.shape_cast %broadcast_in_dim3A_1625 : vector<16x1xi32> to vector<16xi32>
        %gather3A_1627 = tpu.dynamic_gather %select_n3A_1573[%gather3A_1626] in [0] : vector<16xf32>, vector<16xi32> -> vector<16xf32>
        %add3A_1628 = arith.addf %select_n3A_1573, %gather3A_1627 : vector<16xf32>
        %broadcast_in_dim3A_1629 = vector.shape_cast %and3A_13 : vector<16xi32> to vector<16x1xi32>
        %gather3A_1630 = vector.shape_cast %broadcast_in_dim3A_1629 : vector<16x1xi32> to vector<16xi32>
        %gather3A_1631 = tpu.dynamic_gather %select_n3A_1582[%gather3A_1630] in [0] : vector<16xf32>, vector<16xi32> -> vector<16xf32>
        %add3A_1632 = arith.addf %select_n3A_1582, %gather3A_1631 : vector<16xf32>
        %broadcast_in_dim3A_1633 = vector.shape_cast %and3A_13 : vector<16xi32> to vector<16x1xi32>
        %gather3A_1634 = vector.shape_cast %broadcast_in_dim3A_1633 : vector<16x1xi32> to vector<16xi32>
        %gather3A_1635 = tpu.dynamic_gather %add3A_1632[%gather3A_1634] in [0] : vector<16xf32>, vector<16xi32> -> vector<16xf32>
        %select_n3A_1636 = arith.select %lt3A_69, %add3A_1628, %gather3A_1635 : vector<16xi1>, vector<16xf32>
        %broadcast_in_dim3A_1637 = vector.shape_cast %and3A_13 : vector<16xi32> to vector<16x1xi32>
        %gather3A_1638 = vector.shape_cast %broadcast_in_dim3A_1637 : vector<16x1xi32> to vector<16xi32>
        %gather3A_1639 = tpu.dynamic_gather %select_n3A_1591[%gather3A_1638] in [0] : vector<16xf32>, vector<16xi32> -> vector<16xf32>
        %add3A_1640 = arith.addf %select_n3A_1591, %gather3A_1639 : vector<16xf32>
        %broadcast_in_dim3A_1641 = vector.shape_cast %and3A_13 : vector<16xi32> to vector<16x1xi32>
        %gather3A_1642 = vector.shape_cast %broadcast_in_dim3A_1641 : vector<16x1xi32> to vector<16xi32>
        %gather3A_1643 = tpu.dynamic_gather %select_n3A_1600[%gather3A_1642] in [0] : vector<16xf32>, vector<16xi32> -> vector<16xf32>
        %add3A_1644 = arith.addf %select_n3A_1600, %gather3A_1643 : vector<16xf32>
        %broadcast_in_dim3A_1645 = vector.shape_cast %and3A_13 : vector<16xi32> to vector<16x1xi32>
        %gather3A_1646 = vector.shape_cast %broadcast_in_dim3A_1645 : vector<16x1xi32> to vector<16xi32>
        %gather3A_1647 = tpu.dynamic_gather %add3A_1644[%gather3A_1646] in [0] : vector<16xf32>, vector<16xi32> -> vector<16xf32>
        %select_n3A_1648 = arith.select %lt3A_69, %add3A_1640, %gather3A_1647 : vector<16xi1>, vector<16xf32>
        %broadcast_in_dim3A_1649 = vector.shape_cast %and3A_19 : vector<16xi32> to vector<16x1xi32>
        %gather3A_1650 = vector.shape_cast %broadcast_in_dim3A_1649 : vector<16x1xi32> to vector<16xi32>
        %gather3A_1651 = tpu.dynamic_gather %select_n3A_1612[%gather3A_1650] in [0] : vector<16xf32>, vector<16xi32> -> vector<16xf32>
        %add3A_1652 = arith.addf %select_n3A_1612, %gather3A_1651 : vector<16xf32>
        %broadcast_in_dim3A_1653 = vector.shape_cast %and3A_19 : vector<16xi32> to vector<16x1xi32>
        %gather3A_1654 = vector.shape_cast %broadcast_in_dim3A_1653 : vector<16x1xi32> to vector<16xi32>
        %gather3A_1655 = tpu.dynamic_gather %select_n3A_1624[%gather3A_1654] in [0] : vector<16xf32>, vector<16xi32> -> vector<16xf32>
        %add3A_1656 = arith.addf %select_n3A_1624, %gather3A_1655 : vector<16xf32>
        %broadcast_in_dim3A_1657 = vector.shape_cast %and3A_19 : vector<16xi32> to vector<16x1xi32>
        %gather3A_1658 = vector.shape_cast %broadcast_in_dim3A_1657 : vector<16x1xi32> to vector<16xi32>
        %gather3A_1659 = tpu.dynamic_gather %add3A_1656[%gather3A_1658] in [0] : vector<16xf32>, vector<16xi32> -> vector<16xf32>
        %select_n3A_1660 = arith.select %lt3A_94, %add3A_1652, %gather3A_1659 : vector<16xi1>, vector<16xf32>
        %broadcast_in_dim3A_1661 = vector.shape_cast %and3A_19 : vector<16xi32> to vector<16x1xi32>
        %gather3A_1662 = vector.shape_cast %broadcast_in_dim3A_1661 : vector<16x1xi32> to vector<16xi32>
        %gather3A_1663 = tpu.dynamic_gather %select_n3A_1636[%gather3A_1662] in [0] : vector<16xf32>, vector<16xi32> -> vector<16xf32>
        %add3A_1664 = arith.addf %select_n3A_1636, %gather3A_1663 : vector<16xf32>
        %broadcast_in_dim3A_1665 = vector.shape_cast %and3A_19 : vector<16xi32> to vector<16x1xi32>
        %gather3A_1666 = vector.shape_cast %broadcast_in_dim3A_1665 : vector<16x1xi32> to vector<16xi32>
        %gather3A_1667 = tpu.dynamic_gather %select_n3A_1648[%gather3A_1666] in [0] : vector<16xf32>, vector<16xi32> -> vector<16xf32>
        %add3A_1668 = arith.addf %select_n3A_1648, %gather3A_1667 : vector<16xf32>
        %broadcast_in_dim3A_1669 = vector.shape_cast %and3A_19 : vector<16xi32> to vector<16x1xi32>
        %gather3A_1670 = vector.shape_cast %broadcast_in_dim3A_1669 : vector<16x1xi32> to vector<16xi32>
        %gather3A_1671 = tpu.dynamic_gather %add3A_1668[%gather3A_1670] in [0] : vector<16xf32>, vector<16xi32> -> vector<16xf32>
        %select_n3A_1672 = arith.select %lt3A_94, %add3A_1664, %gather3A_1671 : vector<16xi1>, vector<16xf32>
        %broadcast_in_dim3A_1673 = vector.shape_cast %and3A_25 : vector<16xi32> to vector<16x1xi32>
        %gather3A_1674 = vector.shape_cast %broadcast_in_dim3A_1673 : vector<16x1xi32> to vector<16xi32>
        %gather3A_1675 = tpu.dynamic_gather %select_n3A_1660[%gather3A_1674] in [0] : vector<16xf32>, vector<16xi32> -> vector<16xf32>
        %add3A_1676 = arith.addf %select_n3A_1660, %gather3A_1675 : vector<16xf32>
        %broadcast_in_dim3A_1677 = vector.shape_cast %and3A_25 : vector<16xi32> to vector<16x1xi32>
        %gather3A_1678 = vector.shape_cast %broadcast_in_dim3A_1677 : vector<16x1xi32> to vector<16xi32>
        %gather3A_1679 = tpu.dynamic_gather %select_n3A_1672[%gather3A_1678] in [0] : vector<16xf32>, vector<16xi32> -> vector<16xf32>
        %add3A_1680 = arith.addf %select_n3A_1672, %gather3A_1679 : vector<16xf32>
        %broadcast_in_dim3A_1681 = vector.shape_cast %and3A_25 : vector<16xi32> to vector<16x1xi32>
        %gather3A_1682 = vector.shape_cast %broadcast_in_dim3A_1681 : vector<16x1xi32> to vector<16xi32>
        %gather3A_1683 = tpu.dynamic_gather %add3A_1680[%gather3A_1682] in [0] : vector<16xf32>, vector<16xi32> -> vector<16xf32>
        %select_n3A_1684 = arith.select %lt3A_119, %add3A_1676, %gather3A_1683 : vector<16xi1>, vector<16xf32>
        %mul3A_1685 = arith.constant 80 : i32
        %mul3A_1686 = arith.muli %scan3A_167, %mul3A_1685 : i32
        %mul3A_1687 = arith.constant 16 : i32
        %mul3A_1688 = arith.muli %scan3A_232, %mul3A_1687 : i32
        %add3A_1689 = arith.addi %mul3A_1686, %mul3A_1688 : i32
        %swap3A = arith.index_cast %add3A_1689 : i32 to index
        %swap3A_1690 = tpu.vector_load %arg10[%swap3A] {strides = array<i32>} : memref<10000xf32, #tpu.memory_space<vmem>>, vector<16xf32>,
        %swap3A_1691 = vector.shape_cast %swap3A_1690 : vector<16xf32> to vector<16xf32>
        %swap3A_1692 = vector.shape_cast %select_n3A_1684 : vector<16xf32> to vector<16xf32>
        tpu.vector_store %arg10[%swap3A], %swap3A_1692 {strides = array<i32>} : memref<10000xf32, #tpu.memory_space<vmem>>, vector<16xf32>,
      }
      %scan3A_231 = arith.constant 5 : i32
    }
    %scan3A_145 = arith.constant 125 : i32
    %multiple_of3A_146 = arith.constant 80 : i32
    %multiple_of3A_147 = tpu.assume_multiple %multiple_of3A_146, 8 : i32
    %dma_wait3A = arith.constant 1 : i32
    %dma_wait3A_148 = arith.constant 0 : i32
    %dma_wait3A_149 = tpu.memref_slice %arg8[%multiple_of3A_147, %dma_wait3A_148] : memref<160x128xf32, #tpu.memory_space<vmem>> -> memref<80x128xf32, #tpu.memory_space<vmem>>
    %dma_wait3A_150 = arith.constant 0 : i32
    %dma_wait3A_151 = tpu.memref_slice %arg6[%dma_wait3A_150] : memref<10000xi32, #tpu.memory_space<vmem>> -> memref<80xi32, #tpu.memory_space<vmem>>
    %dma_wait3A_152 = arith.constant 0 : i32
    %dma_wait3A_153 = arith.constant 0 : i32
    %dma_wait3A_154 = tpu.memref_slice %arg2[%dma_wait3A_152, %dma_wait3A_153] : memref<10000x128xf32, #tpu.memory_space<hbm>> -> memref<10000x128xf32, #tpu.memory_space<hbm>>
    %dma_wait3A_155 = tpu.memref_slice %arg11[%dma_wait3A] : memref<2x!tpu.dma_semaphore, #tpu.memory_space<semaphore_mem>> -> memref<1x!tpu.dma_semaphore, #tpu.memory_space<semaphore_mem>>
    %dma_wait3A_156 = tpu.memref_squeeze %dma_wait3A_155 : memref<1x!tpu.dma_semaphore, #tpu.memory_space<semaphore_mem>> -> memref<!tpu.dma_semaphore, #tpu.memory_space<semaphore_mem>>
    tpu.wait_indirect_dma semaphore(%dma_wait3A_156 : memref<!tpu.dma_semaphore, #tpu.memory_space<semaphore_mem>>) src(%dma_wait3A_154 : memref<10000x128xf32, #tpu.memory_space<hbm>>) dst(%dma_wait3A_149 : memref<80x128xf32, #tpu.memory_space<vmem>>)
    %dma_wait3A_157 = arith.constant 1 : i32
    %dma_wait3A_158 = arith.constant 0 : i32
    %dma_wait3A_159 = tpu.memref_slice %arg9[%multiple_of3A_147, %dma_wait3A_158] : memref<160x128xf32, #tpu.memory_space<vmem>> -> memref<80x128xf32, #tpu.memory_space<vmem>>
    %dma_wait3A_160 = arith.constant 0 : i32
    %dma_wait3A_161 = tpu.memref_slice %arg7[%dma_wait3A_160] : memref<10000xi32, #tpu.memory_space<vmem>> -> memref<80xi32, #tpu.memory_space<vmem>>
    %dma_wait3A_162 = arith.constant 0 : i32
    %dma_wait3A_163 = arith.constant 0 : i32
    %dma_wait3A_164 = tpu.memref_slice %arg2[%dma_wait3A_162, %dma_wait3A_163] : memref<10000x128xf32, #tpu.memory_space<hbm>> -> memref<10000x128xf32, #tpu.memory_space<hbm>>
    %dma_wait3A_165 = tpu.memref_slice %arg11[%dma_wait3A_157] : memref<2x!tpu.dma_semaphore, #tpu.memory_space<semaphore_mem>> -> memref<1x!tpu.dma_semaphore, #tpu.memory_space<semaphore_mem>>
    %dma_wait3A_166 = tpu.memref_squeeze %dma_wait3A_165 : memref<1x!tpu.dma_semaphore, #tpu.memory_space<semaphore_mem>> -> memref<!tpu.dma_semaphore, #tpu.memory_space<semaphore_mem>>
    tpu.wait_indirect_dma semaphore(%dma_wait3A_166 : memref<!tpu.dma_semaphore, #tpu.memory_space<semaphore_mem>>) src(%dma_wait3A_164 : memref<10000x128xf32, #tpu.memory_space<hbm>>) dst(%dma_wait3A_159 : memref<80x128xf32, #tpu.memory_space<vmem>>)
    "tpu.region"() ({
      %run_scoped3A = tpu.sem_alloc : memref<!tpu.dma_semaphore, #tpu.memory_space<semaphore_mem>>
      %dma_start3A_167 = tpu.memref_slice %arg5[%multiple_of3A] : memref<320000xf32, #tpu.memory_space<hbm>> -> memref<10000xf32, #tpu.memory_space<hbm>>
      %dma_start3A_168 = tpu.memref_slice %arg5[%multiple_of3A] : memref<320000xf32, #tpu.memory_space<hbm>> -> memref<10000xf32, #tpu.memory_space<hbm>>
      tpu.enqueue_dma source(%arg10 : memref<10000xf32, #tpu.memory_space<vmem>>) target(%dma_start3A_168 : memref<10000xf32, #tpu.memory_space<hbm>>) target_semaphore(%run_scoped3A : memref<!tpu.dma_semaphore, #tpu.memory_space<semaphore_mem>>)
      %dma_wait3A_169 = tpu.memref_slice %arg5[%multiple_of3A] : memref<320000xf32, #tpu.memory_space<hbm>> -> memref<10000xf32, #tpu.memory_space<hbm>>
      %dma_wait3A_170 = tpu.memref_slice %arg5[%multiple_of3A] : memref<320000xf32, #tpu.memory_space<hbm>> -> memref<10000xf32, #tpu.memory_space<hbm>>
      tpu.wait_dma2 semaphore(%run_scoped3A : memref<!tpu.dma_semaphore, #tpu.memory_space<semaphore_mem>>) src(%arg10 : memref<10000xf32, #tpu.memory_space<vmem>>) dst(%dma_wait3A_170 : memref<10000xf32, #tpu.memory_space<hbm>>)
      tpu.yield
    }) : () -> ()
    return
  }
}

</mosaic_0001>

<sc_bundles>
// kernel: kernel.3.cloned.1.call-start
scs
__scs_entry_jumppad:
0x0: {  	(pc) =	sbr.rel $0x88, $3  }
0x1: {  	(tag) =	ssettag $0x0;
	lr =	simm.s32 $0x1  }
0x2: {  	[smem:$0x3F9F] =	sst lr;
	_ =	strace $0xD0000000  }
0x3: {  	_ = 	snop  }
0x4: {  	_ = 	snop  }
0x5: {  	_ = 	snop  }
0x6: {  	_ = 	snop  }
0x7: {  	_ = 	snop  }
__scs_overlays_trampoline_lowered:
0x8: {  	[smem:$0x3FAE] =	sst s0  }
0x9: {  	[smem:$0x3FAF] =	sst s1  }
0xa: {  	[smem:$0x3FB0] =	sst s2  }
0xb: {  	[smem:$0x3FB1] =	sst s3  }
0xc: {  	[smem:$0x3FB2] =	sst s4  }
0xd: {  	[smem:$0x3FB3] =	sst s5  }
0xe: {  	[smem:$0x3FB4] =	sst s6  }
0xf: {  	[smem:$0x3FB5] =	sst s7  }
0x10: {  	[smem:$0x3FB6] =	sst s8  }
0x11: {  	[smem:$0x3FB7] =	sst s9;
	s0 =	simm.s32 @!p0 $0x0  }
0x12: {  	s1 =	sld [smem:$0x3F9D];
	s0 =	simm.s32 @p0 $0x1  }
0x13: {  	[smem:$0x3FB8] =	sst s0;
	s0 =	simm.s32 @!p1 $0x0  }
0x14: {  	s2 =	sld [smem:$0x3F9C];
	s0 =	simm.s32 @p1 $0x1  }
0x15: {  	[smem:$0x3FB9] =	sst s0;
	s0 =	simm.s32 @!p2 $0x0  }
0x16: {  	s3 =	sld [smem:$0x3FDB];
	s0 =	simm.s32 @p2 $0x1  }
0x17: {  	s4 =	simm.s32 $0x1BF5;
	[smem:$0x3FBB] =	sst s0  }
0x18: {  	s0 =	sld [smem:$0x3F9E];
	_ =	swait.ge [sflag:s4], $0x0  }
0x19: {  	s7 =	sld [smem:$0x3F9F]  }
0x1a: {  	s8 =	sadd.s32 $0xFFFFE003, lr  }
0x1b: {  	s9 =	sadd.s32 $0xFFFFFEF7, lr;
	s5 =	simm.s32 $0xFFFFFFFF;
	p2 =	slt.u32 s8, $0xFFFFF086  }
0x1c: {  	p1 =	slt.u32 s9, $0xF7A;
	s5 =	simm.s32 @!p2 $0x0  }
0x1d: {  	s5 =	simm.s32 @p1 $0x1;
	p0 =	seq.s32 s7, s2  }
0x1e: {  	s7 =	smul.u32 @!p0 $0xF7A, s2;
	p2 =	seq.s32 @!p0 s5, $0x0  }
0x1f: {  	s9 =	smul.u32 $0xF7A, s1;
	s8 =	simm.s32 @!p0 $0x1BF5;
	p2 =	por !p2, p0  }
0x20: {  	[sflag:s8] =	ssyncset.s32 @!p0 $0xFFFFF086;
	s6 =	sadd.s32 @!p0 s3, s7;
	s7 =	simm.s32 @!p0 $0x108  }
0x21: {  	s3 =	sadd.s32 s3, s9;
	s6 =	sadd.s32 @!p0 $0x88, s6;
	s7 =	simm.s32 @p2 $0x1082  }
0x22: {  	[simem:s7], [sflag:s8] =	dma.local @!p0 [hbm:s6], $0xF7A  }
0x23: {  	s9 =	sor.u32 $0xD0000000, s2;
	s6 =	simm.s32 $0x108;
	_ =	swait.ge @!p0 [sflag:s8], $0x0  }
0x24: {  	s3 =	sadd.s32 $0x88, s3;
	s6 =	simm.s32 @!p1 $0x1082;
	[sflag:s4] =	ssyncset.s32 $0xFFFFF086  }
0x25: {  	[simem:s6], [sflag:s4] =	dma.local [hbm:s3], $0xF7A  }
0x26: {  	[smem:$0x3F9F] =	sst s1;
	(tag) =	ssettag s2;
	_ =	strace s9  }
0x27: {  	s1 =	sld [smem:$0x3FAF]  }
0x28: {  	s2 =	sld [smem:$0x3FB0]  }
0x29: {  	s4 =	sld [smem:$0x3FB2]  }
0x2a: {  	p0 =	seq.s32 s5, $0x0;
	s5 =	sld [smem:$0x3FB3]  }
0x2b: {  	s6 =	sld [smem:$0x3FB4]  }
0x2c: {  	s7 =	sld [smem:$0x3FB5]  }
0x2d: {  	s3 =	simm.s32 $0x108;
	s8 =	sld [smem:$0x3FB6]  }
0x2e: {  	s3 =	simm.s32 @!p0 $0x1082;
	s9 =	sld [smem:$0x3FB7]  }
0x2f: {  	lr =	sadd.s32 s0, s3;
	s0 =	sld [smem:$0x3FAE]  }
0x30: {  	s3 =	sld [smem:$0x3FB1]  }
0x31: {  	[smem:$0x3FBA] =	sst s10  }
0x32: {  	s10 =	sld [smem:$0x3FB8];
	_ =	sdelay $0x3  }
0x33: {  	p0 =	seq.s32 s10, $0x1;
	s10 =	sld [smem:$0x3FBA];
	_ =	sdelay $0x3  }
0x34: {  	[smem:$0x3FBA] =	sst s10  }
0x35: {  	s10 =	sld [smem:$0x3FB9];
	_ =	sdelay $0x3  }
0x36: {  	p1 =	seq.s32 s10, $0x1;
	s10 =	sld [smem:$0x3FBA];
	_ =	sdelay $0x3  }
0x37: {  	[smem:$0x3FBA] =	sst s10  }
0x38: {  	s10 =	sld [smem:$0x3FBB]  }
0x39: {  	_ = 	snop;
	(pc) =	sbr.ind lr, $3  }
0x3a: {  	_ = 	snop  }
0x3b: {  	_ = 	snop  }
0x3c: {  	p2 =	seq.s32 s10, $0x1;
	s10 =	sld [smem:$0x3FBA]  }
0x3d: {  	_ =	shalt  }
0x3e: {  	_ =	shalt  }
0x3f: {  	_ =	shalt  }
0x40: {  	_ =	shalt  }
0x41: {  	_ =	shalt  }
0x42: {  	_ =	shalt  }
0x43: {  	_ =	shalt  }
0x44: {  	_ =	shalt  }
0x45: {  	_ =	shalt  }
0x46: {  	_ =	shalt  }
0x47: {  	_ =	shalt  }
0x48: {  	_ =	shalt  }
0x49: {  	_ =	shalt  }
0x4a: {  	_ =	shalt  }
0x4b: {  	_ =	shalt  }
0x4c: {  	_ =	shalt  }
0x4d: {  	_ =	shalt  }
0x4e: {  	_ =	shalt  }
0x4f: {  	_ =	shalt  }
0x50: {  	_ =	shalt  }
0x51: {  	_ =	shalt  }
0x52: {  	_ =	shalt  }
0x53: {  	_ =	shalt  }
0x54: {  	_ =	shalt  }
0x55: {  	_ =	shalt  }
0x56: {  	_ =	shalt  }
0x57: {  	_ =	shalt  }
0x58: {  	_ =	shalt  }
0x59: {  	_ =	shalt  }
0x5a: {  	_ =	shalt  }
0x5b: {  	_ =	shalt  }
0x5c: {  	_ =	shalt  }
0x5d: {  	_ =	shalt  }
0x5e: {  	_ =	shalt  }
0x5f: {  	_ =	shalt  }
0x60: {  	_ =	shalt  }
0x61: {  	_ =	shalt  }
0x62: {  	_ =	shalt  }
0x63: {  	_ =	shalt  }
0x64: {  	_ =	shalt  }
0x65: {  	_ =	shalt  }
0x66: {  	_ =	shalt  }
0x67: {  	_ =	shalt  }
0x68: {  	_ =	shalt  }
0x69: {  	_ =	shalt  }
0x6a: {  	_ =	shalt  }
0x6b: {  	_ =	shalt  }
0x6c: {  	_ =	shalt  }
0x6d: {  	_ =	shalt  }
0x6e: {  	_ =	shalt  }
0x6f: {  	_ =	shalt  }
0x70: {  	_ =	shalt  }
0x71: {  	_ =	shalt  }
0x72: {  	_ =	shalt  }
0x73: {  	_ =	shalt  }
0x74: {  	_ =	shalt  }
0x75: {  	_ =	shalt  }
0x76: {  	_ =	shalt  }
0x77: {  	_ =	shalt  }
0x78: {  	_ =	shalt  }
0x79: {  	_ =	shalt  }
0x7a: {  	_ =	shalt  }
0x7b: {  	_ =	shalt  }
0x7c: {  	_ =	shalt  }
0x7d: {  	_ =	shalt  }
0x7e: {  	_ =	shalt  }
0x7f: {  	_ =	shalt  }
0x80: {  	_ =	shalt  }
0x81: {  	_ =	shalt  }
0x82: {  	_ =	shalt  }
0x83: {  	_ =	shalt  }
0x84: {  	_ =	shalt  }
0x85: {  	_ =	shalt  }
0x86: {  	_ =	shalt  }
0x87: {  	_ =	shalt  }
.Lfunc_end0:
.L_simem_size_0:
called_computation_lowered:
.L_overlay_start_0:
0x88: {  	s2 =	sld [smem:$0x3FD9]  }
0x89: {  	s3 =	sld [smem:$0x3FFE];
	_ =	sdelay $0x1  }
0x8a: {  	s1 =	srdreg.scid  }
0x8b: {  	s0 =	sand.u32 $0x1, s1  }
0x8c: {  	s17 =	sshll.u32 s0, $0xA;
	s2 =	sadd.s32 s3, s2  }
0x8d: {  	s2 =	sadd.s32 s2, s17  }
0x8e: {  	[smem:$0x3FC6] =	sst s2  }
0x8f: {  	_ = 	snop  }
0x90: {  	s2 =	sld [smem:$0x3FC9];
	(tm) =	ssettm $0x1  }
0x91: {  	s18 =	sld [smem:$0x3FFB];
	_ =	sdelay $0x3  }
0x92: {  	_ =	strace s18  }
0x93: {  	s3 =	sld [smem:$0x3FFC];
	_ =	sdelay $0x3  }
0x94: {  	_ =	strace s3  }
0x95: {  	s3 =	sld [smem:$0x3FFD];
	_ =	sdelay $0x3  }
0x96: {  	_ =	strace s3  }
0x97: {  	_ =	strace $0x8FFFFFFF  }
0x98: {  	s19 =	sld [smem:$0x3FDB];
	_ =	sdelay $0x1  }
0x99: {  	s4 =	simm.s32 $_scs_section_size  }
0x9a: {  	s5 =	simm.s32 $_size__tile_overlayer_lowered;
	s6 =	simm.s32 $_tile_overlayer_lowered  }
0x9b: {  	s22 =	simm.s32 $0x1BFF;
	s21 =	sshll.u32 s6, $0x1;
	s3 =	sadd.s32 s4, s19  }
0x9c: {  	s7 =	simm.s32 $0x0;
	s20 =	sshll.u32 s5, $0x1;
	s5 =	sadd.s32 s21, s3  }
0x9d: {  	[timem:s7], [sflag:s22] =	dma.local [hbm:s5], s20  }
0x9e: {  	_ =	swait.ge [sflag:s22], s20  }
0x9f: {  	s4 =	ssub.s32 $0x0, s20;
	[sflag:s22] =	ssyncset.done $0x0  }
0xa0: {  	[sflag:s22] =	ssyncadd.s32 s4;
	_ =	sdelay $0x1  }
0xa1: {  	s23 =	simm.s32 $0x1B8B  }
0xa2: {  	_ =	swait.ge [sflag:s23], $0x1  }
0xa3: {  	[sflag:s23] =	ssyncset.done $0x0  }
0xa4: {  	s25 =	simm.s32 $0x1B8E;
	s24 =	sld [smem:$0x3FFE];
	[sflag:s23] =	ssyncadd.s32 $0xFFFFFFFF  }
0xa5: {  	s26 =	simm.s32 $execute0_lowered;
	[smem:$0x3FD2] =	sst s25  }
0xa6: {  	s5 =	sshll.u32 s26, $0x1;
	_ =	strace $0x80000046;
	[dreg:$0x1] =	wrdreg $0xFFFFFFFF  }
0xa7: {  	s28 =	simm.s32 $_size_execute0_lowered;
	s3 =	sadd.s32 s3, s5;
	[dreg:$0x0] =	wrdreg $0x0  }
0xa8: {  	s5 =	sshll.u32 s28, $0x1;
	[dreg:$0x2] =	wrdreg s3  }
0xa9: {  	[dreg:$0x3] =	wrdreg s5  }
0xaa: {  	[dreg:$0x4] =	wrdreg $0xC0  }
0xab: {  	_ =	task [dreg:s7], $0x5FFFF  }
0xac: {  	[dreg:$0x1] =	wrdreg $0xFFFFFFFF  }
0xad: {  	[dreg:$0x0] =	wrdreg $0x60  }
0xae: {  	[dreg:$0x2] =	wrdreg s2  }
0xaf: {  	[dreg:$0x3] =	wrdreg s24  }
0xb0: {  	[dreg:$0x4] =	wrdreg $0x9  }
0xb1: {  	_ =	task.clear_ibuf [dreg:s7], $0x5FFFF;
	_ =	strace $0x90000046  }
0xb2: {  	s29 =	simm.s32 $0x9;
	_ =	strace $0x80000048  }
0xb3: {  	_ =	swait.ge [sflag:s29], $0x1  }
0xb4: {  	[sflag:s29] =	ssyncadd.s32 $0xFFFFFFFF  }
0xb5: {  	_ =	strace $0x90000048  }
0xb6: {  	_ =	sfence  }
0xb7: {  	s30 =	sld [smem:$0x0];
	_ =	sdelay $0x2  }
0xb8: {  	s31 =	sshll.u32 s1, $0xD;
	s1 =	sshrl.u32 s1, $0x2  }
0xb9: {  	s3 =	sand.u32 $0x4000, s31;
	s1 =	sadd.s32 s1, s30  }
0xba: {  	s0 =	sor.u32 s3, s0;
	s1 =	sshll.u32 s1, $0x11  }
0xbb: {  	s0 =	sor.u32 s1, s0  }
0xbc: {  	s0 =	sadd.s32 $0x8F2B, s0  }
0xbd: {  	[sflag:s0] =	ssyncadd.remote.s32 $0x1  }
0xbe: {  	_ =	sfence.sel $0xFFFF  }
0xbf: {  	[dreg:$0x0] =	wrdreg $0xFFFFFFFF;
	(pc) =	sbr.abs _section_cstart, $3  }
0xc0: {  	[dreg:$0x1] =	wrdreg $0xFFFFFFFF  }
0xc1: {  	_ =	task.clear_ibuf [dreg:s7], $0x2FFFF;
	_ =	strace $0x9FFFFFFF  }
0xc2: {  	(tm) =	ssettm $0x7FFFFFFF  }
0xc3: {  	_ =	shalt  }
tec
execute0_lowered:
.L_overlay_start_1:
0x0: {  	(tag) =	ssettag $0x1  }
0x1: {  	v0 =	vimm.s32 $0x76543210  }
0x2: {  	v1 =	vimm.s32 $0xFEDCBA98;
	v2 =	vimm.s32 $0x3210FEDC;
	v3 =	vimm.s32 $0xBA987654  }
0x3: {  	v4 =	vimm.s32 $0x10FEDCBA;
	v5 =	vimm.s32 $0x98765432;
	vm0 =	vcmask $0x2F20  }
0x4: {  	vm1 =	vcmask $0xF00;
	vm2 =	vcmask $0x1710;
	vm3 =	vcmask $0x700  }
0x5: {  	v58 =	vimm.s32 $0xFEDCBA9;
	v59 =	vimm.s32 $0x87654321;
	vm4 =	vcmask $0x300  }
0x6: {  	v0 =	vunpack.c.l.s4.s8 v0;
	v1 =	vunpack.c.l.s4.s8 v1;
	v2 =	vunpack.c.l.s4.s8 v2  }
0x7: {  	v3 =	vunpack.c.l.s4.s8 v3;
	v4 =	vunpack.c.l.s4.s8 v4;
	v56 =	vunpack.c.l.s4.s8 v5  }
0x8: {  	vm0 =	vmor vm1, vm0;
	vm1 =	vmor vm3, vm2;
	vm2 =	vcmask $0x2720  }
0x9: {  	vm3 =	vcmask $0xB08;
	vm1 =	vmor vm1, vm2;
	vm2 =	vcmask $0x3730  }
0xa: {  	vm3 =	vmor vm4, vm3;
	vm4 =	vcmask $0x1310;
	v0 =	vunpack.c.0.s8.s32 v0  }
0xb: {  	s2 =	srdreg.scid;
	v1 =	vunpack.c.0.s8.s32 v1;
	v2 =	vunpack.c.0.s8.s32 v2;
	v3 =	vunpack.c.0.s8.s32 v3  }
0xc: {  	s0 =	stileid.u32;
	s1 =	rddreg [dreg:$0x0];
	v57 =	vunpack.c.0.s8.s32 v4;
	v4 =	vunpack.c.l.s4.s8 v59;
	vm3 =	vmor vm3, vm4  }
0xd: {  	s5 =	rddreg [dreg:$0x1];
	s3 =	simm.s32 $0x0;
	s9 =	simm.s32 $0x2780;
	vm4 =	vcmask $0x1B18;
	v55 =	vcombine.low v3, v2;
	v3 =	vunpack.c.l.s4.s8 v58  }
0xe: {  	s10 =	simm.s32 $0x50;
	s11 =	simm.s32 $0x4F00;
	s12 =	simm.s32 $0x9F00;
	vm1 =	vmor vm1, vm2;
	vm2 =	vmor vm3, vm4;
	v2 =	vunpack.c.0.s8.s32 v56  }
0xf: {  	s13 =	simm.s32 $0x2;
	s4 =	sand.u32 $0x1, s2;
	s31 =	sshll.u32 s0, $0x1;
	vm3 =	vcmask $0x2320;
	v4 =	vunpack.c.0.s8.s32 v4;
	v3 =	vunpack.c.0.s8.s32 v3  }
0x10: {  	s14 =	simm.s32 $0xEF00;
	s15 =	simm.s32 $0x0;
	s6 =	sor.u32 s4, s31;
	vm4 =	vcmask $0x2B28;
	v1 =	vand.u32 $0xF, v1;
	v2 =	vcombine.low v2, v57  }
0x11: {  	[smem:$0x7FF] =	sst s3;
	s7 =	ssub.s32 $0x2, s4;
	s6 =	smul.u32 $0x4E2, s6;
	vm3 =	vmor vm2, vm3;
	v60 =	vand.u32 $0xF, v55;
	v3 =	vcombine.low v4, v3  }
0x12: {  	s2 =	rddreg [dreg:$0x2];
	_ =	strace $0x80000047;
	s8 =	sshrl.u32 s7, $0x1;
	vm3 =	vmor vm3, vm4;
	vm4 =	vcmask $0x3330;
	[tilespmem:$0x1FFD0] =	vst v60;
	v61 =	vand.u32 $0xF, v2  }
0x13: {  	s7 =	ssub.s32 s7, s8;
	s8 =	simm.s32 $0x3;
	s4 =	sadd.s32 s5, s6;
	vm3 =	vmor vm3, vm4;
	vm4 =	vcmask $0x3B38;
	[tilespmem:$0x1FFE0] =	vst v61;
	v63 =	vand.u32 $0xF, v3  }
0x14: {  	s7 =	smax.u32 s7, $0x1;
	vm2 =	vmmov $0xff;
	v62 =	vcombine.low v1, v0;
	s5 =	sadd.s32 $0x9E00, s4;
	s6 =	sadd.s32 $0x13C00, s4;
	vm3 =	vmor vm3, vm4;
	[tilespmem:$0x1FFF0] =	vst v63  }
.LBB2_1:
0x15: {  	[tilespmem:s3], [sflag:$0x3] =	stream.linear.gather [hbm4b:s5+s3], $0x2710, $0x38;
	[tilespmem:$0x11680] =	vst v63  }
0x16: {  	_ =	swait.ge [sflag:s8], $0x2710  }
0x17: {  	[sflag:s8] =	ssyncset.done $0x0  }
0x18: {  	[sflag:s8] =	ssyncadd.s32 $0xFFFFD8F0  }
0x19: {  	[tilespmem:s9], [sflag:$0x3] =	stream.linear.gather [hbm4b:s4+s3], $0x2710, $0x38;
	[tilespmem:$0x11680] =	vst v63  }
0x1a: {  	_ =	swait.ge [sflag:s8], $0x2710  }
0x1b: {  	[sflag:s8] =	ssyncset.done $0x0  }
0x1c: {  	[sflag:s8] =	ssyncadd.s32 $0xFFFFD8F0  }
0x1d: {  	[tilespmem:s11], [sflag:$0x1] =	stream.indirect.gather [hbm4b:s1+s10], $0x80, s3, s10, $0xb8;
	[tilespmem:$0x11680] =	vst v63  }
0x1e: {  	s16 =	simm.s32 $0x0  }
0x1f: {  	[tilespmem:s12], [sflag:$0x1] =	stream.indirect.gather [hbm4b:s1+s10], $0x80, s9, s10, $0xb8;
	[tilespmem:$0x11680] =	vst v63  }
.LBB2_3:
0x20: {  	s19 =	smov.u32 s16;
	s16 =	sadd.s32 $0x1, s16  }
0x21: {  	s17 =	sand.u32 $0x1, s16  }
0x22: {  	s18 =	smin.u32 s16, $0x7C;
	s20 =	smul.u32 $0x2800, s17  }
0x23: {  	s18 =	smul.u32 $0x50, s18  }
0x24: {  	s29 =	sand.u32 $0x1, s19;
	s17 =	sadd.s32 $0x1, s17;
	s21 =	sadd.s32 $0x4F00, s20  }
0x25: {  	[tilespmem:s21], [sflag:s17] =	stream.indirect.gather [hbm4b:s1+s10], $0x80, s18, s10, $0xb8;
	[tilespmem:$0x11680] =	vst v63  }
0x26: {  	s30 =	sadd.s32 $0x1, s29;
	s20 =	sadd.s32 $0x9F00, s20;
	s18 =	sadd.s32 $0x2780, s18  }
0x27: {  	[tilespmem:s20], [sflag:s17] =	stream.indirect.gather [hbm4b:s1+s10], $0x80, s18, s10, $0xb8;
	[tilespmem:$0x11680] =	vst v63  }
0x28: {  	_ =	swait.ge [sflag:s30], $0x2800  }
0x29: {  	[sflag:s30] =	ssyncset.done $0x0  }
0x2a: {  	s17 =	smul.u32 $0x50, s29;
	[sflag:s30] =	ssyncadd.s32 $0xFFFFD800  }
0x2b: {  	_ =	swait.ge [sflag:s30], $0x2800  }
0x2c: {  	s31 =	sadd.s32 $0x0, s17;
	[sflag:s30] =	ssyncset.done $0x0  }
0x2d: {  	s18 =	sshll.u32 s31, $0x7;
	[sflag:s30] =	ssyncadd.s32 $0xFFFFD800  }
0x2e: {  	v32 =	vld [tilespmem:s18+$0x9F00]  }
0x2f: {  	v31 =	vld [tilespmem:s18+$0x4F00]  }
0x30: {  	v29 =	vld [tilespmem:s18+$0x4F10]  }
0x31: {  	v28 =	vld [tilespmem:s18+$0x9F10]  }
0x32: {  	v30 =	vld [tilespmem:s18+$0x4F20]  }
0x33: {  	v26 =	vld [tilespmem:s18+$0x9F20]  }
0x34: {  	v27 =	vld [tilespmem:s18+$0x4F30]  }
0x35: {  	v17 =	vld [tilespmem:s18+$0x9F30]  }
0x36: {  	v55 =	vld [tilespmem:s18+$0x4F40]  }
0x37: {  	v18 =	vld [tilespmem:s18+$0x9F40]  }
0x38: {  	v23 =	vld [tilespmem:s18+$0x4F50]  }
0x39: {  	v12 =	vld [tilespmem:s18+$0x9F50]  }
0x3a: {  	v20 =	vld [tilespmem:s18+$0x4F60]  }
0x3b: {  	v13 =	vld [tilespmem:s18+$0x9F60]  }
0x3c: {  	v14 =	vld [tilespmem:s18+$0x4F70]  }
0x3d: {  	v1 =	vld [tilespmem:s18+$0x9F70]  }
0x3e: {  	v21 =	vld [tilespmem:s18+$0x5300]  }
0x3f: {  	v15 =	vld [tilespmem:s18+$0xA300]  }
0x40: {  	v16 =	vld [tilespmem:s18+$0x5310]  }
0x41: {  	v2 =	vld [tilespmem:s18+$0xA310]  }
0x42: {  	v22 =	vld [tilespmem:s18+$0x5320]  }
0x43: {  	v6 =	vld [tilespmem:s18+$0xA320]  }
0x44: {  	v7 =	vld [tilespmem:s18+$0x5330]  }
0x45: {  	v3 =	vld [tilespmem:s18+$0xA330]  }
0x46: {  	v24 =	vld [tilespmem:s18+$0x5340]  }
0x47: {  	v8 =	vld [tilespmem:s18+$0xA340]  }
0x48: {  	v9 =	vld [tilespmem:s18+$0x5350]  }
0x49: {  	v63 =	vld [tilespmem:s18+$0x5160];
	_ =	sdelay $0x4  }
0x4a: {  	[tilespmem:$0x1F750] =	vst v63;
	v63 =	vld [tilespmem:s18+$0x5600];
	_ =	sdelay $0x4  }
0x4b: {  	[tilespmem:$0x1F760] =	vst v63;
	v63 =	vld [tilespmem:s18+$0xA600];
	_ =	sdelay $0x4  }
0x4c: {  	[tilespmem:$0x1F770] =	vst v63;
	v63 =	vld [tilespmem:s18+$0x5610];
	_ =	sdelay $0x4  }
0x4d: {  	[tilespmem:$0x1F780] =	vst v63;
	v63 =	vld [tilespmem:s18+$0xA610];
	_ =	sdelay $0x4  }
0x4e: {  	[tilespmem:$0x1F790] =	vst v63;
	v63 =	vld [tilespmem:s18+$0x5620];
	_ =	sdelay $0x4  }
0x4f: {  	[tilespmem:$0x1F7A0] =	vst v63;
	v63 =	vld [tilespmem:s18+$0xA620];
	_ =	sdelay $0x4  }
0x50: {  	[tilespmem:$0x1F7B0] =	vst v63;
	v63 =	vld [tilespmem:s18+$0x5630];
	_ =	sdelay $0x4  }
0x51: {  	[tilespmem:$0x1F7C0] =	vst v63;
	v63 =	vld [tilespmem:s18+$0xA630];
	_ =	sdelay $0x4  }
0x52: {  	[tilespmem:$0x1F7D0] =	vst v63;
	v63 =	vld [tilespmem:s18+$0x5640];
	_ =	sdelay $0x4  }
0x53: {  	[tilespmem:$0x1F7E0] =	vst v63;
	v63 =	vld [tilespmem:s18+$0xA640];
	_ =	sdelay $0x4  }
0x54: {  	[tilespmem:$0x1F7F0] =	vst v63;
	v63 =	vld [tilespmem:s18+$0x5650];
	_ =	sdelay $0x4  }
0x55: {  	[tilespmem:$0x1F800] =	vst v63;
	v63 =	vld [tilespmem:s18+$0xA650];
	_ =	sdelay $0x4  }
0x56: {  	[tilespmem:$0x1F810] =	vst v63;
	v63 =	vld [tilespmem:s18+$0x5660];
	_ =	sdelay $0x4  }
0x57: {  	[tilespmem:$0x1F820] =	vst v63;
	v63 =	vld [tilespmem:s18+$0xA660];
	_ =	sdelay $0x4  }
0x58: {  	[tilespmem:$0x1F830] =	vst v63;
	v63 =	vld [tilespmem:s18+$0x5670];
	_ =	sdelay $0x4  }
0x59: {  	[tilespmem:$0x1F840] =	vst v63;
	v63 =	vld [tilespmem:s18+$0xA670];
	_ =	sdelay $0x4  }
0x5a: {  	[tilespmem:$0x1F850] =	vst v63;
	v63 =	vld [tilespmem:s18+$0x5200];
	_ =	sdelay $0x4  }
0x5b: {  	[tilespmem:$0x1F870] =	vst v63;
	v63 =	vld [tilespmem:s18+$0xA200];
	_ =	sdelay $0x4  }
0x5c: {  	[tilespmem:$0x1F880] =	vst v63;
	v63 =	vld [tilespmem:s18+$0x5210];
	_ =	sdelay $0x4  }
0x5d: {  	[tilespmem:$0x1F890] =	vst v63;
	v63 =	vld [tilespmem:s18+$0xA210];
	_ =	sdelay $0x4  }
0x5e: {  	[tilespmem:$0x1F8A0] =	vst v63;
	v63 =	vld [tilespmem:s18+$0x5220];
	_ =	sdelay $0x2  }
0x5f: {  	v4 =	vld [tilespmem:s18+$0xA350]  }
0x60: {  	v25 =	vld [tilespmem:s18+$0x5360]  }
0x61: {  	[tilespmem:$0x1F8B0] =	vst v63;
	v63 =	vld [tilespmem:s18+$0xA220]  }
0x62: {  	v10 =	vld [tilespmem:s18+$0xA360]  }
0x63: {  	v11 =	vld [tilespmem:s18+$0x5370]  }
0x64: {  	v5 =	vld [tilespmem:s18+$0xA370]  }
0x65: {  	v4 =	vmul.f32 v4, v9;
	v9 =	vld [tilespmem:s18+$0x54F0]  }
0x66: {  	[tilespmem:$0x1F8C0] =	vst v63;
	v63 =	vld [tilespmem:s18+$0x5230];
	_ =	sdelay $0x1  }
0x67: {  	v60 =	vld [tilespmem:s18+$0x5500];
	v15 =	vmul.f32 v15, v21  }
0x68: {  	v0 =	vld [tilespmem:s18+$0xA500];
	v2 =	vmul.f32 v2, v16;
	v6 =	vmul.f32 v6, v22  }
0x69: {  	v46 =	vld [tilespmem:s18+$0x5510];
	v3 =	vmul.f32 v3, v7;
	v8 =	vmul.f32 v8, v24;
	[tilespmem:$0x1FE40] =	vst v9  }
0x6a: {  	v5 =	vmul.f32 v5, v11;
	v9 =	vmul.f32 v10, v25;
	[tilespmem:$0x1F8D0] =	vst v63;
	v63 =	vld [tilespmem:s18+$0xA230]  }
0x6b: {  	v34 =	vld [tilespmem:s18+$0xA510];
	v2 =	vadd.f32 v2, v15;
	v3 =	vadd.f32 v3, v6  }
0x6c: {  	v49 =	vld [tilespmem:s18+$0x5520];
	v4 =	vadd.f32 v4, v8;
	v5 =	vadd.f32 v5, v9  }
0x6d: {  	v47 =	vld [tilespmem:s18+$0xA520]  }
0x6e: {  	v2 =	vadd.f32 v3, v2;
	v3 =	vadd.f32 v5, v4;
	v5 =	vmul.f32 v0, v60;
	v0 =	vld [tilespmem:s18+$0x50C0]  }
0x6f: {  	[tilespmem:$0x1F8E0] =	vst v63;
	v63 =	vld [tilespmem:s18+$0x5240]  }
0x70: {  	v48 =	vld [tilespmem:s18+$0x5530]  }
0x71: {  	v35 =	vld [tilespmem:s18+$0xA530]  }
0x72: {  	v50 =	vld [tilespmem:s18+$0x5540]  }
0x73: {  	[tilespmem:$0x1FEC0] =	vst v0;
	v0 =	vld [tilespmem:s18+$0xA0C0]  }
0x74: {  	[tilespmem:$0x1F8F0] =	vst v63;
	v63 =	vld [tilespmem:s18+$0xA240]  }
0x75: {  	v38 =	vld [tilespmem:s18+$0xA540]  }
0x76: {  	v39 =	vld [tilespmem:s18+$0x5550]  }
0x77: {  	v36 =	vld [tilespmem:s18+$0xA550]  }
0x78: {  	[tilespmem:$0x1FED0] =	vst v0;
	v0 =	vld [tilespmem:s18+$0x50D0]  }
0x79: {  	[tilespmem:$0x1F900] =	vst v63;
	v63 =	vld [tilespmem:s18+$0x5250]  }
0x7a: {  	v52 =	vld [tilespmem:s18+$0x5560]  }
0x7b: {  	v33 =	vld [tilespmem:s18+$0x5140]  }
0x7c: {  	v7 =	vld [tilespmem:s18+$0xA4E0]  }
0x7d: {  	[tilespmem:$0x1FEE0] =	vst v0;
	v0 =	vld [tilespmem:s18+$0xA0D0]  }
0x7e: {  	[tilespmem:$0x1F910] =	vst v63;
	v63 =	vld [tilespmem:s18+$0xA250]  }
0x7f: {  	v18 =	vmul.f32 v18, v55;
	v1 =	vmul.f32 v1, v14;
	v14 =	vld [tilespmem:s18+$0xA4D0]  }
0x80: {  	[tilespmem:$0x1F740] =	vst v33;
	v12 =	vmul.f32 v12, v23;
	v13 =	vmul.f32 v13, v20;
	v16 =	vld [tilespmem:s18+$0x54E0]  }
0x81: {  	v31 =	vmul.f32 v32, v31;
	[tilespmem:$0x1FE30] =	vst v7;
	v2 =	vadd.f32 v3, v2;
	v3 =	vld [tilespmem:s18+$0xA0A0]  }
0x82: {  	v28 =	vmul.f32 v28, v29;
	v1 =	vadd.f32 v1, v13;
	v7 =	vadd.f32 v12, v18;
	[tilespmem:$0x1FEF0] =	vst v0;
	v0 =	vld [tilespmem:s18+$0x50E0]  }
0x83: {  	v26 =	vmul.f32 v26, v30;
	v17 =	vmul.f32 v17, v27;
	[tilespmem:$0x1F920] =	vst v63;
	v63 =	vld [tilespmem:s18+$0x5260]  }
0x84: {  	[tilespmem:$0x1FE10] =	vst v14;
	v1 =	vadd.f32 v1, v7;
	v7 =	vld [tilespmem:s18+$0x5090]  }
0x85: {  	v14 =	vadd.f32 v28, v31;
	[tilespmem:$0x1FE20] =	vst v16;
	v16 =	vadd.f32 v17, v26;
	v4 =	vld [tilespmem:s18+$0xA090]  }
0x86: {  	[tilespmem:$0x1FE90] =	vst v3;
	v3 =	vld [tilespmem:s18+$0x50B0]  }
0x87: {  	v6 =	vadd.f32 v16, v14;
	[tilespmem:$0x1FF00] =	vst v0;
	v0 =	vld [tilespmem:s18+$0xA0E0]  }
0x88: {  	[tilespmem:$0x1F930] =	vst v63;
	v63 =	vld [tilespmem:s18+$0xA260]  }
0x89: {  	v40 =	vld [tilespmem:s18+$0xA560];
	v1 =	vadd.f32 v1, v6;
	[tilespmem:$0x1FE60] =	vst v7  }
0x8a: {  	v58 =	vld [tilespmem:s18+$0xA140];
	[tilespmem:$0x1FE70] =	vst v4  }
0x8b: {  	v4 =	vld [tilespmem:s18+$0x50A0];
	[tilespmem:$0x1FEA0] =	vst v3;
	v3 =	vperm.xlane v1, v62  }
0x8c: {  	v6 =	vmul.f32 v34, v46;
	[tilespmem:$0x1FF10] =	vst v0;
	v0 =	vld [tilespmem:$0x1F740]  }
0x8d: {  	v7 =	vmul.f32 v35, v48;
	v1 =	vadd.f32 v3, v1;
	v3 =	vmul.f32 v47, v49;
	[tilespmem:$0x1F940] =	vst v63;
	v63 =	vld [tilespmem:s18+$0x5270]  }
0x8e: {  	v41 =	vld [tilespmem:s18+$0x5570]  }
0x8f: {  	v37 =	vld [tilespmem:s18+$0xA570];
	v5 =	vadd.f32 v6, v5;
	v3 =	vadd.f32 v7, v3  }
0x90: {  	[tilespmem:$0x1FE80] =	vst v4;
	v4 =	vld [tilespmem:s18+$0xA0B0]  }
0x91: {  	v3 =	vadd.f32 v3, v5;
	v5 =	vmul.f32 v58, v0;
	v0 =	vld [tilespmem:s18+$0x50F0]  }
0x92: {  	[tilespmem:$0x1F950] =	vst v63;
	v63 =	vld [tilespmem:s18+$0xA270]  }
0x93: {  	v61 =	vld [tilespmem:s18+$0x5100]  }
0x94: {  	v54 =	vld [tilespmem:s18+$0xA100]  }
0x95: {  	v33 =	vld [tilespmem:s18+$0xA160];
	[tilespmem:$0x1FEB0] =	vst v4;
	v4 =	vperm.xlane v2, v62  }
0x96: {  	v8 =	vmul.f32 v36, v39;
	v9 =	vmul.f32 v37, v41;
	[tilespmem:$0x1FF20] =	vst v0;
	v0 =	vld [tilespmem:$0x1F750]  }
0x97: {  	v6 =	vmul.f32 v40, v52;
	v2 =	vadd.f32 v4, v2;
	v4 =	vmul.f32 v38, v50;
	[tilespmem:$0x1F960] =	vst v63;
	v63 =	vld [tilespmem:s18+$0x5680]  }
0x98: {  	v51 =	vld [tilespmem:s18+$0x5110]  }
0x99: {  	v19 =	vld [tilespmem:s18+$0x5120];
	v6 =	vadd.f32 v9, v6;
	v4 =	vadd.f32 v8, v4  }
0x9a: {  	v56 =	vld [tilespmem:s18+$0xA120]  }
0x9b: {  	v4 =	vadd.f32 v6, v4;
	v6 =	vmul.f32 v33, v0;
	v0 =	vld [tilespmem:s18+$0xA0F0]  }
0x9c: {  	[tilespmem:$0x1F970] =	vst v63;
	v63 =	vld [tilespmem:s18+$0xA680]  }
0x9d: {  	v57 =	vld [tilespmem:s18+$0x5130]  }
0x9e: {  	v43 =	vld [tilespmem:s18+$0xA130]  }
0x9f: {  	v10 =	vld [tilespmem:s18+$0xA4F0]  }
0xa0: {  	[tilespmem:$0x1FF30] =	vst v0;
	v0 =	vld [tilespmem:s18+$0x5580]  }
0xa1: {  	[tilespmem:$0x1F980] =	vst v63;
	v63 =	vld [tilespmem:s18+$0x5690]  }
0xa2: {  	v42 =	vld [tilespmem:s18+$0xA110];
	_ =	sdelay $0x1  }
0xa3: {  	[tilespmem:$0x1FE50] =	vst v10  }
0xa4: {  	[tilespmem:$0x1FF40] =	vst v0;
	v0 =	vld [tilespmem:s18+$0xA580]  }
0xa5: {  	v10 =	vmul.f32 v43, v57;
	v9 =	vmul.f32 v56, v19;
	[tilespmem:$0x1F990] =	vst v63;
	v63 =	vld [tilespmem:s18+$0xA690]  }
0xa6: {  	v7 =	vmul.f32 v54, v61;
	v8 =	vmul.f32 v42, v51;
	_ =	sdelay $0x1  }
0xa7: {  	v7 =	vadd.f32 v8, v7;
	v8 =	vadd.f32 v10, v9;
	v9 =	vsel vm2, v1, v2;
	v1 =	vld [tilespmem:$0x1F770]  }
0xa8: {  	[tilespmem:$0x1FF50] =	vst v0;
	v0 =	vld [tilespmem:$0x1F760]  }
0xa9: {  	[tilespmem:$0x1F9A0] =	vst v63;
	v63 =	vld [tilespmem:s18+$0x56A0];
	_ =	sdelay $0x3  }
0xaa: {  	v7 =	vadd.f32 v8, v7;
	v8 =	vmul.f32 v1, v0;
	v0 =	vld [tilespmem:s18+$0x5590]  }
0xab: {  	[tilespmem:$0x1F9B0] =	vst v63;
	v63 =	vld [tilespmem:s18+$0xA6A0]  }
0xac: {  	v59 =	vld [tilespmem:s18+$0x5150]  }
0xad: {  	v44 =	vld [tilespmem:s18+$0xA150]  }
0xae: {  	v1 =	vld [tilespmem:$0x1F790]  }
0xaf: {  	[tilespmem:$0x1FF60] =	vst v0;
	v0 =	vld [tilespmem:$0x1F780]  }
0xb0: {  	[tilespmem:$0x1F9C0] =	vst v63;
	v63 =	vld [tilespmem:s18+$0x56B0]  }
0xb1: {  	v53 =	vld [tilespmem:s18+$0x5170]  }
0xb2: {  	v45 =	vld [tilespmem:s18+$0xA170];
	_ =	sdelay $0x1  }
0xb3: {  	v10 =	vmul.f32 v1, v0;
	v0 =	vld [tilespmem:$0x1F7A0]  }
0xb4: {  	[tilespmem:$0x1F9D0] =	vst v63;
	v63 =	vld [tilespmem:s18+$0xA6B0]  }
0xb5: {  	v1 =	vld [tilespmem:$0x1F7B0]  }
0xb6: {  	v11 =	vmul.f32 v44, v59;
	v14 =	vmul.f32 v45, v53;
	_ =	sdelay $0x1  }
0xb7: {  	v5 =	vadd.f32 v11, v5;
	v6 =	vadd.f32 v14, v6  }
0xb8: {  	[tilespmem:$0x1F9E0] =	vst v63;
	v63 =	vld [tilespmem:s18+$0x56C0]  }
0xb9: {  	v5 =	vadd.f32 v6, v5;
	v6 =	vmul.f32 v1, v0;
	v0 =	vld [tilespmem:$0x1F7C0]  }
0xba: {  	v1 =	vld [tilespmem:$0x1F7D0];
	_ =	sdelay $0x2  }
0xbb: {  	[tilespmem:$0x1F9F0] =	vst v63;
	v63 =	vld [tilespmem:s18+$0xA6C0];
	_ =	sdelay $0x1  }
0xbc: {  	v11 =	vmul.f32 v1, v0;
	v0 =	vld [tilespmem:$0x1F7E0]  }
0xbd: {  	v1 =	vld [tilespmem:$0x1F7F0];
	_ =	sdelay $0x1  }
0xbe: {  	[tilespmem:$0x1FA00] =	vst v63;
	v63 =	vld [tilespmem:s18+$0x56D0];
	_ =	sdelay $0x2  }
0xbf: {  	v14 =	vmul.f32 v1, v0;
	v0 =	vld [tilespmem:s18+$0x55A0];
	_ =	sdelay $0x1  }
0xc0: {  	[tilespmem:$0x1FA10] =	vst v63;
	v63 =	vld [tilespmem:s18+$0xA6D0];
	_ =	sdelay $0x1  }
0xc1: {  	v1 =	vld [tilespmem:$0x1F810]  }
0xc2: {  	[tilespmem:$0x1FF70] =	vst v0;
	v0 =	vld [tilespmem:$0x1F800];
	_ =	sdelay $0x1  }
0xc3: {  	[tilespmem:$0x1FA20] =	vst v63;
	v63 =	vld [tilespmem:s18+$0x56E0];
	_ =	sdelay $0x2  }
0xc4: {  	v16 =	vmul.f32 v1, v0;
	v0 =	vld [tilespmem:$0x1F820]  }
0xc5: {  	v1 =	vld [tilespmem:$0x1F830]  }
0xc6: {  	[tilespmem:$0x1FA30] =	vst v63;
	v63 =	vld [tilespmem:s18+$0xA6E0];
	_ =	sdelay $0x3  }
0xc7: {  	v5 =	vadd.f32 v5, v7;
	v7 =	vmul.f32 v1, v0;
	v0 =	vld [tilespmem:s18+$0xA5A0]  }
0xc8: {  	[tilespmem:$0x1FA40] =	vst v63;
	v63 =	vld [tilespmem:s18+$0x56F0];
	_ =	sdelay $0x2  }
0xc9: {  	v1 =	vld [tilespmem:$0x1F850]  }
0xca: {  	[tilespmem:$0x1FF80] =	vst v0;
	v0 =	vld [tilespmem:$0x1F840]  }
0xcb: {  	[tilespmem:$0x1FA50] =	vst v63;
	v63 =	vld [tilespmem:s18+$0xA6F0];
	_ =	sdelay $0x2  }
0xcc: {  	v58 =	vld [tilespmem:$0x1FFD0]  }
0xcd: {  	v17 =	vmul.f32 v1, v0;
	v1 =	vld [tilespmem:s18+$0x55C0]  }
0xce: {  	[tilespmem:$0x1FA60] =	vst v63;
	v63 =	vld [tilespmem:s18+$0x5280];
	_ =	sdelay $0x2  }
0xcf: {  	v6 =	vadd.f32 v11, v6;
	v11 =	vadd.f32 v16, v14;
	v16 =	vperm.xlane v9, v58  }
0xd0: {  	[tilespmem:$0x1FFA0] =	vst v1  }
0xd1: {  	v1 =	vadd.f32 v16, v9;
	[tilespmem:$0x1FA70] =	vst v63;
	v63 =	vld [tilespmem:s18+$0xA280];
	_ =	sdelay $0x1  }
0xd2: {  	[tilespmem:$0x1F860] =	vst v1;
	v1 =	vld [tilespmem:s18+$0xA5C0];
	_ =	sdelay $0x2  }
0xd3: {  	[tilespmem:$0x1FA80] =	vst v63;
	v63 =	vld [tilespmem:s18+$0x5290]  }
0xd4: {  	v2 =	vld [tilespmem:$0x1F880]  }
0xd5: {  	[tilespmem:$0x1FFB0] =	vst v1;
	v1 =	vld [tilespmem:$0x1F870];
	_ =	sdelay $0x2  }
0xd6: {  	[tilespmem:$0x1FA90] =	vst v63;
	v63 =	vld [tilespmem:s18+$0xA290];
	_ =	sdelay $0x1  }
0xd7: {  	v9 =	vmul.f32 v2, v1;
	v1 =	vld [tilespmem:$0x1F890]  }
0xd8: {  	v2 =	vld [tilespmem:$0x1F8A0];
	_ =	sdelay $0x1  }
0xd9: {  	[tilespmem:$0x1FAA0] =	vst v63;
	v63 =	vld [tilespmem:s18+$0x52A0]  }
0xda: {  	v7 =	vadd.f32 v17, v7;
	_ =	sdelay $0x1  }
0xdb: {  	v7 =	vadd.f32 v7, v11;
	v11 =	vmul.f32 v2, v1;
	v1 =	vld [tilespmem:$0x1F8B0]  }
0xdc: {  	v2 =	vld [tilespmem:$0x1F8C0]  }
0xdd: {  	v8 =	vadd.f32 v10, v8;
	[tilespmem:$0x1FAB0] =	vst v63;
	v63 =	vld [tilespmem:s18+$0xA2A0];
	_ =	sdelay $0x1  }
0xde: {  	v6 =	vadd.f32 v6, v8;
	v8 =	vperm.xlane v5, v62;
	_ =	sdelay $0x1  }
0xdf: {  	v5 =	vadd.f32 v8, v5;
	v8 =	vmul.f32 v2, v1;
	v1 =	vld [tilespmem:$0x1F8D0]  }
0xe0: {  	[tilespmem:$0x1FAC0] =	vst v63;
	v63 =	vld [tilespmem:s18+$0x52B0]  }
0xe1: {  	v2 =	vld [tilespmem:$0x1F8E0]  }
0xe2: {  	v15 =	vadd.f32 v4, v3;
	_ =	sdelay $0x1  }
0xe3: {  	v10 =	vperm.xlane v15, v62  }
0xe4: {  	[tilespmem:$0x1FAD0] =	vst v63;
	v63 =	vld [tilespmem:s18+$0xA2B0]  }
0xe5: {  	v10 =	vadd.f32 v10, v15;
	v15 =	vmul.f32 v2, v1;
	v1 =	vld [tilespmem:$0x1F8F0]  }
0xe6: {  	v2 =	vld [tilespmem:$0x1F900];
	_ =	sdelay $0x2  }
0xe7: {  	[tilespmem:$0x1FAE0] =	vst v63;
	v63 =	vld [tilespmem:s18+$0x52C0];
	_ =	sdelay $0x1  }
0xe8: {  	v6 =	vadd.f32 v7, v6;
	v7 =	vmul.f32 v2, v1;
	v1 =	vld [tilespmem:$0x1F910]  }
0xe9: {  	v2 =	vld [tilespmem:$0x1F920];
	_ =	sdelay $0x1  }
0xea: {  	[tilespmem:$0x1FAF0] =	vst v63;
	v63 =	vld [tilespmem:s18+$0xA2C0];
	_ =	sdelay $0x2  }
0xeb: {  	v16 =	vmul.f32 v2, v1;
	v1 =	vld [tilespmem:$0x1F930]  }
0xec: {  	v2 =	vld [tilespmem:$0x1F940]  }
0xed: {  	[tilespmem:$0x1FB00] =	vst v63;
	v63 =	vld [tilespmem:s18+$0x52D0];
	_ =	sdelay $0x3  }
0xee: {  	v9 =	vadd.f32 v11, v9;
	v11 =	vmul.f32 v2, v1;
	v1 =	vld [tilespmem:$0x1F950]  }
0xef: {  	[tilespmem:$0x1FB10] =	vst v63;
	v63 =	vld [tilespmem:s18+$0xA2D0]  }
0xf0: {  	v2 =	vld [tilespmem:$0x1F960];
	_ =	sdelay $0x3  }
0xf1: {  	[tilespmem:$0x1FB20] =	vst v63;
	v63 =	vld [tilespmem:s18+$0x52E0]  }
0xf2: {  	v17 =	vmul.f32 v2, v1;
	v1 =	vld [tilespmem:$0x1F970]  }
0xf3: {  	v2 =	vld [tilespmem:$0x1F980];
	_ =	sdelay $0x2  }
0xf4: {  	[tilespmem:$0x1FB30] =	vst v63;
	v63 =	vld [tilespmem:s18+$0xA2E0];
	_ =	sdelay $0x1  }
0xf5: {  	v8 =	vadd.f32 v15, v8;
	v15 =	vmul.f32 v2, v1;
	v1 =	vld [tilespmem:$0x1F990]  }
0xf6: {  	v2 =	vld [tilespmem:$0x1F9A0];
	_ =	sdelay $0x1  }
0xf7: {  	[tilespmem:$0x1FB40] =	vst v63;
	v63 =	vld [tilespmem:s18+$0x52F0];
	_ =	sdelay $0x2  }
0xf8: {  	v7 =	vadd.f32 v16, v7;
	v16 =	vmul.f32 v2, v1;
	v1 =	vld [tilespmem:$0x1F9B0]  }
0xf9: {  	v2 =	vld [tilespmem:$0x1F9C0]  }
0xfa: {  	[tilespmem:$0x1FB50] =	vst v63;
	v63 =	vld [tilespmem:s18+$0xA2F0];
	_ =	sdelay $0x3  }
0xfb: {  	v11 =	vadd.f32 v17, v11;
	v17 =	vmul.f32 v2, v1;
	v1 =	vld [tilespmem:$0x1F9D0]  }
0xfc: {  	[tilespmem:$0x1FB60] =	vst v63;
	v63 =	vld [tilespmem:s18+$0x5400]  }
0xfd: {  	v2 =	vld [tilespmem:$0x1F9E0];
	_ =	sdelay $0x3  }
0xfe: {  	[tilespmem:$0x1FB70] =	vst v63;
	v63 =	vld [tilespmem:s18+$0xA400]  }
0xff: {  	v18 =	vmul.f32 v2, v1;
	v1 =	vld [tilespmem:$0x1F9F0]  }
0x100: {  	v2 =	vld [tilespmem:$0x1FA00];
	_ =	sdelay $0x2  }
0x101: {  	[tilespmem:$0x1FB80] =	vst v63;
	v63 =	vld [tilespmem:s18+$0x5410];
	_ =	sdelay $0x1  }
0x102: {  	v8 =	vadd.f32 v8, v9;
	v9 =	vmul.f32 v2, v1;
	v1 =	vld [tilespmem:$0x1FA10]  }
0x103: {  	v2 =	vld [tilespmem:$0x1FA20];
	_ =	sdelay $0x1  }
0x104: {  	[tilespmem:$0x1FB90] =	vst v63;
	v63 =	vld [tilespmem:s18+$0xA410];
	_ =	sdelay $0x2  }
0x105: {  	v20 =	vmul.f32 v2, v1;
	v1 =	vld [tilespmem:$0x1FA30]  }
0x106: {  	v2 =	vld [tilespmem:$0x1FA40]  }
0x107: {  	[tilespmem:$0x1FBA0] =	vst v63;
	v63 =	vld [tilespmem:s18+$0x5420];
	_ =	sdelay $0x3  }
0x108: {  	v7 =	vadd.f32 v11, v7;
	v11 =	vmul.f32 v2, v1;
	v1 =	vld [tilespmem:$0x1FA50]  }
0x109: {  	[tilespmem:$0x1FBB0] =	vst v63;
	v63 =	vld [tilespmem:s18+$0xA420]  }
0x10a: {  	v2 =	vld [tilespmem:$0x1FA60];
	_ =	sdelay $0x3  }
0x10b: {  	[tilespmem:$0x1FBC0] =	vst v63;
	v63 =	vld [tilespmem:s18+$0x5430]  }
0x10c: {  	v21 =	vmul.f32 v2, v1;
	v1 =	vld [tilespmem:$0x1FA70]  }
0x10d: {  	v2 =	vld [tilespmem:$0x1FA80];
	_ =	sdelay $0x2  }
0x10e: {  	[tilespmem:$0x1FBD0] =	vst v63;
	v63 =	vld [tilespmem:s18+$0xA430];
	_ =	sdelay $0x1  }
0x10f: {  	v15 =	vadd.f32 v16, v15;
	v16 =	vadd.f32 v18, v17;
	v17 =	vmul.f32 v2, v1;
	v1 =	vld [tilespmem:$0x1FA90]  }
0x110: {  	v2 =	vld [tilespmem:$0x1FAA0];
	_ =	sdelay $0x1  }
0x111: {  	[tilespmem:$0x1FBE0] =	vst v63;
	v63 =	vld [tilespmem:s18+$0x5440];
	_ =	sdelay $0x2  }
0x112: {  	v18 =	vmul.f32 v2, v1;
	v1 =	vld [tilespmem:$0x1FAB0]  }
0x113: {  	v2 =	vld [tilespmem:$0x1FAC0]  }
0x114: {  	[tilespmem:$0x1FBF0] =	vst v63;
	v63 =	vld [tilespmem:s18+$0xA440];
	_ =	sdelay $0x3  }
0x115: {  	v15 =	vadd.f32 v16, v15;
	v16 =	vmul.f32 v2, v1;
	v1 =	vld [tilespmem:$0x1FAD0]  }
0x116: {  	[tilespmem:$0x1FC00] =	vst v63;
	v63 =	vld [tilespmem:s18+$0x5450]  }
0x117: {  	v2 =	vld [tilespmem:$0x1FAE0];
	_ =	sdelay $0x3  }
0x118: {  	[tilespmem:$0x1FC10] =	vst v63;
	v63 =	vld [tilespmem:s18+$0xA450]  }
0x119: {  	v9 =	vadd.f32 v20, v9;
	v20 =	vmul.f32 v2, v1;
	v1 =	vld [tilespmem:$0x1FAF0]  }
0x11a: {  	v2 =	vld [tilespmem:$0x1FB00];
	_ =	sdelay $0x2  }
0x11b: {  	v11 =	vadd.f32 v21, v11;
	[tilespmem:$0x1FC20] =	vst v63;
	v63 =	vld [tilespmem:s18+$0x5460];
	_ =	sdelay $0x1  }
0x11c: {  	v9 =	vadd.f32 v11, v9;
	v11 =	vmul.f32 v2, v1;
	v1 =	vld [tilespmem:$0x1FB10]  }
0x11d: {  	v2 =	vld [tilespmem:$0x1FB20];
	_ =	sdelay $0x1  }
0x11e: {  	[tilespmem:$0x1FC30] =	vst v63;
	v63 =	vld [tilespmem:s18+$0xA460];
	_ =	sdelay $0x2  }
0x11f: {  	v21 =	vmul.f32 v2, v1;
	v1 =	vld [tilespmem:$0x1FB30]  }
0x120: {  	v2 =	vld [tilespmem:$0x1FB40]  }
0x121: {  	[tilespmem:$0x1FC40] =	vst v63;
	v63 =	vld [tilespmem:s18+$0x5470];
	_ =	sdelay $0x3  }
0x122: {  	v7 =	vadd.f32 v7, v8;
	v8 =	vmul.f32 v2, v1;
	v1 =	vld [tilespmem:$0x1FB50]  }
0x123: {  	[tilespmem:$0x1FC50] =	vst v63;
	v63 =	vld [tilespmem:s18+$0xA470]  }
0x124: {  	v2 =	vld [tilespmem:$0x1FB60];
	_ =	sdelay $0x3  }
0x125: {  	[tilespmem:$0x1FC60] =	vst v63;
	v63 =	vld [tilespmem:s18+$0x5000]  }
0x126: {  	v22 =	vmul.f32 v2, v1;
	v1 =	vld [tilespmem:$0x1FB70]  }
0x127: {  	v2 =	vld [tilespmem:$0x1FB80];
	_ =	sdelay $0x2  }
0x128: {  	[tilespmem:$0x1FC70] =	vst v63;
	v63 =	vld [tilespmem:s18+$0xA000]  }
0x129: {  	v27 =	vld [tilespmem:s18+$0xA4C0]  }
0x12a: {  	v26 =	vmul.f32 v2, v1;
	v1 =	vld [tilespmem:$0x1FB90]  }
0x12b: {  	v2 =	vld [tilespmem:$0x1FBA0];
	_ =	sdelay $0x1  }
0x12c: {  	[tilespmem:$0x1FC80] =	vst v63;
	v63 =	vld [tilespmem:s18+$0x5010];
	_ =	sdelay $0x2  }
0x12d: {  	[tilespmem:$0x1FE00] =	vst v27;
	v27 =	vmul.f32 v2, v1;
	v1 =	vld [tilespmem:$0x1FBB0]  }
0x12e: {  	v2 =	vld [tilespmem:$0x1FBC0]  }
0x12f: {  	[tilespmem:$0x1FC90] =	vst v63;
	v63 =	vld [tilespmem:s18+$0xA010];
	_ =	sdelay $0x2  }
0x130: {  	v29 =	vld [tilespmem:s18+$0x54C0]  }
0x131: {  	v17 =	vadd.f32 v18, v17;
	v18 =	vmul.f32 v2, v1;
	v1 =	vld [tilespmem:$0x1FBD0]  }
0x132: {  	[tilespmem:$0x1FCA0] =	vst v63;
	v63 =	vld [tilespmem:s18+$0x5020]  }
0x133: {  	v2 =	vld [tilespmem:$0x1FBE0];
	_ =	sdelay $0x3  }
0x134: {  	[tilespmem:$0x1FCB0] =	vst v63;
	v63 =	vld [tilespmem:s18+$0xA020]  }
0x135: {  	[tilespmem:$0x1FDF0] =	vst v29;
	v29 =	vmul.f32 v2, v1;
	v1 =	vld [tilespmem:$0x1FBF0]  }
0x136: {  	v2 =	vld [tilespmem:$0x1FC00];
	_ =	sdelay $0x2  }
0x137: {  	[tilespmem:$0x1FCC0] =	vst v63;
	v63 =	vld [tilespmem:s18+$0x5030];
	_ =	sdelay $0x1  }
0x138: {  	v16 =	vadd.f32 v20, v16;
	v20 =	vmul.f32 v2, v1;
	v1 =	vld [tilespmem:$0x1FC10]  }
0x139: {  	v2 =	vld [tilespmem:$0x1FC20];
	_ =	sdelay $0x1  }
0x13a: {  	[tilespmem:$0x1FCD0] =	vst v63;
	v63 =	vld [tilespmem:s18+$0xA030];
	_ =	sdelay $0x2  }
0x13b: {  	v30 =	vmul.f32 v2, v1;
	v1 =	vld [tilespmem:$0x1FC30]  }
0x13c: {  	v2 =	vld [tilespmem:$0x1FC40]  }
0x13d: {  	[tilespmem:$0x1FCE0] =	vst v63;
	v63 =	vld [tilespmem:s18+$0x5040];
	_ =	sdelay $0x3  }
0x13e: {  	v11 =	vadd.f32 v21, v11;
	v21 =	vmul.f32 v2, v1;
	v1 =	vld [tilespmem:$0x1FC50]  }
0x13f: {  	[tilespmem:$0x1FCF0] =	vst v63;
	v63 =	vld [tilespmem:s18+$0xA040]  }
0x140: {  	v2 =	vld [tilespmem:$0x1FC60];
	_ =	sdelay $0x3  }
0x141: {  	[tilespmem:$0x1FD00] =	vst v63;
	v63 =	vld [tilespmem:s18+$0x5050]  }
0x142: {  	v31 =	vmul.f32 v2, v1;
	v1 =	vld [tilespmem:$0x1FC70]  }
0x143: {  	v5 =	vsel vm2, v10, v5;
	v2 =	vld [tilespmem:$0x1FC80]  }
0x144: {  	v9 =	vadd.f32 v9, v15;
	v15 =	vperm.xlane v5, v58;
	_ =	sdelay $0x1  }
0x145: {  	v57 =	vadd.f32 v15, v5;
	v8 =	vadd.f32 v22, v8;
	[tilespmem:$0x1FD10] =	vst v63;
	v63 =	vld [tilespmem:s18+$0xA050]  }
0x146: {  	v22 =	vadd.f32 v27, v26;
	v18 =	vadd.f32 v29, v18  }
0x147: {  	v20 =	vadd.f32 v30, v20;
	v21 =	vadd.f32 v31, v21;
	v15 =	vmul.f32 v2, v1;
	v1 =	vld [tilespmem:$0x1FC90]  }
0x148: {  	v16 =	vadd.f32 v16, v17;
	v8 =	vadd.f32 v8, v11;
	v2 =	vld [tilespmem:$0x1FCA0]  }
0x149: {  	v11 =	vadd.f32 v18, v22;
	v17 =	vadd.f32 v21, v20  }
0x14a: {  	v10 =	vperm.xlane v6, v62;
	[tilespmem:$0x1FD20] =	vst v63;
	v63 =	vld [tilespmem:s18+$0x5060]  }
0x14b: {  	v5 =	vperm.xlane v9, v62;
	v11 =	vadd.f32 v17, v11;
	v17 =	vperm.xlane v7, v62  }
0x14c: {  	v16 =	vadd.f32 v8, v16;
	v8 =	vadd.f32 v10, v6  }
0x14d: {  	v10 =	vadd.f32 v17, v7;
	v7 =	vadd.f32 v5, v9;
	v5 =	vmul.f32 v2, v1;
	v1 =	vld [tilespmem:$0x1FCB0]  }
0x14e: {  	v2 =	vld [tilespmem:$0x1FCC0]  }
0x14f: {  	[tilespmem:$0x1FD30] =	vst v63;
	v63 =	vld [tilespmem:s18+$0xA060];
	_ =	sdelay $0x1  }
0x150: {  	v17 =	vperm.xlane v16, v62;
	_ =	sdelay $0x1  }
0x151: {  	v9 =	vadd.f32 v17, v16;
	v16 =	vmul.f32 v2, v1;
	v1 =	vld [tilespmem:$0x1FCD0]  }
0x152: {  	[tilespmem:$0x1FD40] =	vst v63;
	v63 =	vld [tilespmem:s18+$0x5070]  }
0x153: {  	v2 =	vld [tilespmem:$0x1FCE0];
	_ =	sdelay $0x3  }
0x154: {  	[tilespmem:$0x1FD50] =	vst v63;
	v63 =	vld [tilespmem:s18+$0xA070]  }
0x155: {  	v17 =	vmul.f32 v2, v1;
	v1 =	vld [tilespmem:$0x1FCF0]  }
0x156: {  	v2 =	vld [tilespmem:$0x1FD00];
	_ =	sdelay $0x2  }
0x157: {  	v20 =	vperm.xlane v11, v62;
	[tilespmem:$0x1FD60] =	vst v63;
	v63 =	vld [tilespmem:s18+$0x5480];
	_ =	sdelay $0x1  }
0x158: {  	v11 =	vadd.f32 v20, v11;
	v20 =	vmul.f32 v2, v1;
	v1 =	vld [tilespmem:$0x1FD10]  }
0x159: {  	v2 =	vld [tilespmem:$0x1FD20];
	_ =	sdelay $0x1  }
0x15a: {  	[tilespmem:$0x1FD70] =	vst v63;
	v63 =	vld [tilespmem:s18+$0xA480];
	_ =	sdelay $0x2  }
0x15b: {  	v22 =	vmul.f32 v2, v1;
	v1 =	vld [tilespmem:$0x1FD30]  }
0x15c: {  	v2 =	vld [tilespmem:$0x1FD40]  }
0x15d: {  	[tilespmem:$0x1FD80] =	vst v63;
	v63 =	vld [tilespmem:s18+$0x5490];
	_ =	sdelay $0x3  }
0x15e: {  	v5 =	vadd.f32 v5, v15;
	v15 =	vmul.f32 v2, v1;
	v1 =	vld [tilespmem:$0x1FD50]  }
0x15f: {  	[tilespmem:$0x1FD90] =	vst v63;
	v63 =	vld [tilespmem:s18+$0xA490]  }
0x160: {  	v2 =	vld [tilespmem:$0x1FD60];
	_ =	sdelay $0x3  }
0x161: {  	[tilespmem:$0x1FDA0] =	vst v63;
	v63 =	vld [tilespmem:s18+$0x54A0]  }
0x162: {  	v27 =	vmul.f32 v2, v1;
	v1 =	vld [tilespmem:$0x1FD70]  }
0x163: {  	v2 =	vld [tilespmem:$0x1FD80];
	_ =	sdelay $0x2  }
0x164: {  	[tilespmem:$0x1FDB0] =	vst v63;
	v63 =	vld [tilespmem:s18+$0xA4A0];
	_ =	sdelay $0x1  }
0x165: {  	v16 =	vadd.f32 v17, v16;
	v17 =	vmul.f32 v2, v1;
	v1 =	vld [tilespmem:$0x1FD90]  }
0x166: {  	v2 =	vld [tilespmem:$0x1FDA0];
	_ =	sdelay $0x1  }
0x167: {  	[tilespmem:$0x1FDC0] =	vst v63;
	v63 =	vld [tilespmem:s18+$0x54B0];
	_ =	sdelay $0x2  }
0x168: {  	v29 =	vmul.f32 v2, v1;
	v1 =	vld [tilespmem:$0x1FDB0]  }
0x169: {  	v2 =	vld [tilespmem:$0x1FDC0]  }
0x16a: {  	[tilespmem:$0x1FDD0] =	vst v63;
	v63 =	vld [tilespmem:s18+$0xA4B0];
	_ =	sdelay $0x4  }
0x16b: {  	v20 =	vadd.f32 v22, v20;
	v22 =	vmul.f32 v2, v1;
	v1 =	vld [tilespmem:$0x1FDD0];
	[tilespmem:$0x1FDE0] =	vst v63  }
0x16c: {  	v2 =	vld [tilespmem:$0x1FDE0];
	_ =	sdelay $0x4  }
0x16d: {  	v30 =	vmul.f32 v2, v1;
	v1 =	vld [tilespmem:$0x1FDF0]  }
0x16e: {  	v2 =	vld [tilespmem:$0x1FE00];
	_ =	sdelay $0x2  }
0x16f: {  	v23 =	vld [tilespmem:s18+$0x54D0]  }
0x170: {  	v3 =	vld [tilespmem:$0x1FE30]  }
0x171: {  	v15 =	vadd.f32 v27, v15;
	v27 =	vmul.f32 v2, v1;
	v1 =	vld [tilespmem:$0x1FE10]  }
0x172: {  	v2 =	vld [tilespmem:$0x1FE20];
	_ =	sdelay $0x2  }
0x173: {  	v24 =	vld [tilespmem:s18+$0xA080]  }
0x174: {  	v59 =	vld [tilespmem:s18+$0xA5D0]  }
0x175: {  	v38 =	vmul.f32 v1, v23;
	v1 =	vadd.f32 v16, v5;
	v16 =	vmul.f32 v3, v2;
	v2 =	vld [tilespmem:$0x1FE40]  }
0x176: {  	v3 =	vld [tilespmem:$0x1FE50]  }
0x177: {  	v55 =	vld [tilespmem:s18+$0x55E0]  }
0x178: {  	v44 =	vld [tilespmem:s18+$0xA5E0]  }
0x179: {  	v32 =	vld [tilespmem:s18+$0xA390]  }
0x17a: {  	v13 =	vld [tilespmem:s18+$0xA590]  }
0x17b: {  	v54 =	vmul.f32 v3, v2;
	v2 =	vld [tilespmem:$0x1FE60]  }
0x17c: {  	v3 =	vld [tilespmem:$0x1FE70]  }
0x17d: {  	v39 =	vld [tilespmem:s18+$0xA3A0]  }
0x17e: {  	v36 =	vld [tilespmem:s18+$0xA3D0]  }
0x17f: {  	v12 =	vld [tilespmem:s18+$0x5080]  }
0x180: {  	v25 =	vld [tilespmem:s18+$0xA1E0]  }
0x181: {  	v5 =	vmul.f32 v3, v2;
	v2 =	vld [tilespmem:$0x1FE80]  }
0x182: {  	v3 =	vld [tilespmem:$0x1FE90]  }
0x183: {  	v28 =	vld [tilespmem:s18+$0xA1F0]  }
0x184: {  	v45 =	vld [tilespmem:s18+$0xA5F0]  }
0x185: {  	v41 =	vld [tilespmem:s18+$0xA190]  }
0x186: {  	v53 =	vld [tilespmem:s18+$0xA1A0]  }
0x187: {  	v4 =	vmul.f32 v3, v2;
	v2 =	vld [tilespmem:$0x1FEA0]  }
0x188: {  	v3 =	vld [tilespmem:$0x1FEB0]  }
0x189: {  	v37 =	vld [tilespmem:s18+$0x53D0];
	v15 =	vadd.f32 v15, v20  }
0x18a: {  	v46 =	vld [tilespmem:s18+$0xA180];
	v17 =	vadd.f32 v29, v17;
	v22 =	vadd.f32 v30, v22  }
0x18b: {  	v60 =	vld [tilespmem:s18+$0x51B0]  }
0x18c: {  	v17 =	vadd.f32 v22, v17;
	v22 =	vadd.f32 v15, v1;
	v1 =	vld [tilespmem:$0x1FEC0]  }
0x18d: {  	v3 =	vmul.f32 v3, v2;
	v2 =	vld [tilespmem:$0x1FED0]  }
0x18e: {  	v34 =	vld [tilespmem:s18+$0x53C0]  }
0x18f: {  	v43 =	vld [tilespmem:s18+$0x5190]  }
0x190: {  	v52 =	vld [tilespmem:s18+$0x51A0]  }
0x191: {  	v40 =	vld [tilespmem:s18+$0x51C0]  }
0x192: {  	v15 =	vmul.f32 v2, v1;
	v1 =	vld [tilespmem:$0x1FEE0]  }
0x193: {  	v2 =	vld [tilespmem:$0x1FEF0]  }
0x194: {  	v48 =	vld [tilespmem:s18+$0x53B0]  }
0x195: {  	v35 =	vld [tilespmem:s18+$0xA3C0]  }
0x196: {  	v56 =	vld [tilespmem:s18+$0xA1B0]  }
0x197: {  	v6 =	vld [tilespmem:$0x1FF10]  }
0x198: {  	v2 =	vmul.f32 v2, v1;
	v1 =	vld [tilespmem:$0x1FF00]  }
0x199: {  	v19 =	vld [tilespmem:s18+$0x51D0];
	v27 =	vadd.f32 v38, v27;
	v16 =	vadd.f32 v54, v16  }
0x19a: {  	v49 =	vld [tilespmem:s18+$0x5180]  }
0x19b: {  	v47 =	vld [tilespmem:s18+$0x51F0];
	v16 =	vadd.f32 v16, v27  }
0x19c: {  	v61 =	vld [tilespmem:s18+$0xA1C0]  }
0x19d: {  	v17 =	vadd.f32 v16, v17;
	v16 =	vmul.f32 v6, v1;
	v1 =	vld [tilespmem:$0x1FF20]  }
0x19e: {  	v6 =	vld [tilespmem:$0x1FF30]  }
0x19f: {  	v50 =	vld [tilespmem:s18+$0xA3B0]  }
0x1a0: {  	v42 =	vld [tilespmem:s18+$0x55F0]  }
0x1a1: {  	v51 =	vld [tilespmem:s18+$0x51E0]  }
0x1a2: {  	v3 =	vadd.f32 v3, v4;
	v4 =	vld [tilespmem:$0x1FF40]  }
0x1a3: {  	v1 =	vmul.f32 v6, v1;
	v6 =	vld [tilespmem:$0x1FF50]  }
0x1a4: {  	v33 =	vld [tilespmem:s18+$0xA1D0]  }
0x1a5: {  	v44 =	vmul.f32 v44, v55;
	v42 =	vmul.f32 v45, v42;
	v0 =	vld [tilespmem:s18+$0x55B0]  }
0x1a6: {  	v49 =	vmul.f32 v46, v49;
	v46 =	vmul.f32 v41, v43;
	v41 =	vld [tilespmem:s18+$0x4FD0]  }
0x1a7: {  	v55 =	vadd.f32 v42, v44;
	v44 =	vld [tilespmem:s18+$0x9FC0]  }
0x1a8: {  	v23 =	vmul.f32 v6, v4;
	v4 =	vld [tilespmem:$0x1FF60]  }
0x1a9: {  	v12 =	vmul.f32 v24, v12;
	v45 =	vmul.f32 v33, v19;
	v33 =	vld [tilespmem:s18+$0x9FD0]  }
0x1aa: {  	[tilespmem:$0x1FF90] =	vst v0;
	v0 =	vld [tilespmem:s18+$0xA5B0]  }
0x1ab: {  	v26 =	vld [tilespmem:s18+$0x5390];
	v12 =	vadd.f32 v5, v12  }
0x1ac: {  	v18 =	vld [tilespmem:s18+$0x5380]  }
0x1ad: {  	v14 =	vmul.f32 v13, v4;
	v13 =	vadd.f32 v3, v12;
	v3 =	vld [tilespmem:$0x1FF70]  }
0x1ae: {  	v4 =	vld [tilespmem:$0x1FF80]  }
0x1af: {  	v31 =	vld [tilespmem:s18+$0x53A0]  }
0x1b0: {  	v21 =	vld [tilespmem:s18+$0xA380]  }
0x1b1: {  	v20 =	vld [tilespmem:s18+$0x9F80]  }
0x1b2: {  	v29 =	vld [tilespmem:s18+$0x53E0]  }
0x1b3: {  	v24 =	vmul.f32 v4, v3;
	v3 =	vld [tilespmem:$0x1FF90]  }
0x1b4: {  	v63 =	vld [tilespmem:s18+$0x55D0]  }
0x1b5: {  	v30 =	vld [tilespmem:s18+$0xA3E0]  }
0x1b6: {  	v38 =	vld [tilespmem:s18+$0x53F0];
	v2 =	vadd.f32 v2, v15;
	v1 =	vadd.f32 v1, v16  }
0x1b7: {  	v54 =	vld [tilespmem:s18+$0xA3F0]  }
0x1b8: {  	v0 =	vmul.f32 v0, v3;
	v3 =	vadd.f32 v1, v2;
	v1 =	vld [tilespmem:$0x1FFA0]  }
0x1b9: {  	v2 =	vld [tilespmem:$0x1FFB0]  }
0x1ba: {  	v27 =	vld [tilespmem:s18+$0x4F80]  }
0x1bb: {  	v5 =	vld [tilespmem:s18+$0x4F90]  }
0x1bc: {  	v15 =	vld [tilespmem:s18+$0x9F90]  }
0x1bd: {  	s19 =	smul.u32 $0x140, s19;
	v16 =	vld [tilespmem:s18+$0x4FA0]  }
0x1be: {  	v12 =	vld [tilespmem:s18+$0x4FB0];
	v1 =	vmul.f32 v2, v1;
	v2 =	vmul.f32 v59, v63  }
0x1bf: {  	s19 =	sshra.s32 s19, $0x2;
	v43 =	vmul.f32 v56, v60;
	v23 =	vadd.f32 v14, v23;
	v14 =	vld [tilespmem:s18+$0x9FB0]  }
0x1c0: {  	s19 =	sadd.s32 $0xEF00, s19;
	v40 =	vmul.f32 v61, v40;
	v4 =	vld [tilespmem:s18+$0x9FA0];
	v24 =	vadd.f32 v0, v24;
	v2 =	vadd.f32 v2, v1  }
0x1c1: {  	v25 =	vmul.f32 v25, v51;
	v42 =	vmul.f32 v53, v52;
	v0 =	vmov s19;
	v59 =	vld [tilespmem:s18+$0x4FC0]  }
0x1c2: {  	s20 =	simm.s32 $0x1;
	s19 =	simm.s32 $0x0;
	[tilespmem:$0x1FFC0] =	vst v0;
	v1 =	vadd.f32 v24, v23;
	v24 =	vmul.f32 v28, v47;
	v23 =	vld [tilespmem:s18+$0x4FE0];
	v2 =	vadd.f32 v55, v2  }
.LBB2_4:
0x1c3: {  	v3 =	vadd.f32 v3, v13;
	v18 =	vmul.f32 v21, v18;
	v21 =	vmul.f32 v32, v26  }
0x1c4: {  	v47 =	vld [tilespmem:s18+$0x4FF0];
	v28 =	vadd.f32 v46, v49;
	v31 =	vmul.f32 v39, v31;
	v46 =	vmul.f32 v50, v48  }
0x1c5: {  	v63 =	vadd.f32 v43, v42;
	v49 =	vld [tilespmem:s18+$0x9FF0];
	v34 =	vmul.f32 v35, v34;
	v48 =	vmul.f32 v36, v37  }
0x1c6: {  	v24 =	vadd.f32 v24, v25;
	v26 =	vld [tilespmem:s18+$0x9FE0];
	v25 =	vmul.f32 v30, v29;
	v29 =	vmul.f32 v54, v38  }
0x1c7: {  	v40 =	vadd.f32 v45, v40;
	v20 =	vmul.f32 v20, v27;
	v5 =	vmul.f32 v15, v5  }
0x1c8: {  	v4 =	vmul.f32 v4, v16;
	v12 =	vmul.f32 v14, v12;
	v18 =	vadd.f32 v21, v18  }
0x1c9: {  	v16 =	vmul.f32 v44, v59;
	v15 =	vadd.f32 v46, v31;
	v14 =	vadd.f32 v48, v34  }
0x1ca: {  	v21 =	vmul.f32 v33, v41;
	v25 =	vadd.f32 v29, v25;
	v5 =	vadd.f32 v5, v20  }
0x1cb: {  	v4 =	vadd.f32 v12, v4;
	v23 =	vmul.f32 v26, v23;
	v26 =	vmul.f32 v49, v47  }
0x1cc: {  	v12 =	vadd.f32 v21, v16;
	v15 =	vadd.f32 v15, v18  }
0x1cd: {  	v14 =	vadd.f32 v25, v14;
	v16 =	vadd.f32 v26, v23  }
0x1ce: {  	v1 =	vadd.f32 v2, v1;
	v4 =	vadd.f32 v4, v5  }
0x1cf: {  	v14 =	vadd.f32 v14, v15;
	v5 =	vadd.f32 v16, v12  }
0x1d0: {  	v8 =	vsel vm2, v8, v10;
	v12 =	vadd.f32 v63, v28;
	v16 =	vadd.f32 v24, v40  }
0x1d1: {  	v2 =	vperm.xlane v17, v62;
	v18 =	vperm.xlane v1, v62;
	v4 =	vadd.f32 v5, v4  }
0x1d2: {  	v13 =	vperm.xlane v14, v62;
	v5 =	vperm.xlane v22, v62;
	v12 =	vadd.f32 v16, v12  }
0x1d3: {  	v2 =	vadd.f32 v2, v17;
	v16 =	vperm.xlane v3, v62;
	v15 =	vperm.xlane v4, v62  }
0x1d4: {  	v13 =	vadd.f32 v13, v14;
	v5 =	vadd.f32 v5, v22;
	v20 =	vperm.xlane v12, v62  }
0x1d5: {  	v7 =	vsel vm2, v7, v9;
	v3 =	vadd.f32 v16, v3;
	v4 =	vadd.f32 v15, v4  }
0x1d6: {  	v1 =	vadd.f32 v18, v1;
	v10 =	vadd.f32 v20, v12;
	v5 =	vsel vm2, v11, v5  }
0x1d7: {  	v2 =	vsel vm2, v2, v3;
	v3 =	vperm.xlane v5, v58;
	v4 =	vsel vm2, v13, v4  }
0x1d8: {  	v1 =	vsel vm2, v1, v10;
	v10 =	vperm.xlane v2, v58;
	v9 =	vperm.xlane v4, v58  }
0x1d9: {  	v11 =	vperm.xlane v1, v58;
	v3 =	vadd.f32 v3, v5;
	v5 =	vperm.xlane v7, v58  }
0x1da: {  	v0 =	vld [tilespmem:$0x1FFE0];
	v2 =	vadd.f32 v10, v2;
	v4 =	vadd.f32 v9, v4;
	v9 =	vperm.xlane v8, v58  }
0x1db: {  	v1 =	vadd.f32 v11, v1;
	v5 =	vadd.f32 v5, v7  }
0x1dc: {  	v3 =	vperm.xlane v3, v58;
	v7 =	vld [tilespmem:$0x1F860];
	v4 =	vperm.xlane v4, v58;
	v8 =	vadd.f32 v9, v8  }
0x1dd: {  	v2 =	vperm.xlane v2, v58  }
0x1de: {  	v6 =	vperm.xlane v57, v58;
	v1 =	vsel vm0, v1, v4;
	v3 =	vsel vm0, v8, v3  }
0x1df: {  	v2 =	vsel vm0, v5, v2;
	v4 =	vperm.xlane v1, v0;
	v5 =	vperm.xlane v3, v0;
	_ =	sdelay $0x1  }
0x1e0: {  	v6 =	vsel vm0, v7, v6;
	v1 =	vadd.f32 v4, v1;
	v3 =	vadd.f32 v5, v3  }
0x1e1: {  	v7 =	vperm.xlane v2, v0;
	v4 =	vperm.xlane v6, v0  }
0x1e2: {  	v1 =	vperm.xlane v1, v0;
	v3 =	vperm.xlane v3, v0;
	v0 =	vld [tilespmem:$0x1FFF0];
	_ =	sdelay $0x1  }
0x1e3: {  	v2 =	vadd.f32 v7, v2;
	_ =	sdelay $0x1  }
0x1e4: {  	v1 =	vsel vm1, v2, v1  }
0x1e5: {  	v2 =	vperm.xlane v1, v0  }
0x1e6: {  	v4 =	vadd.f32 v4, v6  }
0x1e7: {  	v1 =	vadd.f32 v2, v1  }
0x1e8: {  	v3 =	vsel vm1, v4, v3  }
0x1e9: {  	v4 =	vperm.xlane v3, v0;
	v1 =	vperm.xlane v1, v0;
	v0 =	vld [tilespmem:$0x1FFC0];
	_ =	sdelay $0x4  }
0x1ea: {  	v2 =	vadd.f32 v4, v3  }
0x1eb: {  	s21 =	sshll.u32 s20, $0x4  }
0x1ec: {  	s31 =	sadd.s32 s17, s21;
	v1 =	vsel vm3, v2, v1  }
0x1ed: {  	s18 =	sshll.u32 s31, $0x7;
	[tilespmem:v0+s19+$0x0 ss:$0x1] =	vst.idx.msk $0xffff, v1  }
0x1ee: {  	v4 =	vld [tilespmem:s18+$0x9F00]  }
0x1ef: {  	v5 =	vld [tilespmem:s18+$0x4F00]  }
0x1f0: {  	v12 =	vld [tilespmem:s18+$0x4F10]  }
0x1f1: {  	v14 =	vld [tilespmem:s18+$0x9F10]  }
0x1f2: {  	v13 =	vld [tilespmem:s18+$0x4F20]  }
0x1f3: {  	v15 =	vld [tilespmem:s18+$0x9F20]  }
0x1f4: {  	v16 =	vld [tilespmem:s18+$0x4F30]  }
0x1f5: {  	v20 =	vld [tilespmem:s18+$0x9F30]  }
0x1f6: {  	v17 =	vld [tilespmem:s18+$0x4F40]  }
0x1f7: {  	v22 =	vld [tilespmem:s18+$0x9F40]  }
0x1f8: {  	v23 =	vld [tilespmem:s18+$0x4F50]  }
0x1f9: {  	v0 =	vld [tilespmem:s18+$0x4F70];
	_ =	sdelay $0x4  }
0x1fa: {  	[tilespmem:$0x1EF40] =	vst v0;
	v0 =	vld [tilespmem:s18+$0x9F70];
	_ =	sdelay $0x4  }
0x1fb: {  	[tilespmem:$0x1EF50] =	vst v0;
	v0 =	vld [tilespmem:s18+$0x5300];
	_ =	sdelay $0x4  }
0x1fc: {  	[tilespmem:$0x1EF60] =	vst v0;
	v0 =	vld [tilespmem:s18+$0xA300];
	_ =	sdelay $0x4  }
0x1fd: {  	[tilespmem:$0x1EF70] =	vst v0;
	v0 =	vld [tilespmem:s18+$0x5310];
	_ =	sdelay $0x4  }
0x1fe: {  	[tilespmem:$0x1EF80] =	vst v0;
	v0 =	vld [tilespmem:s18+$0xA310];
	_ =	sdelay $0x4  }
0x1ff: {  	[tilespmem:$0x1EF90] =	vst v0;
	v0 =	vld [tilespmem:s18+$0x5320];
	_ =	sdelay $0x4  }
0x200: {  	[tilespmem:$0x1EFA0] =	vst v0;
	v0 =	vld [tilespmem:s18+$0xA320];
	_ =	sdelay $0x4  }
0x201: {  	[tilespmem:$0x1EFB0] =	vst v0;
	v0 =	vld [tilespmem:s18+$0x5330];
	_ =	sdelay $0x4  }
0x202: {  	[tilespmem:$0x1EFC0] =	vst v0;
	v0 =	vld [tilespmem:s18+$0xA330];
	_ =	sdelay $0x4  }
0x203: {  	[tilespmem:$0x1EFD0] =	vst v0;
	v0 =	vld [tilespmem:s18+$0x5340];
	_ =	sdelay $0x4  }
0x204: {  	[tilespmem:$0x1EFE0] =	vst v0;
	v0 =	vld [tilespmem:s18+$0xA340];
	_ =	sdelay $0x4  }
0x205: {  	[tilespmem:$0x1EFF0] =	vst v0;
	v0 =	vld [tilespmem:s18+$0x5350];
	_ =	sdelay $0x4  }
0x206: {  	[tilespmem:$0x1F000] =	vst v0;
	v0 =	vld [tilespmem:s18+$0x5360];
	_ =	sdelay $0x4  }
0x207: {  	[tilespmem:$0x1F010] =	vst v0;
	v0 =	vld [tilespmem:s18+$0xA570];
	_ =	sdelay $0x4  }
0x208: {  	[tilespmem:$0x1F020] =	vst v0;
	v0 =	vld [tilespmem:s18+$0x5110];
	_ =	sdelay $0x4  }
0x209: {  	[tilespmem:$0x1F030] =	vst v0;
	v0 =	vld [tilespmem:s18+$0xA110];
	_ =	sdelay $0x4  }
0x20a: {  	[tilespmem:$0x1F040] =	vst v0;
	v0 =	vld [tilespmem:s18+$0x5120]  }
0x20b: {  	v4 =	vmul.f32 v4, v5;
	v5 =	vmul.f32 v14, v12;
	v14 =	vld [tilespmem:s18+$0x54D0]  }
0x20c: {  	v12 =	vld [tilespmem:s18+$0xA4C0];
	_ =	sdelay $0x1  }
0x20d: {  	v29 =	vld [tilespmem:s18+$0x9F50]  }
0x20e: {  	[tilespmem:$0x1F050] =	vst v0;
	v0 =	vld [tilespmem:s18+$0xA120]  }
0x20f: {  	[tilespmem:$0x1F620] =	vst v14;
	v14 =	vmul.f32 v22, v17;
	v17 =	vld [tilespmem:$0x1EF40]  }
0x210: {  	[tilespmem:$0x1F610] =	vst v12;
	v12 =	vmul.f32 v15, v13;
	v13 =	vmul.f32 v20, v16;
	v20 =	vld [tilespmem:$0x1EF50]  }
0x211: {  	v27 =	vld [tilespmem:s18+$0x4F60]  }
0x212: {  	v38 =	vld [tilespmem:s18+$0x9F60]  }
0x213: {  	[tilespmem:$0x1F060] =	vst v0;
	v0 =	vld [tilespmem:s18+$0x5130]  }
0x214: {  	v54 =	vld [tilespmem:s18+$0xA350]  }
0x215: {  	v17 =	vmul.f32 v20, v17;
	v20 =	vld [tilespmem:s18+$0x54E0]  }
0x216: {  	v3 =	vld [tilespmem:s18+$0xA360]  }
0x217: {  	v2 =	vld [tilespmem:s18+$0x5370]  }
0x218: {  	[tilespmem:$0x1F070] =	vst v0;
	v0 =	vld [tilespmem:s18+$0xA130]  }
0x219: {  	v4 =	vadd.f32 v5, v4;
	v5 =	vld [tilespmem:$0x1EF60]  }
0x21a: {  	[tilespmem:$0x1F630] =	vst v20;
	v20 =	vld [tilespmem:$0x1EF70]  }
0x21b: {  	v1 =	vld [tilespmem:s18+$0xA370]  }
0x21c: {  	v19 =	vld [tilespmem:s18+$0x5500]  }
0x21d: {  	[tilespmem:$0x1F080] =	vst v0;
	v0 =	vld [tilespmem:s18+$0x5140]  }
0x21e: {  	v24 =	vld [tilespmem:s18+$0xA500]  }
0x21f: {  	v5 =	vmul.f32 v20, v5;
	v20 =	vld [tilespmem:$0x1EF80]  }
0x220: {  	v22 =	vld [tilespmem:$0x1EF90]  }
0x221: {  	v25 =	vld [tilespmem:s18+$0x5510]  }
0x222: {  	[tilespmem:$0x1F090] =	vst v0;
	v0 =	vld [tilespmem:s18+$0xA140]  }
0x223: {  	v33 =	vld [tilespmem:s18+$0xA510]  }
0x224: {  	v12 =	vadd.f32 v13, v12;
	v13 =	vld [tilespmem:$0x1EFA0]  }
0x225: {  	v20 =	vmul.f32 v22, v20;
	v22 =	vld [tilespmem:$0x1EFB0]  }
0x226: {  	v28 =	vld [tilespmem:s18+$0x5520]  }
0x227: {  	[tilespmem:$0x1F0A0] =	vst v0;
	v0 =	vld [tilespmem:s18+$0x5150]  }
0x228: {  	v40 =	vld [tilespmem:s18+$0xA520]  }
0x229: {  	v41 =	vld [tilespmem:s18+$0x5530];
	v16 =	vmul.f32 v38, v27  }
0x22a: {  	v13 =	vmul.f32 v22, v13;
	v22 =	vld [tilespmem:$0x1EFC0]  }
0x22b: {  	v16 =	vadd.f32 v17, v16;
	v17 =	vld [tilespmem:$0x1F010]  }
0x22c: {  	[tilespmem:$0x1F0B0] =	vst v0;
	v0 =	vld [tilespmem:s18+$0xA150]  }
0x22d: {  	v15 =	vmul.f32 v29, v23;
	v23 =	vld [tilespmem:$0x1EFD0]  }
0x22e: {  	v43 =	vld [tilespmem:s18+$0xA530]  }
0x22f: {  	v42 =	vld [tilespmem:s18+$0x5540]  }
0x230: {  	v14 =	vadd.f32 v15, v14;
	v15 =	vld [tilespmem:$0x1EFE0]  }
0x231: {  	v1 =	vmul.f32 v1, v2;
	v3 =	vmul.f32 v3, v17;
	[tilespmem:$0x1F0C0] =	vst v0;
	v0 =	vld [tilespmem:s18+$0x5160]  }
0x232: {  	v22 =	vmul.f32 v23, v22;
	v23 =	vld [tilespmem:$0x1EFF0]  }
0x233: {  	v1 =	vadd.f32 v1, v3;
	v3 =	vld [tilespmem:s18+$0x5090]  }
0x234: {  	v2 =	vld [tilespmem:s18+$0x5080]  }
0x235: {  	v44 =	vld [tilespmem:s18+$0xA540]  }
0x236: {  	[tilespmem:$0x1F0D0] =	vst v0;
	v0 =	vld [tilespmem:s18+$0xA160]  }
0x237: {  	v6 =	vld [tilespmem:s18+$0xA210]  }
0x238: {  	v15 =	vmul.f32 v23, v15;
	v23 =	vld [tilespmem:$0x1F000];
	[tilespmem:$0x1F660] =	vst v3;
	v3 =	vadd.f32 v12, v4;
	v4 =	vadd.f32 v16, v14  }
0x239: {  	[tilespmem:$0x1F640] =	vst v2;
	v2 =	vadd.f32 v20, v5;
	v5 =	vadd.f32 v22, v13;
	v13 =	vld [tilespmem:s18+$0xA080]  }
0x23a: {  	v3 =	vadd.f32 v4, v3;
	v4 =	vld [tilespmem:s18+$0xA0A0]  }
0x23b: {  	[tilespmem:$0x1F0E0] =	vst v0;
	v0 =	vld [tilespmem:s18+$0x5170]  }
0x23c: {  	v45 =	vld [tilespmem:s18+$0x5550]  }
0x23d: {  	v50 =	vld [tilespmem:s18+$0xA550];
	[tilespmem:$0x1F200] =	vst v6;
	v23 =	vmul.f32 v54, v23  }
0x23e: {  	v6 =	vld [tilespmem:s18+$0x5230];
	[tilespmem:$0x1F650] =	vst v13  }
0x23f: {  	v13 =	vadd.f32 v23, v15;
	[tilespmem:$0x1F680] =	vst v4;
	v4 =	vld [tilespmem:s18+$0x50C0]  }
0x240: {  	[tilespmem:$0x1F0F0] =	vst v0;
	v0 =	vld [tilespmem:s18+$0xA170]  }
0x241: {  	v2 =	vadd.f32 v5, v2;
	v1 =	vadd.f32 v1, v13;
	v13 =	vld [tilespmem:s18+$0xA0C0]  }
0x242: {  	v47 =	vld [tilespmem:s18+$0x5560]  }
0x243: {  	v53 =	vld [tilespmem:s18+$0xA560];
	[tilespmem:$0x1F210] =	vst v6;
	v1 =	vadd.f32 v1, v2  }
0x244: {  	v59 =	vld [tilespmem:s18+$0x5570];
	v2 =	vperm.xlane v3, v62;
	[tilespmem:$0x1F690] =	vst v4  }
0x245: {  	v4 =	vperm.xlane v1, v62;
	[tilespmem:$0x1F100] =	vst v0;
	v0 =	vld [tilespmem:s18+$0x5600]  }
0x246: {  	v6 =	vld [tilespmem:s18+$0xA230];
	[tilespmem:$0x1F6A0] =	vst v13;
	v13 =	vmul.f32 v43, v41;
	v2 =	vadd.f32 v2, v3;
	v3 =	vmul.f32 v40, v28  }
0x247: {  	v5 =	vld [tilespmem:s18+$0x50A0];
	v14 =	vmul.f32 v50, v45;
	v1 =	vadd.f32 v4, v1;
	v4 =	vmul.f32 v44, v42  }
0x248: {  	v3 =	vadd.f32 v13, v3;
	v13 =	vld [tilespmem:$0x1F030]  }
0x249: {  	v4 =	vadd.f32 v14, v4;
	v14 =	vld [tilespmem:$0x1F040]  }
0x24a: {  	[tilespmem:$0x1F110] =	vst v0;
	v0 =	vld [tilespmem:s18+$0xA600]  }
0x24b: {  	v56 =	vld [tilespmem:s18+$0x5100]  }
0x24c: {  	[tilespmem:$0x1F220] =	vst v6;
	v6 =	vld [tilespmem:s18+$0x5240]  }
0x24d: {  	[tilespmem:$0x1F670] =	vst v5;
	v5 =	vmul.f32 v24, v19;
	v15 =	vld [tilespmem:$0x1F020];
	v12 =	vmul.f32 v33, v25  }
0x24e: {  	v25 =	vmul.f32 v14, v13;
	v13 =	vld [tilespmem:$0x1F050]  }
0x24f: {  	v5 =	vadd.f32 v12, v5;
	[tilespmem:$0x1F120] =	vst v0;
	v0 =	vld [tilespmem:s18+$0x5610]  }
0x250: {  	v14 =	vld [tilespmem:$0x1F060]  }
0x251: {  	v33 =	vadd.f32 v3, v5;
	v3 =	vld [tilespmem:$0x1F090]  }
0x252: {  	v5 =	vld [tilespmem:$0x1F0A0]  }
0x253: {  	[tilespmem:$0x1F230] =	vst v6;
	v6 =	vld [tilespmem:s18+$0xA240];
	v23 =	vmul.f32 v15, v59;
	v12 =	vmul.f32 v53, v47  }
0x254: {  	[tilespmem:$0x1F130] =	vst v0;
	v0 =	vld [tilespmem:s18+$0xA610]  }
0x255: {  	v12 =	vadd.f32 v23, v12;
	v23 =	vmul.f32 v14, v13;
	v13 =	vld [tilespmem:$0x1F070]  }
0x256: {  	v14 =	vld [tilespmem:$0x1F080]  }
0x257: {  	v3 =	vmul.f32 v5, v3;
	v5 =	vld [tilespmem:$0x1F0B0]  }
0x258: {  	v53 =	vadd.f32 v12, v4;
	v4 =	vld [tilespmem:$0x1F0D0]  }
0x259: {  	[tilespmem:$0x1F140] =	vst v0;
	v0 =	vld [tilespmem:s18+$0x5620]  }
0x25a: {  	v12 =	vld [tilespmem:$0x1F0E0]  }
0x25b: {  	v28 =	vmul.f32 v14, v13;
	v14 =	vld [tilespmem:$0x1F0C0]  }
0x25c: {  	v63 =	vld [tilespmem:s18+$0xA100]  }
0x25d: {  	[tilespmem:$0x1F240] =	vst v6;
	v6 =	vld [tilespmem:s18+$0x5250]  }
0x25e: {  	[tilespmem:$0x1F150] =	vst v0;
	v0 =	vld [tilespmem:s18+$0xA620]  }
0x25f: {  	v4 =	vmul.f32 v12, v4;
	v12 =	vld [tilespmem:$0x1F0F0]  }
0x260: {  	v50 =	vmul.f32 v14, v5;
	v14 =	vld [tilespmem:$0x1F100];
	_ =	sdelay $0x1  }
0x261: {  	[tilespmem:$0x1F250] =	vst v6;
	v6 =	vld [tilespmem:s18+$0xA250]  }
0x262: {  	[tilespmem:$0x1F160] =	vst v0;
	v0 =	vld [tilespmem:s18+$0x5630]  }
0x263: {  	v24 =	vmul.f32 v63, v56  }
0x264: {  	v56 =	vmul.f32 v14, v12  }
0x265: {  	v24 =	vadd.f32 v25, v24  }
0x266: {  	[tilespmem:$0x1F260] =	vst v6;
	v6 =	vld [tilespmem:s18+$0x5260];
	v25 =	vsel vm2, v2, v1;
	v1 =	vadd.f32 v50, v3;
	v2 =	vadd.f32 v56, v4  }
0x267: {  	[tilespmem:$0x1F170] =	vst v0;
	v0 =	vld [tilespmem:s18+$0xA630]  }
0x268: {  	v42 =	vadd.f32 v2, v1;
	v1 =	vld [tilespmem:$0x1F150]  }
0x269: {  	v2 =	vld [tilespmem:$0x1F160];
	_ =	sdelay $0x2  }
0x26a: {  	[tilespmem:$0x1F180] =	vst v0;
	v0 =	vld [tilespmem:s18+$0x5640]  }
0x26b: {  	[tilespmem:$0x1F270] =	vst v6;
	v6 =	vld [tilespmem:s18+$0xA260]  }
0x26c: {  	v59 =	vmul.f32 v2, v1;
	v1 =	vld [tilespmem:$0x1F170]  }
0x26d: {  	v2 =	vld [tilespmem:$0x1F180];
	_ =	sdelay $0x1  }
0x26e: {  	[tilespmem:$0x1F190] =	vst v0;
	v0 =	vld [tilespmem:s18+$0xA640];
	_ =	sdelay $0x1  }
0x26f: {  	[tilespmem:$0x1F280] =	vst v6;
	v6 =	vld [tilespmem:s18+$0x5270]  }
0x270: {  	v63 =	vmul.f32 v2, v1;
	v1 =	vld [tilespmem:s18+$0x55A0];
	_ =	sdelay $0x1  }
0x271: {  	[tilespmem:$0x1F1A0] =	vst v0;
	v0 =	vld [tilespmem:s18+$0x5650];
	_ =	sdelay $0x1  }
0x272: {  	[tilespmem:$0x1F290] =	vst v6;
	v6 =	vld [tilespmem:s18+$0xA270]  }
0x273: {  	[tilespmem:$0x1F6D0] =	vst v1;
	v1 =	vld [tilespmem:$0x1F190]  }
0x274: {  	v2 =	vld [tilespmem:$0x1F1A0]  }
0x275: {  	[tilespmem:$0x1F1B0] =	vst v0;
	v0 =	vld [tilespmem:s18+$0xA650];
	_ =	sdelay $0x2  }
0x276: {  	[tilespmem:$0x1F2A0] =	vst v6;
	v6 =	vld [tilespmem:s18+$0x5680]  }
0x277: {  	v41 =	vmul.f32 v2, v1;
	v1 =	vld [tilespmem:$0x1F1B0]  }
0x278: {  	[tilespmem:$0x1F1C0] =	vst v0;
	v0 =	vld [tilespmem:s18+$0x5660]  }
0x279: {  	v2 =	vld [tilespmem:$0x1F1C0];
	_ =	sdelay $0x2  }
0x27a: {  	[tilespmem:$0x1F2B0] =	vst v6;
	v6 =	vld [tilespmem:s18+$0xA680]  }
0x27b: {  	[tilespmem:$0x1F1D0] =	vst v0;
	v0 =	vld [tilespmem:s18+$0xA660]  }
0x27c: {  	v50 =	vmul.f32 v2, v1;
	v1 =	vld [tilespmem:s18+$0xA5A0];
	_ =	sdelay $0x2  }
0x27d: {  	[tilespmem:$0x1F2C0] =	vst v6;
	v6 =	vld [tilespmem:s18+$0x5690]  }
0x27e: {  	[tilespmem:$0x1F1E0] =	vst v0;
	v0 =	vld [tilespmem:s18+$0x5670]  }
0x27f: {  	[tilespmem:$0x1F6E0] =	vst v1;
	v1 =	vld [tilespmem:$0x1F1D0]  }
0x280: {  	v2 =	vld [tilespmem:$0x1F1E0];
	_ =	sdelay $0x1  }
0x281: {  	[tilespmem:$0x1F2D0] =	vst v6;
	v6 =	vld [tilespmem:s18+$0xA690];
	_ =	sdelay $0x1  }
0x282: {  	[tilespmem:$0x1F1F0] =	vst v0;
	v0 =	vld [tilespmem:s18+$0xA670]  }
0x283: {  	v33 =	vadd.f32 v53, v33;
	v53 =	vmul.f32 v2, v1;
	v1 =	vld [tilespmem:$0x1F1F0];
	_ =	sdelay $0x1  }
0x284: {  	[tilespmem:$0x1F2E0] =	vst v6;
	v6 =	vld [tilespmem:s18+$0x56A0];
	_ =	sdelay $0x2  }
0x285: {  	v56 =	vmul.f32 v0, v1;
	v0 =	vld [tilespmem:s18+$0x55B0];
	_ =	sdelay $0x1  }
0x286: {  	[tilespmem:$0x1F2F0] =	vst v6;
	v6 =	vld [tilespmem:s18+$0xA6A0];
	_ =	sdelay $0x1  }
0x287: {  	v12 =	vld [tilespmem:s18+$0x5580]  }
0x288: {  	[tilespmem:$0x1F6F0] =	vst v0;
	v0 =	vld [tilespmem:s18+$0x55C0];
	_ =	sdelay $0x1  }
0x289: {  	[tilespmem:$0x1F300] =	vst v6;
	v6 =	vld [tilespmem:s18+$0x56B0];
	_ =	sdelay $0x1  }
0x28a: {  	[tilespmem:$0x1F6B0] =	vst v12;
	v12 =	vld [tilespmem:s18+$0xA580]  }
0x28b: {  	[tilespmem:$0x1F700] =	vst v0;
	v0 =	vld [tilespmem:s18+$0xA5C0];
	_ =	sdelay $0x1  }
0x28c: {  	[tilespmem:$0x1F310] =	vst v6;
	v6 =	vld [tilespmem:s18+$0xA6B0]  }
0x28d: {  	v23 =	vadd.f32 v28, v23;
	v28 =	vperm.xlane v25, v58;
	v3 =	vld [tilespmem:$0x1F110]  }
0x28e: {  	[tilespmem:$0x1F6C0] =	vst v12;
	v12 =	vld [tilespmem:$0x1F120]  }
0x28f: {  	[tilespmem:$0x1F710] =	vst v0;
	v0 =	vadd.f32 v28, v25;
	_ =	sdelay $0x1  }
0x290: {  	[tilespmem:$0x1F860] =	vst v0;
	v0 =	vld [tilespmem:s18+$0x55D0]  }
0x291: {  	[tilespmem:$0x1F320] =	vst v6;
	v6 =	vld [tilespmem:s18+$0x56C0]  }
0x292: {  	v23 =	vadd.f32 v23, v24;
	v24 =	vmul.f32 v12, v3;
	v3 =	vld [tilespmem:$0x1F130]  }
0x293: {  	v12 =	vld [tilespmem:$0x1F140]  }
0x294: {  	v57 =	vld [tilespmem:s18+$0x5210]  }
0x295: {  	[tilespmem:$0x1F720] =	vst v0;
	v0 =	vld [tilespmem:$0x1F200];
	_ =	sdelay $0x2  }
0x296: {  	[tilespmem:$0x1F330] =	vst v6;
	v6 =	vld [tilespmem:s18+$0xA6C0];
	v40 =	vmul.f32 v12, v3  }
0x297: {  	v23 =	vadd.f32 v42, v23;
	v1 =	vld [tilespmem:$0x1F220]  }
0x298: {  	v24 =	vadd.f32 v40, v24;
	v59 =	vadd.f32 v63, v59;
	v47 =	vmul.f32 v0, v57;
	v0 =	vld [tilespmem:$0x1F210]  }
0x299: {  	v41 =	vadd.f32 v50, v41;
	v42 =	vadd.f32 v56, v53;
	_ =	sdelay $0x1  }
0x29a: {  	[tilespmem:$0x1F340] =	vst v6;
	v6 =	vld [tilespmem:s18+$0x56D0];
	v24 =	vadd.f32 v59, v24;
	v25 =	vadd.f32 v42, v41;
	_ =	sdelay $0x1  }
0x29b: {  	v19 =	vadd.f32 v25, v24;
	v24 =	vmul.f32 v1, v0;
	v0 =	vld [tilespmem:s18+$0x55E0];
	_ =	sdelay $0x2  }
0x29c: {  	[tilespmem:$0x1F350] =	vst v6;
	v6 =	vld [tilespmem:s18+$0xA6D0]  }
0x29d: {  	v1 =	vld [tilespmem:$0x1F240]  }
0x29e: {  	[tilespmem:$0x1F730] =	vst v0;
	v0 =	vld [tilespmem:$0x1F230];
	_ =	sdelay $0x1  }
0x29f: {  	v48 =	vld [tilespmem:s18+$0x5200]  }
0x2a0: {  	v49 =	vld [tilespmem:s18+$0xA200]  }
0x2a1: {  	[tilespmem:$0x1F360] =	vst v6;
	v6 =	vld [tilespmem:s18+$0x56E0]  }
0x2a2: {  	v25 =	vmul.f32 v1, v0;
	v0 =	vld [tilespmem:$0x1F250]  }
0x2a3: {  	v1 =	vld [tilespmem:$0x1F260];
	_ =	sdelay $0x3  }
0x2a4: {  	[tilespmem:$0x1F370] =	vst v6;
	v6 =	vld [tilespmem:s18+$0xA6E0]  }
0x2a5: {  	v28 =	vmul.f32 v49, v48;
	v49 =	vmul.f32 v1, v0;
	v0 =	vld [tilespmem:$0x1F270]  }
0x2a6: {  	v1 =	vld [tilespmem:$0x1F280];
	_ =	sdelay $0x1  }
0x2a7: {  	v52 =	vld [tilespmem:s18+$0x5220]  }
0x2a8: {  	v61 =	vld [tilespmem:s18+$0xA220]  }
0x2a9: {  	[tilespmem:$0x1F380] =	vst v6;
	v6 =	vld [tilespmem:s18+$0x56F0]  }
0x2aa: {  	v57 =	vmul.f32 v1, v0;
	v0 =	vld [tilespmem:$0x1F290]  }
0x2ab: {  	v1 =	vld [tilespmem:$0x1F2A0];
	_ =	sdelay $0x2  }
0x2ac: {  	v30 =	vld [tilespmem:s18+$0xA000];
	v45 =	vperm.xlane v23, v62  }
0x2ad: {  	[tilespmem:$0x1F390] =	vst v6;
	v6 =	vld [tilespmem:s18+$0x5280]  }
0x2ae: {  	v48 =	vadd.f32 v45, v23;
	v23 =	vmul.f32 v61, v52;
	v61 =	vmul.f32 v1, v0;
	v0 =	vld [tilespmem:$0x1F2B0]  }
0x2af: {  	v1 =	vld [tilespmem:$0x1F2C0];
	_ =	sdelay $0x2  }
0x2b0: {  	[tilespmem:$0x1F490] =	vst v30;
	v30 =	vld [tilespmem:s18+$0x5010]  }
0x2b1: {  	[tilespmem:$0x1F3A0] =	vst v6;
	v6 =	vld [tilespmem:s18+$0xA280]  }
0x2b2: {  	v23 =	vadd.f32 v24, v23;
	v24 =	vadd.f32 v49, v25;
	v25 =	vmul.f32 v1, v0;
	v0 =	vld [tilespmem:$0x1F2D0]  }
0x2b3: {  	v1 =	vld [tilespmem:$0x1F2E0];
	_ =	sdelay $0x2  }
0x2b4: {  	[tilespmem:$0x1F4A0] =	vst v30;
	v30 =	vld [tilespmem:s18+$0xA010];
	v63 =	vperm.xlane v33, v62  }
0x2b5: {  	[tilespmem:$0x1F3B0] =	vst v6;
	v6 =	vld [tilespmem:s18+$0x5290]  }
0x2b6: {  	v50 =	vadd.f32 v63, v33;
	v33 =	vmul.f32 v1, v0;
	v0 =	vld [tilespmem:$0x1F2F0]  }
0x2b7: {  	v1 =	vld [tilespmem:$0x1F300];
	_ =	sdelay $0x2  }
0x2b8: {  	[tilespmem:$0x1F4B0] =	vst v30;
	v30 =	vld [tilespmem:s18+$0x5020]  }
0x2b9: {  	[tilespmem:$0x1F3C0] =	vst v6;
	v6 =	vld [tilespmem:s18+$0xA290]  }
0x2ba: {  	v41 =	vmul.f32 v1, v0;
	v0 =	vld [tilespmem:$0x1F310]  }
0x2bb: {  	v1 =	vld [tilespmem:$0x1F320];
	_ =	sdelay $0x2  }
0x2bc: {  	[tilespmem:$0x1F4C0] =	vst v30;
	v30 =	vld [tilespmem:s18+$0xA020]  }
0x2bd: {  	[tilespmem:$0x1F3D0] =	vst v6;
	v6 =	vld [tilespmem:s18+$0x52A0]  }
0x2be: {  	v63 =	vmul.f32 v1, v0;
	v0 =	vld [tilespmem:$0x1F330]  }
0x2bf: {  	v1 =	vld [tilespmem:$0x1F340]  }
0x2c0: {  	v46 =	vld [tilespmem:s18+$0xA6F0]  }
0x2c1: {  	v55 =	vld [tilespmem:s18+$0xA2F0]  }
0x2c2: {  	[tilespmem:$0x1F4D0] =	vst v30;
	v30 =	vld [tilespmem:s18+$0x5030];
	v28 =	vadd.f32 v47, v28  }
0x2c3: {  	[tilespmem:$0x1F3E0] =	vst v6;
	v6 =	vld [tilespmem:s18+$0xA2A0]  }
0x2c4: {  	v23 =	vadd.f32 v23, v28;
	v28 =	vmul.f32 v1, v0;
	v0 =	vld [tilespmem:$0x1F350]  }
0x2c5: {  	v1 =	vld [tilespmem:$0x1F360]  }
0x2c6: {  	v51 =	vld [tilespmem:s18+$0x5400]  }
0x2c7: {  	v39 =	vld [tilespmem:s18+$0xA400]  }
0x2c8: {  	[tilespmem:$0x1F4E0] =	vst v30;
	v30 =	vld [tilespmem:s18+$0xA030]  }
0x2c9: {  	[tilespmem:$0x1F3F0] =	vst v6;
	v6 =	vld [tilespmem:s18+$0x52B0]  }
0x2ca: {  	v56 =	vmul.f32 v1, v0;
	v0 =	vld [tilespmem:$0x1F370]  }
0x2cb: {  	v1 =	vld [tilespmem:$0x1F380]  }
0x2cc: {  	v35 =	vld [tilespmem:s18+$0x5410]  }
0x2cd: {  	[tilespmem:$0x1F4F0] =	vst v30;
	v30 =	vld [tilespmem:s18+$0x5040]  }
0x2ce: {  	[tilespmem:$0x1F400] =	vst v6;
	v6 =	vld [tilespmem:s18+$0xA2B0]  }
0x2cf: {  	v34 =	vld [tilespmem:s18+$0xA410]  }
0x2d0: {  	v40 =	vadd.f32 v61, v57;
	v57 =	vmul.f32 v1, v0;
	v0 =	vld [tilespmem:$0x1F390]  }
0x2d1: {  	v37 =	vld [tilespmem:s18+$0x5420]  }
0x2d2: {  	[tilespmem:$0x1F500] =	vst v30;
	v30 =	vld [tilespmem:s18+$0xA040]  }
0x2d3: {  	[tilespmem:$0x1F410] =	vst v6;
	v6 =	vld [tilespmem:s18+$0x52C0]  }
0x2d4: {  	v1 =	vld [tilespmem:$0x1F3B0]  }
0x2d5: {  	v61 =	vmul.f32 v46, v0;
	v0 =	vld [tilespmem:$0x1F3A0]  }
0x2d6: {  	v32 =	vld [tilespmem:s18+$0xA420]  }
0x2d7: {  	v31 =	vld [tilespmem:s18+$0x5430]  }
0x2d8: {  	[tilespmem:$0x1F510] =	vst v30;
	v30 =	vld [tilespmem:s18+$0x5050]  }
0x2d9: {  	[tilespmem:$0x1F420] =	vst v6;
	v6 =	vld [tilespmem:s18+$0xA2C0]  }
0x2da: {  	v25 =	vadd.f32 v33, v25;
	v33 =	vmul.f32 v1, v0;
	v0 =	vld [tilespmem:$0x1F3C0]  }
0x2db: {  	v1 =	vld [tilespmem:$0x1F3D0]  }
0x2dc: {  	v18 =	vld [tilespmem:s18+$0xA430]  }
0x2dd: {  	[tilespmem:$0x1F520] =	vst v30;
	v30 =	vld [tilespmem:s18+$0xA050]  }
0x2de: {  	[tilespmem:$0x1F430] =	vst v6;
	v6 =	vld [tilespmem:s18+$0x52D0]  }
0x2df: {  	v2 =	vld [tilespmem:$0x1F3F0]  }
0x2e0: {  	v0 =	vmul.f32 v1, v0;
	v1 =	vld [tilespmem:$0x1F3E0]  }
0x2e1: {  	v26 =	vld [tilespmem:s18+$0x5440]  }
0x2e2: {  	[tilespmem:$0x1F530] =	vst v30;
	v30 =	vld [tilespmem:s18+$0x5060]  }
0x2e3: {  	[tilespmem:$0x1F440] =	vst v6;
	v6 =	vld [tilespmem:s18+$0xA2D0]  }
0x2e4: {  	v28 =	vadd.f32 v56, v28;
	v56 =	vld [tilespmem:$0x1F410]  }
0x2e5: {  	v1 =	vmul.f32 v2, v1;
	v2 =	vld [tilespmem:$0x1F400]  }
0x2e6: {  	v21 =	vld [tilespmem:s18+$0xA440]  }
0x2e7: {  	v10 =	vld [tilespmem:s18+$0x5450]  }
0x2e8: {  	[tilespmem:$0x1F540] =	vst v30;
	v30 =	vld [tilespmem:s18+$0xA060];
	v24 =	vadd.f32 v40, v24  }
0x2e9: {  	[tilespmem:$0x1F450] =	vst v6;
	v6 =	vld [tilespmem:s18+$0x52E0]  }
0x2ea: {  	v40 =	vadd.f32 v61, v57;
	v57 =	vmul.f32 v56, v2;
	v2 =	vadd.f32 v24, v23;
	v23 =	vld [tilespmem:$0x1F420]  }
0x2eb: {  	v24 =	vld [tilespmem:$0x1F430]  }
0x2ec: {  	v8 =	vld [tilespmem:s18+$0xA450]  }
0x2ed: {  	[tilespmem:$0x1F550] =	vst v30;
	v30 =	vld [tilespmem:s18+$0x5070];
	v63 =	vadd.f32 v63, v41  }
0x2ee: {  	[tilespmem:$0x1F460] =	vst v6;
	v6 =	vld [tilespmem:s18+$0xA2E0]  }
0x2ef: {  	v25 =	vadd.f32 v63, v25;
	v63 =	vld [tilespmem:$0x1F450]  }
0x2f0: {  	v23 =	vmul.f32 v24, v23;
	v24 =	vld [tilespmem:$0x1F440]  }
0x2f1: {  	v11 =	vld [tilespmem:s18+$0x5460]  }
0x2f2: {  	v9 =	vld [tilespmem:s18+$0xA460]  }
0x2f3: {  	[tilespmem:$0x1F560] =	vst v30;
	v30 =	vld [tilespmem:s18+$0xA070];
	v28 =	vadd.f32 v40, v28  }
0x2f4: {  	[tilespmem:$0x1F470] =	vst v6;
	v6 =	vld [tilespmem:s18+$0x52F0]  }
0x2f5: {  	v24 =	vmul.f32 v63, v24;
	v63 =	vadd.f32 v28, v25;
	v25 =	vld [tilespmem:$0x1F460]  }
0x2f6: {  	v28 =	vld [tilespmem:$0x1F470]  }
0x2f7: {  	v7 =	vld [tilespmem:s18+$0x5470]  }
0x2f8: {  	[tilespmem:$0x1F570] =	vst v30;
	v30 =	vld [tilespmem:s18+$0x5480]  }
0x2f9: {  	[tilespmem:$0x1F480] =	vst v6;
	v6 =	vld [tilespmem:s18+$0xA470]  }
0x2fa: {  	v60 =	vld [tilespmem:s18+$0x5000];
	v39 =	vmul.f32 v39, v51  }
0x2fb: {  	v34 =	vmul.f32 v34, v35;
	v25 =	vmul.f32 v28, v25;
	v28 =	vld [tilespmem:$0x1F480]  }
0x2fc: {  	v36 =	vld [tilespmem:s18+$0xA4D0];
	v32 =	vmul.f32 v32, v37;
	v18 =	vmul.f32 v18, v31  }
0x2fd: {  	v51 =	vld [tilespmem:s18+$0x51D0];
	v21 =	vmul.f32 v21, v26;
	v8 =	vmul.f32 v8, v10  }
0x2fe: {  	v9 =	vmul.f32 v9, v11;
	[tilespmem:$0x1F580] =	vst v30;
	v30 =	vld [tilespmem:s18+$0xA480];
	v6 =	vmul.f32 v6, v7  }
0x2ff: {  	v26 =	vld [tilespmem:s18+$0x5390];
	v11 =	vadd.f32 v34, v39;
	v18 =	vadd.f32 v18, v32  }
0x300: {  	v31 =	vld [tilespmem:s18+$0x53A0];
	v8 =	vadd.f32 v8, v21;
	v6 =	vadd.f32 v6, v9;
	v28 =	vmul.f32 v55, v28  }
0x301: {  	v21 =	vld [tilespmem:s18+$0xA380];
	v0 =	vadd.f32 v0, v33;
	v1 =	vadd.f32 v57, v1  }
0x302: {  	v32 =	vld [tilespmem:s18+$0xA390];
	v10 =	vadd.f32 v24, v23;
	v7 =	vadd.f32 v28, v25  }
0x303: {  	[tilespmem:$0x1F590] =	vst v30;
	v30 =	vld [tilespmem:s18+$0x5490];
	v6 =	vadd.f32 v6, v8;
	v0 =	vadd.f32 v1, v0  }
0x304: {  	v39 =	vld [tilespmem:s18+$0xA3A0];
	v1 =	vadd.f32 v7, v10;
	v7 =	vadd.f32 v18, v11  }
0x305: {  	v34 =	vld [tilespmem:s18+$0x53C0]  }
0x306: {  	v11 =	vadd.f32 v6, v7;
	v6 =	vld [tilespmem:$0x1F490]  }
0x307: {  	v38 =	vld [tilespmem:s18+$0xA4E0];
	v9 =	vsel vm2, v50, v48  }
0x308: {  	[tilespmem:$0x1F5A0] =	vst v30;
	v30 =	vld [tilespmem:s18+$0xA490];
	v10 =	vperm.xlane v9, v58  }
0x309: {  	v29 =	vld [tilespmem:s18+$0xA4F0];
	v0 =	vadd.f32 v1, v0;
	v1 =	vperm.xlane v19, v62  }
0x30a: {  	v57 =	vadd.f32 v10, v9;
	v9 =	vld [tilespmem:$0x1F4B0]  }
0x30b: {  	v8 =	vadd.f32 v1, v19;
	v19 =	vmul.f32 v6, v60;
	v6 =	vld [tilespmem:$0x1F4A0]  }
0x30c: {  	v27 =	vld [tilespmem:s18+$0x50B0]  }
0x30d: {  	[tilespmem:$0x1F5B0] =	vst v30;
	v30 =	vld [tilespmem:s18+$0x54A0]  }
0x30e: {  	v20 =	vld [tilespmem:s18+$0x50D0];
	v1 =	vperm.xlane v0, v62  }
0x30f: {  	v22 =	vld [tilespmem:s18+$0xA0B0]  }
0x310: {  	v56 =	vmul.f32 v9, v6;
	v9 =	vadd.f32 v1, v0;
	v0 =	vld [tilespmem:$0x1F4C0]  }
0x311: {  	v1 =	vld [tilespmem:$0x1F4D0]  }
0x312: {  	[tilespmem:$0x1F5C0] =	vst v30;
	v30 =	vld [tilespmem:s18+$0xA4A0]  }
0x313: {  	v54 =	vld [tilespmem:s18+$0xA090]  }
0x314: {  	v17 =	vld [tilespmem:s18+$0xA0D0]  }
0x315: {  	v6 =	vld [tilespmem:$0x1F4F0]  }
0x316: {  	v7 =	vperm.xlane v2, v62;
	v0 =	vmul.f32 v1, v0;
	v1 =	vld [tilespmem:$0x1F4E0]  }
0x317: {  	[tilespmem:$0x1F5D0] =	vst v30;
	v30 =	vld [tilespmem:s18+$0x54B0]  }
0x318: {  	v15 =	vld [tilespmem:s18+$0xA0E0];
	v10 =	vadd.f32 v7, v2;
	v2 =	vperm.xlane v11, v62  }
0x319: {  	v16 =	vld [tilespmem:s18+$0x50E0]  }
0x31a: {  	v11 =	vadd.f32 v2, v11;
	v2 =	vld [tilespmem:$0x1F500]  }
0x31b: {  	v1 =	vmul.f32 v6, v1;
	v6 =	vld [tilespmem:$0x1F510]  }
0x31c: {  	[tilespmem:$0x1F5E0] =	vst v30;
	v30 =	vld [tilespmem:s18+$0xA4B0]  }
0x31d: {  	v43 =	vld [tilespmem:s18+$0x51B0]  }
0x31e: {  	v13 =	vld [tilespmem:s18+$0x50F0]  }
0x31f: {  	v60 =	vld [tilespmem:$0x1F530]  }
0x320: {  	v2 =	vmul.f32 v6, v2;
	v6 =	vld [tilespmem:$0x1F520]  }
0x321: {  	[tilespmem:$0x1F5F0] =	vst v30;
	v30 =	vld [tilespmem:s18+$0x54C0]  }
0x322: {  	v5 =	vld [tilespmem:s18+$0xA0F0]  }
0x323: {  	v44 =	vld [tilespmem:s18+$0xA190]  }
0x324: {  	v61 =	vld [tilespmem:$0x1F550]  }
0x325: {  	v35 =	vmul.f32 v60, v6;
	v6 =	vld [tilespmem:$0x1F540]  }
0x326: {  	[tilespmem:$0x1F600] =	vst v30;
	v30 =	vld [tilespmem:s18+$0x54F0]  }
0x327: {  	v13 =	vmul.f32 v5, v13;
	v5 =	vld [tilespmem:s18+$0x4F90];
	v50 =	vperm.xlane v63, v62  }
0x328: {  	v14 =	vld [tilespmem:s18+$0xA5D0]  }
0x329: {  	v7 =	vadd.f32 v50, v63;
	v63 =	vld [tilespmem:$0x1F570]  }
0x32a: {  	v37 =	vmul.f32 v61, v6;
	v6 =	vld [tilespmem:$0x1F560]  }
0x32b: {  	v4 =	vld [tilespmem:s18+$0x5590]  }
0x32c: {  	v3 =	vld [tilespmem:s18+$0xA590]  }
0x32d: {  	v12 =	vld [tilespmem:s18+$0xA5B0]  }
0x32e: {  	v0 =	vadd.f32 v1, v0;
	v1 =	vadd.f32 v35, v2;
	v2 =	vld [tilespmem:$0x1F580]  }
0x32f: {  	v19 =	vadd.f32 v56, v19;
	v56 =	vmul.f32 v63, v6;
	v6 =	vld [tilespmem:$0x1F590]  }
0x330: {  	v59 =	vld [tilespmem:s18+$0xA5E0]  }
0x331: {  	v53 =	vld [tilespmem:s18+$0xA5F0]  }
0x332: {  	v52 =	vld [tilespmem:s18+$0x55F0]  }
0x333: {  	v63 =	vld [tilespmem:$0x1F5B0]  }
0x334: {  	v2 =	vmul.f32 v6, v2;
	v6 =	vld [tilespmem:$0x1F5A0]  }
0x335: {  	v45 =	vld [tilespmem:s18+$0x51A0]  }
0x336: {  	v42 =	vld [tilespmem:s18+$0xA1A0]  }
0x337: {  	v48 =	vld [tilespmem:s18+$0x53B0]  }
0x338: {  	v61 =	vadd.f32 v56, v37;
	v56 =	vld [tilespmem:$0x1F5D0]  }
0x339: {  	v63 =	vmul.f32 v63, v6;
	v6 =	vld [tilespmem:$0x1F5C0]  }
0x33a: {  	v47 =	vld [tilespmem:s18+$0x5180]  }
0x33b: {  	v49 =	vld [tilespmem:s18+$0xA180]  }
0x33c: {  	v41 =	vld [tilespmem:s18+$0xA1B0]  }
0x33d: {  	v0 =	vadd.f32 v0, v19;
	v19 =	vld [tilespmem:$0x1F600]  }
0x33e: {  	v6 =	vmul.f32 v56, v6;
	v56 =	vld [tilespmem:$0x1F610]  }
0x33f: {  	v60 =	vld [tilespmem:$0x1F5F0]  }
0x340: {  	v37 =	vld [tilespmem:$0x1F5E0]  }
0x341: {  	v43 =	vmul.f32 v41, v43;
	v41 =	vld [tilespmem:s18+$0x4FD0]  }
0x342: {  	v1 =	vadd.f32 v61, v1;
	v61 =	vld [tilespmem:$0x1F630]  }
0x343: {  	v19 =	vmul.f32 v56, v19;
	v56 =	vld [tilespmem:$0x1F620]  }
0x344: {  	v46 =	vld [tilespmem:s18+$0x5190]  }
0x345: {  	v40 =	vld [tilespmem:s18+$0x51C0];
	v60 =	vmul.f32 v60, v37  }
0x346: {  	v33 =	vld [tilespmem:s18+$0xA1C0]  }
0x347: {  	v24 =	vld [tilespmem:s18+$0x51F0];
	v38 =	vmul.f32 v38, v61;
	v2 =	vadd.f32 v63, v2;
	v6 =	vadd.f32 v60, v6  }
0x348: {  	v23 =	vld [tilespmem:s18+$0xA1F0];
	v61 =	vmul.f32 v29, v30;
	v56 =	vmul.f32 v36, v56  }
0x349: {  	v60 =	vld [tilespmem:$0x1F650];
	v2 =	vadd.f32 v6, v2  }
0x34a: {  	v6 =	vld [tilespmem:$0x1F640];
	v19 =	vadd.f32 v56, v19;
	v56 =	vadd.f32 v61, v38  }
0x34b: {  	v61 =	vld [tilespmem:$0x1F680]  }
0x34c: {  	v19 =	vadd.f32 v56, v19;
	v56 =	vld [tilespmem:$0x1F670]  }
0x34d: {  	v46 =	vmul.f32 v44, v46;
	v44 =	vld [tilespmem:s18+$0x9FC0]  }
0x34e: {  	v40 =	vmul.f32 v33, v40;
	v33 =	vld [tilespmem:s18+$0x9FD0]  }
0x34f: {  	v24 =	vmul.f32 v23, v24;
	v23 =	vld [tilespmem:s18+$0x4FE0]  }
0x350: {  	v6 =	vmul.f32 v60, v6;
	v60 =	vld [tilespmem:$0x1F660]  }
0x351: {  	v56 =	vmul.f32 v61, v56;
	v61 =	vmul.f32 v22, v27;
	v22 =	vadd.f32 v1, v0;
	v0 =	vld [tilespmem:$0x1F690]  }
0x352: {  	v1 =	vld [tilespmem:$0x1F6A0]  }
0x353: {  	v55 =	vld [tilespmem:s18+$0xA1D0]  }
0x354: {  	v28 =	vld [tilespmem:s18+$0x51E0]  }
0x355: {  	v25 =	vld [tilespmem:s18+$0xA1E0]  }
0x356: {  	v18 =	vld [tilespmem:s18+$0x5380]  }
0x357: {  	v50 =	vld [tilespmem:s18+$0xA3B0];
	v60 =	vmul.f32 v54, v60;
	v0 =	vmul.f32 v1, v0  }
0x358: {  	v35 =	vld [tilespmem:s18+$0xA3C0];
	v1 =	vmul.f32 v17, v20;
	v17 =	vadd.f32 v19, v2;
	v2 =	vmul.f32 v15, v16  }
0x359: {  	v37 =	vld [tilespmem:s18+$0x53D0];
	v6 =	vadd.f32 v60, v6;
	v19 =	vadd.f32 v61, v56  }
0x35a: {  	v0 =	vadd.f32 v1, v0;
	v1 =	vadd.f32 v13, v2;
	v2 =	vld [tilespmem:$0x1F6B0]  }
0x35b: {  	v13 =	vadd.f32 v19, v6;
	v6 =	vld [tilespmem:$0x1F6C0]  }
0x35c: {  	v29 =	vld [tilespmem:s18+$0x53E0]  }
0x35d: {  	v30 =	vld [tilespmem:s18+$0xA3E0]  }
0x35e: {  	v63 =	vld [tilespmem:$0x1F720]  }
0x35f: {  	v36 =	vld [tilespmem:s18+$0xA3D0]  }
0x360: {  	v2 =	vmul.f32 v6, v2;
	v6 =	vmul.f32 v3, v4;
	v3 =	vadd.f32 v1, v0;
	v0 =	vld [tilespmem:$0x1F6D0]  }
0x361: {  	v1 =	vld [tilespmem:$0x1F6E0]  }
0x362: {  	v38 =	vld [tilespmem:s18+$0x53F0]  }
0x363: {  	v61 =	vld [tilespmem:$0x1F710]  }
0x364: {  	v19 =	vld [tilespmem:$0x1F700]  }
0x365: {  	v2 =	vadd.f32 v6, v2;
	v6 =	vld [tilespmem:$0x1F730]  }
0x366: {  	v0 =	vmul.f32 v1, v0;
	v1 =	vld [tilespmem:$0x1F6F0]  }
0x367: {  	v54 =	vld [tilespmem:s18+$0xA3F0]  }
0x368: {  	v27 =	vld [tilespmem:s18+$0x4F80]  }
0x369: {  	v52 =	vmul.f32 v53, v52;
	v20 =	vld [tilespmem:s18+$0x9F80]  }
0x36a: {  	p0 =	seq.s32 s20, $0x4;
	v15 =	vld [tilespmem:s18+$0x9F90];
	v56 =	vmul.f32 v14, v63;
	v19 =	vmul.f32 v61, v19  }
.Ltmp0:
0x36b: {  	v16 =	vld [tilespmem:s18+$0x4FA0];
	v6 =	vmul.f32 v59, v6;
	v1 =	vmul.f32 v12, v1;
	(pc) =	sbr.rel @!p0 .LBB2_4-.Ltmp0, $4  }
0x36c: {  	v14 =	vld [tilespmem:s18+$0x9FB0];
	v19 =	vadd.f32 v56, v19  }
0x36d: {  	v42 =	vmul.f32 v42, v45;
	v4 =	vld [tilespmem:s18+$0x9FA0];
	v6 =	vadd.f32 v52, v6;
	v0 =	vadd.f32 v1, v0  }
0x36e: {  	v49 =	vmul.f32 v49, v47;
	v45 =	vmul.f32 v55, v51;
	v59 =	vld [tilespmem:s18+$0x4FC0]  }
0x36f: {  	s20 =	sadd.s32 $0x1, s20;
	s19 =	smov.u32 s21;
	v25 =	vmul.f32 v25, v28;
	v12 =	vld [tilespmem:s18+$0x4FB0];
	v1 =	vadd.f32 v0, v2;
	v2 =	vadd.f32 v6, v19  }
0x370: {  	v6 =	vmul.f32 v21, v18  }
0x371: {  	v47 =	vmul.f32 v32, v26;
	v19 =	vld [tilespmem:s18+$0x9FE0];
	v51 =	vmul.f32 v39, v31  }
0x372: {  	v0 =	vadd.f32 v46, v49;
	v28 =	vmul.f32 v50, v48;
	v52 =	vld [tilespmem:s18+$0x4FF0];
	v34 =	vmul.f32 v35, v34  }
0x373: {  	v49 =	vadd.f32 v43, v42;
	v55 =	vmul.f32 v36, v37;
	v56 =	vld [tilespmem:s18+$0x9FF0];
	v60 =	vmul.f32 v30, v29  }
0x374: {  	v53 =	vadd.f32 v45, v40;
	v61 =	vmul.f32 v54, v38;
	v63 =	vmul.f32 v20, v27  }
0x375: {  	v5 =	vmul.f32 v15, v5;
	v35 =	vmul.f32 v33, v41;
	v24 =	vadd.f32 v24, v25  }
0x376: {  	v6 =	vadd.f32 v47, v6;
	v28 =	vadd.f32 v28, v51;
	v4 =	vmul.f32 v4, v16  }
0x377: {  	v30 =	vadd.f32 v55, v34;
	v34 =	vmul.f32 v44, v59;
	v12 =	vmul.f32 v14, v12  }
0x378: {  	v25 =	vadd.f32 v61, v60;
	v19 =	vmul.f32 v19, v23;
	v36 =	vmul.f32 v56, v52  }
0x379: {  	v5 =	vadd.f32 v5, v63;
	v37 =	vadd.f32 v35, v34  }
0x37a: {  	v4 =	vadd.f32 v12, v4;
	v38 =	vadd.f32 v36, v19  }
0x37b: {  	v6 =	vadd.f32 v28, v6;
	v14 =	vadd.f32 v25, v30  }
0x37c: {  	v4 =	vadd.f32 v4, v5;
	v39 =	vadd.f32 v38, v37  }
0x37d: {  	v0 =	vadd.f32 v49, v0;
	v40 =	vadd.f32 v24, v53  }
0x37e: {  	v41 =	vperm.xlane v22, v62;
	v6 =	vadd.f32 v14, v6;
	v4 =	vadd.f32 v39, v4  }
0x37f: {  	v3 =	vadd.f32 v3, v13;
	v42 =	vperm.xlane v17, v62;
	v1 =	vadd.f32 v2, v1  }
0x380: {  	v0 =	vadd.f32 v40, v0;
	v43 =	vperm.xlane v6, v62;
	v44 =	vperm.xlane v4, v62  }
0x381: {  	v45 =	vperm.xlane v3, v62;
	v2 =	vadd.f32 v42, v17;
	v46 =	vperm.xlane v1, v62  }
0x382: {  	v47 =	vperm.xlane v0, v62;
	v6 =	vadd.f32 v43, v6;
	v4 =	vadd.f32 v44, v4  }
0x383: {  	v8 =	vsel vm2, v8, v10;
	v3 =	vadd.f32 v45, v3;
	v1 =	vadd.f32 v46, v1  }
0x384: {  	v5 =	vadd.f32 v41, v22;
	v0 =	vadd.f32 v47, v0;
	v4 =	vsel vm2, v6, v4  }
0x385: {  	v48 =	vsel vm2, v7, v9;
	v2 =	vsel vm2, v2, v3;
	v49 =	vperm.xlane v4, v58  }
0x386: {  	v3 =	vperm.xlane v2, v58;
	v5 =	vsel vm2, v11, v5;
	v0 =	vsel vm2, v1, v0  }
0x387: {  	v56 =	vld [tilespmem:$0x1FFE0];
	v50 =	vperm.xlane v5, v58;
	v51 =	vperm.xlane v0, v58;
	v4 =	vadd.f32 v49, v4  }
0x388: {  	v53 =	vperm.xlane v48, v58;
	v52 =	vperm.xlane v8, v58;
	v2 =	vadd.f32 v3, v2  }
0x389: {  	v1 =	vadd.f32 v50, v5;
	v0 =	vadd.f32 v51, v0;
	v54 =	vperm.xlane v4, v58  }
0x38a: {  	v55 =	vperm.xlane v57, v58;
	v57 =	vld [tilespmem:$0x1F860];
	v2 =	vperm.xlane v2, v58;
	v5 =	vadd.f32 v53, v48  }
0x38b: {  	v7 =	vadd.f32 v52, v8;
	v1 =	vperm.xlane v1, v58;
	v0 =	vsel vm0, v0, v54  }
0x38c: {  	v2 =	vsel vm0, v5, v2;
	v3 =	vperm.xlane v0, v56  }
0x38d: {  	v59 =	vperm.xlane v2, v56;
	v1 =	vsel vm0, v7, v1  }
0x38e: {  	v61 =	vld [tilespmem:$0x1FFF0];
	v58 =	vperm.xlane v1, v56;
	v0 =	vadd.f32 v3, v0  }
0x38f: {  	v2 =	vadd.f32 v59, v2;
	v4 =	vsel vm0, v57, v55  }
0x390: {  	v60 =	vperm.xlane v4, v56;
	v1 =	vadd.f32 v58, v1;
	v0 =	vperm.xlane v0, v56;
	_ =	sdelay $0x1  }
0x391: {  	v63 =	vld [tilespmem:$0x1FFC0];
	v1 =	vperm.xlane v1, v56;
	v3 =	vadd.f32 v60, v4;
	v0 =	vsel vm1, v2, v0  }
0x392: {  	v2 =	vperm.xlane v0, v61  }
0x393: {  	v1 =	vsel vm1, v3, v1  }
0x394: {  	v3 =	vperm.xlane v1, v61;
	v0 =	vadd.f32 v2, v0;
	_ =	sdelay $0x1  }
0x395: {  	v1 =	vadd.f32 v3, v1;
	v0 =	vperm.xlane v0, v61;
	_ =	sdelay $0x1  }
0x396: {  	v0 =	vsel vm3, v1, v0  }
0x397: {  	[tilespmem:v63+s19+$0x0 ss:$0x1] =	vst.idx.msk $0xffff, v0  }
0x398: {  	p0 =	seq.s32 s16, $0x7D  }
.Ltmp1:
0x399: {  	_ = 	snop;
	(pc) =	sbr.rel @!p0 .LBB2_3-.Ltmp1, $1  }
0x39a: {  	_ =	sdelay $0x3  }
0x39b: {  	_ =	swait.ge [sflag:s13], $0x2800  }
0x39c: {  	[sflag:s13] =	ssyncset.done $0x0  }
0x39d: {  	[sflag:s13] =	ssyncadd.s32 $0xFFFFD800  }
0x39e: {  	s15 =	sadd.s32 $0x1, s15;
	_ =	swait.ge [sflag:s13], $0x2800  }
0x39f: {  	p0 =	sne.s32 s15, s7;
	[sflag:s13] =	ssyncset.done $0x0  }
.Ltmp2:
0x3a0: {  	[sflag:s13] =	ssyncadd.s32 $0xFFFFD800;
	(pc) =	sbr.rel @p0 .LBB2_1-.Ltmp2, $4  }
0x3a1: {  	[hbm4b:s6+s3] =	stream.linear.scatter [tilespmem:s14], [sflag:$0x3], $0x2710, $0x38;
	[tilespmem:$0x11680] =	vst v63  }
0x3a2: {  	_ =	swait.ge [sflag:s8], $0x2710  }
0x3a3: {  	[sflag:s8] =	ssyncset.done $0x0  }
0x3a4: {  	[sflag:s8] =	ssyncadd.s32 $0xFFFFD8F0  }
0x3a5: {  	_ =	sfence.sel $0x180000  }
0x3a6: {  	[bflag:$0x0] =	sbarrier.arrive $0xFFFF  }
0x3a7: {  	p0 =	sne.s32 s0, $0x0;
	_ =	strace $0x90000047  }
0x3a8: {  	s0 =	sadd.s32 @!p0 $0x100000, s2;
	[bflag:$0x2] =	sbarrier.arrive $0xFFFF  }
0x3a9: {  	[sflag:s0] =	ssyncadd.tile.s32 @!p0 $0x1;
	_ =	shalt  }
.Lfunc_end2:
_tile_overlayer_lowered:
.L_overlay_start_2:
0x3aa: {  	(tag) =	ssettag $0x2  }
0x3ab: {  	s0 =	rddreg [dreg:$0x0];
	s2 =	stileid.u32  }
0x3ac: {  	s1 =	rddreg [dreg:$0x1];
	p0 =	sne.s32 s2, $0x0  }
0x3ad: {  	s3 =	rddreg [dreg:$0x2];
	[bflag:$0x3] =	sbarrier.arrive $0xFFFF;
	s2 =	simm.s32 @!p0 $0x1C03  }
0x3ae: {  	[timem:s3], [sflag:s2] =	dma.local @!p0 [hbm:s0], s1  }
0x3af: {  	s0 =	simm.s32 @!p0 $0x3  }
0x3b0: {  	_ =	swait.ge @!p0 [sflag:s0], s1  }
0x3b1: {  	s1 =	ssub.s32 @!p0 $0x0, s1;
	[sflag:s0] =	ssyncset.done @!p0 $0x0  }
0x3b2: {  	[sflag:s0] =	ssyncadd.s32 @!p0 s1  }
0x3b3: {  	[bflag:$0x3] =	sbarrier.arrive $0xFFFF  }
0x3b4: {  	_ =	shalt  }

</sc_bundles>
